<compile_context>
chip_gen: v7x
topology: tpu7x:2x2x1
jax: 0.10.2.dev20260603
libtpu: 0.0.44.dev20260713+nightly
codegen_flags: <defaults>
</compile_context>

<pallas_src>
import functools

import jax
import jax.numpy as jnp
from jax import lax
from jax.experimental import pallas as pl
from jax.experimental.pallas import tpu as pltpu
from jax.experimental.pallas import tpu_sc as plsc

N_NODES = 10000
D_FEAT = 128
N_SAMPLE = 5000
RADIUS2 = 0.2 * 0.2
K_NBR = 64
NEG_BIG = -1e30

FPS_R, FPS_C = 8, 1280
N_PAD = FPS_R * FPS_C

NC, NS = 2, 16
NW = NC * NS
Q_PAD = 5120
QPW = Q_PAD // NW
CAP = N_PAD
SENTINEL = N_NODES
LANES = 16

N_SLAB = 64
MARGIN = 0.27


def _fps_body(px_ref, py_ref, pz_ref, pxs_ref, pys_ref, pzs_ref, idx_ref):
    px = px_ref[...]
    py = py_ref[...]
    pz = pz_ref[...]
    idx_map = (lax.broadcasted_iota(jnp.int32, (FPS_R, FPS_C), 0) * FPS_C
               + lax.broadcasted_iota(jnp.int32, (FPS_R, FPS_C), 1))
    idx_ref[0] = jnp.int32(0)
    dists0 = jnp.full((FPS_R, FPS_C), jnp.inf, dtype=jnp.float32)

    def body(i, carry):
        dists, cx, cy, cz = carry
        dx = px - cx
        dy = py - cy
        dz = pz - cz
        d = (dx * dx + dz * dz) + dy * dy
        dists = jnp.minimum(dists, d)
        m = jnp.max(dists)
        sel = jnp.where(dists == m, idx_map, jnp.int32(N_PAD))
        nxt = jnp.min(sel)
        idx_ref[i] = nxt
        return dists, pxs_ref[nxt], pys_ref[nxt], pzs_ref[nxt]

    lax.fori_loop(1, N_SAMPLE, body,
                  (dists0, pxs_ref[0], pys_ref[0], pzs_ref[0]))


def _run_fps(px, py, pz):
    return pl.pallas_call(
        _fps_body,
        out_shape=jax.ShapeDtypeStruct((N_SAMPLE,), jnp.int32),
        in_specs=[pl.BlockSpec(memory_space=pltpu.VMEM)] * 3
        + [pl.BlockSpec(memory_space=pltpu.SMEM)] * 3,
        out_specs=pl.BlockSpec(memory_space=pltpu.SMEM),
    )(px, py, pz, px.reshape(-1), py.reshape(-1), pz.reshape(-1))


def _round_bf16(v):
    u = lax.bitcast_convert_type(v, jnp.uint32)
    u = u + jnp.uint32(0x7FFF) + ((u >> 16) & jnp.uint32(1))
    return lax.bitcast_convert_type(u & jnp.uint32(0xFFFF0000), jnp.float32)


def _topk_body(posx, posy, posz, sid, slab, qx, qy, qz, cols_hbm,
               pxv, pyv, pzv, nnv, sidv, slabv, qxv, qyv, qzv,
               d2v, idv, cmv, colsv):
    wid = lax.axis_index("s") * NC + lax.axis_index("c")
    base = wid * QPW
    pltpu.sync_copy(posx, pxv)
    pltpu.sync_copy(posy, pyv)
    pltpu.sync_copy(posz, pzv)
    pltpu.sync_copy(sid, sidv)
    pltpu.sync_copy(slab, slabv)
    pltpu.sync_copy(qx.at[pl.ds(base, QPW)], qxv.at[pl.ds(0, QPW)])
    pltpu.sync_copy(qy.at[pl.ds(base, QPW)], qyv.at[pl.ds(0, QPW)])
    pltpu.sync_copy(qz.at[pl.ds(base, QPW)], qzv.at[pl.ds(0, QPW)])

    iota16 = lax.iota(jnp.int32, LANES)
    inf16 = jnp.full((LANES,), jnp.inf, dtype=jnp.float32)

    def prep(k, _):
        p0 = pxv[pl.ds(k * LANES, LANES)]
        p1 = pyv[pl.ds(k * LANES, LANES)]
        p2 = pzv[pl.ds(k * LANES, LANES)]
        nnv[pl.ds(k * LANES, LANES)] = (p0 * p0 + p2 * p2) + p1 * p1
        pxv[pl.ds(k * LANES, LANES)] = 2.0 * _round_bf16(p0)
        pyv[pl.ds(k * LANES, LANES)] = 2.0 * _round_bf16(p1)
        pzv[pl.ds(k * LANES, LANES)] = 2.0 * _round_bf16(p2)
        return _

    lax.fori_loop(0, N_PAD // LANES, prep, None)

    CAPC = CAP // LANES

    def per_query(qi, prev_used):
        qxs = qxv[pl.ds(qi, LANES)][0]
        qys = qyv[pl.ds(qi, LANES)][0]
        qzs = qzv[pl.ds(qi, LANES)][0]
        qq = (qxs * qxs + qzs * qzs) + qys * qys
        qbx = _round_bf16(qxs)
        qby = _round_bf16(qys)
        qbz = _round_bf16(qzs)

        def fill(k, __):
            d2v[pl.ds(k * LANES, LANES)] = inf16
            return __
        lax.fori_loop(0, prev_used, fill, None)

        slo = jnp.clip((qxs - MARGIN) * N_SLAB, 0.0, N_SLAB - 1).astype(jnp.int32)
        shi = jnp.clip((qxs + MARGIN) * N_SLAB, 0.0, N_SLAB - 1).astype(jnp.int32)
        c0 = slabv[pl.ds(slo, LANES)][0] // LANES
        c1 = (slabv[pl.ds(shi + 1, LANES)][0] + LANES - 1) // LANES

        def scan_chunk(v, off):
            p0 = pxv[pl.ds(v * LANES, LANES)]
            p1 = pyv[pl.ds(v * LANES, LANES)]
            p2 = pzv[pl.ds(v * LANES, LANES)]
            nn = nnv[pl.ds(v * LANES, LANES)]
            mm2 = (qbx * p0 + qbz * p2) + qby * p1
            d2 = (qq + nn) - mm2
            msk = d2 <= RADIUS2
            plsc.store_compressed(d2v.at[pl.ds(off, LANES)], d2, mask=msk)
            plsc.store_compressed(
                idv.at[pl.ds(off, LANES)], iota16 + v * LANES, mask=msk)
            return off + jnp.sum(msk.astype(jnp.int32))

        off = lax.fori_loop(c0, c1, scan_chunk, jnp.int32(0))
        nchunks = jnp.maximum((off + LANES - 1) // LANES, 1)
        ngrp = (nchunks + LANES - 1) // LANES

        def cfill(g, __):
            cmv[pl.ds(g * LANES, LANES)] = inf16
            return __
        lax.fori_loop(0, ngrp, cfill, None)

        def cbuild(k, __):
            v = d2v[pl.ds(k * LANES, LANES)]
            g = k // LANES
            lane = k - g * LANES
            cur = cmv[pl.ds(g * LANES, LANES)]
            cmv[pl.ds(g * LANES, LANES)] = jnp.where(
                iota16 == lane, jnp.min(v), cur)
            return __
        lax.fori_loop(0, nchunks, cbuild, None)

        def extract_block(tb, _):
            def extract(te, acc):
                def p1(g, mv):
                    return jnp.minimum(mv, cmv[pl.ds(g * LANES, LANES)])
                mv = lax.fori_loop(0, ngrp, p1, inf16)
                gmin = jnp.min(mv)

                def p2(g, pv):
                    v = cmv[pl.ds(g * LANES, LANES)]
                    cand = jnp.where(v == gmin, g * LANES + iota16,
                                     jnp.int32(CAPC + LANES))
                    return jnp.minimum(pv, cand)
                kc = jnp.min(lax.fori_loop(0, ngrp, p2,
                                           jnp.full((LANES,), CAPC + LANES,
                                                    dtype=jnp.int32)))
                vcur = d2v[pl.ds(kc * LANES, LANES)]
                lane = jnp.min(jnp.where(vcur == gmin, iota16,
                                         jnp.int32(LANES)))
                vnew = jnp.where(iota16 == lane, jnp.inf, vcur)
                d2v[pl.ds(kc * LANES, LANES)] = vnew
                g = kc // LANES
                glane = kc - g * LANES
                gcur = cmv[pl.ds(g * LANES, LANES)]
                cmv[pl.ds(g * LANES, LANES)] = jnp.where(
                    iota16 == glane, jnp.min(vnew), gcur)
                spos = jnp.sum(jnp.where(iota16 == lane,
                                         idv[pl.ds(kc * LANES, LANES)], 0))
                sc = spos // LANES
                sl = spos - sc * LANES
                colv = jnp.sum(jnp.where(iota16 == sl,
                                         sidv[pl.ds(sc * LANES, LANES)], 0))
                col = jnp.where(gmin <= RADIUS2, colv, jnp.int32(SENTINEL))
                return jnp.where(iota16 == te, col, acc)

            accv = lax.fori_loop(0, LANES, extract,
                                 jnp.zeros((LANES,), dtype=jnp.int32))
            colsv[qi, pl.ds(tb * LANES, LANES)] = accv
            return _

        lax.fori_loop(0, K_NBR // LANES, extract_block, None)
        return nchunks

    lax.fori_loop(0, QPW, per_query, jnp.int32(CAPC))
    pltpu.sync_copy(colsv, cols_hbm.at[pl.ds(base, QPW)])


def _run_topk(posx, posy, posz, sid, slab, qx, qy, qz):
    mesh = plsc.VectorSubcoreMesh(core_axis_name="c", subcore_axis_name="s", num_cores=NC, num_subcores=NS)
    return pl.kernel(
        _topk_body,
        out_type=jax.ShapeDtypeStruct((Q_PAD, K_NBR), jnp.int32),
        mesh=mesh,
        scratch_types=[
            pltpu.VMEM((N_PAD,), jnp.float32),
            pltpu.VMEM((N_PAD,), jnp.float32),
            pltpu.VMEM((N_PAD,), jnp.float32),
            pltpu.VMEM((N_PAD,), jnp.float32),
            pltpu.VMEM((N_PAD,), jnp.int32),
            pltpu.VMEM((N_SLAB + LANES,), jnp.int32),
            pltpu.VMEM((QPW + LANES,), jnp.float32),
            pltpu.VMEM((QPW + LANES,), jnp.float32),
            pltpu.VMEM((QPW + LANES,), jnp.float32),
            pltpu.VMEM((CAP + LANES,), jnp.float32),
            pltpu.VMEM((CAP + LANES,), jnp.int32),
            pltpu.VMEM((CAP // LANES + LANES,), jnp.float32),
            pltpu.VMEM((QPW, K_NBR), jnp.int32),
        ],
        compiler_params=pltpu.CompilerParams(needs_layout_passes=False),
    )(posx, posy, posz, sid, slab, qx, qy, qz)


FEAT_BLK = 512
KE = 256


def _feat_body(xe_ref, we_ref, b_ref, y_ref):
    acc = jnp.dot(xe_ref[...], we_ref[...],
                  preferred_element_type=jnp.float32)
    acc = acc + b_ref[...]
    rows = (pl.program_id(0) * FEAT_BLK
            + lax.broadcasted_iota(jnp.int32, (FEAT_BLK, D_FEAT), 0))
    y_ref[...] = jnp.where(rows < N_NODES, acc, NEG_BIG)


def _run_feat(xe, we, b2):
    grid = N_PAD // FEAT_BLK
    return pl.pallas_call(
        _feat_body,
        grid=(grid,),
        in_specs=[
            pl.BlockSpec((FEAT_BLK, KE), lambda i: (i, 0)),
            pl.BlockSpec((KE, D_FEAT), lambda i: (0, 0)),
            pl.BlockSpec((1, D_FEAT), lambda i: (0, 0)),
        ],
        out_specs=pl.BlockSpec((FEAT_BLK, D_FEAT), lambda i: (i, 0)),
        out_shape=jax.ShapeDtypeStruct((N_PAD, D_FEAT), jnp.float32),
    )(xe, we, b2)


def _agg_body(y2, cols, qx, qy, qz, wp, out_hbm,
              colsv, qxv, qyv, qzv, wpv, rows_v, outv, sem0, sem1):
    wid = lax.axis_index("s") * NC + lax.axis_index("c")
    base = wid * QPW
    pltpu.sync_copy(cols.at[pl.ds(base, QPW)], colsv)
    pltpu.sync_copy(qx.at[pl.ds(base, QPW)], qxv.at[pl.ds(0, QPW)])
    pltpu.sync_copy(qy.at[pl.ds(base, QPW)], qyv.at[pl.ds(0, QPW)])
    pltpu.sync_copy(qz.at[pl.ds(base, QPW)], qzv.at[pl.ds(0, QPW)])
    pltpu.sync_copy(wp, wpv)

    def reduce_one(qi, rows, cp):
        cp.wait()
        qxs = qxv[pl.ds(qi, LANES)][0]
        qys = qyv[pl.ds(qi, LANES)][0]
        qzs = qzv[pl.ds(qi, LANES)][0]

        def per_j(j, carry):
            return tuple(
                jnp.maximum(carry[v], rows[j, pl.ds(v * LANES, LANES)])
                for v in range(D_FEAT // LANES))

        neg = jnp.full((LANES,), NEG_BIG, dtype=jnp.float32)
        acc = lax.fori_loop(0, K_NBR, per_j, (neg,) * (D_FEAT // LANES))
        for v in range(D_FEAT // LANES):
            qo = (qxs * wpv[pl.ds(v * LANES, LANES)]
                  + qys * wpv[pl.ds(D_FEAT + v * LANES, LANES)]
                  + qzs * wpv[pl.ds(2 * D_FEAT + v * LANES, LANES)])
            outv[qi, pl.ds(v * LANES, LANES)] = jnp.maximum(acc[v] - qo, 0.0)

    def per_pair(t, _):
        q0 = 2 * t
        q1 = q0 + 1
        cp0 = pltpu.async_copy(y2.at[colsv.at[q0]], rows_v.at[0], sem0)
        cp1 = pltpu.async_copy(y2.at[colsv.at[q1]], rows_v.at[1], sem1)
        reduce_one(q0, rows_v.at[0], cp0)
        reduce_one(q1, rows_v.at[1], cp1)
        return _

    lax.fori_loop(0, QPW // 2, per_pair, None)
    pltpu.sync_copy(outv, out_hbm.at[pl.ds(base, QPW)])


def _run_agg(y2, cols, qx, qy, qz, wp):
    mesh = plsc.VectorSubcoreMesh(core_axis_name="c", subcore_axis_name="s", num_cores=NC, num_subcores=NS)
    return pl.kernel(
        _agg_body,
        out_type=jax.ShapeDtypeStruct((Q_PAD, D_FEAT), jnp.float32),
        mesh=mesh,
        scratch_types=[
            pltpu.VMEM((QPW, K_NBR), jnp.int32),
            pltpu.VMEM((QPW + LANES,), jnp.float32),
            pltpu.VMEM((QPW + LANES,), jnp.float32),
            pltpu.VMEM((QPW + LANES,), jnp.float32),
            pltpu.VMEM((3 * D_FEAT,), jnp.float32),
            pltpu.VMEM((2, K_NBR, D_FEAT), jnp.float32),
            pltpu.VMEM((QPW, D_FEAT), jnp.float32),
            pltpu.SemaphoreType.DMA,
            pltpu.SemaphoreType.DMA,
        ],
        compiler_params=pltpu.CompilerParams(needs_layout_passes=False),
    )(y2, cols, qx, qy, qz, wp)


def kernel(x, pos, batch, W, b):
    n = pos.shape[0]
    assert n == N_NODES and x.shape[1] == D_FEAT

    posf = pos.astype(jnp.float32)
    pad = jnp.broadcast_to(posf[0:1], (N_PAD - n, 3))
    pos_fps = jnp.concatenate([posf, pad], axis=0)
    px = pos_fps[:, 0].reshape(FPS_R, FPS_C)
    py = pos_fps[:, 1].reshape(FPS_R, FPS_C)
    pz = pos_fps[:, 2].reshape(FPS_R, FPS_C)
    idx = _run_fps(px, py, pz)

    pos_s = posf[idx]
    batch_s = batch[idx]

    far = jnp.float32(1e3)
    order = jnp.argsort(posf[:, 0]).astype(jnp.int32)
    xs = posf[order]
    posx = jnp.concatenate([xs[:, 0], jnp.full((N_PAD - n,), far)])
    posy = jnp.concatenate([xs[:, 1], jnp.full((N_PAD - n,), far)])
    posz = jnp.concatenate([xs[:, 2], jnp.full((N_PAD - n,), far)])
    sid = jnp.concatenate(
        [order, jnp.full((N_PAD - n,), SENTINEL, dtype=jnp.int32)])
    bounds = (jnp.arange(N_SLAB + 1, dtype=jnp.float32) / N_SLAB)
    slab = jnp.searchsorted(xs[:, 0], bounds, side="left").astype(jnp.int32)
    slab = jnp.concatenate(
        [slab, jnp.full((N_SLAB + LANES - slab.shape[0],), n, dtype=jnp.int32)])
    qpad = jnp.full((Q_PAD - N_SAMPLE,), -far, dtype=jnp.float32)
    qxa = jnp.concatenate([pos_s[:, 0], qpad])
    qya = jnp.concatenate([pos_s[:, 1], qpad])
    qza = jnp.concatenate([pos_s[:, 2], qpad])
    cols = _run_topk(posx, posy, posz, sid, slab, qxa, qya, qza)

    xe = jnp.zeros((N_PAD, KE), dtype=jnp.float32)
    xe = xe.at[:n, :D_FEAT].set(x.astype(jnp.float32))
    xe = xe.at[:n, D_FEAT:D_FEAT + 3].set(posf)
    we = jnp.zeros((KE, D_FEAT), dtype=jnp.float32)
    we = we.at[:D_FEAT + 3].set(W.astype(jnp.float32))
    y2 = _run_feat(xe, we, b.astype(jnp.float32).reshape(1, D_FEAT))

    wp = W[D_FEAT:D_FEAT + 3].astype(jnp.float32).reshape(-1)
    out = _run_agg(y2, cols, qxa, qya, qza, wp)

    return out[:N_SAMPLE], pos_s, batch_s

# --- scband reference (transcript-rebuilt; emitter-appended) ---
"""Pipeline reference for scband-base-convolution-61976378081889 (READ-ONLY COPY).

The authoritative reference and input builder live on the scoring server;
editing this copy changes nothing except your own understanding.
"""

import jax, jax.numpy as jnp
import numpy as np

RATIO = 0.5
RADIUS = 0.2
MAX_NEIGHBORS = 64
N_NODES = 10000
D_FEAT = 128


def fps(pos, n_sample):
    # farthest point sampling, deterministic start at index 0
    N = pos.shape[0]
    idxs = jnp.zeros((n_sample,), dtype=jnp.int32)
    dists = jnp.full((N,), jnp.inf, dtype=pos.dtype)

    def body(i, state):
        dists, idxs = state
        last = idxs[i - 1]
        d = jnp.sum((pos - pos[last]) ** 2, axis=1)
        dists = jnp.minimum(dists, d)
        nxt = jnp.argmax(dists).astype(jnp.int32)
        idxs = idxs.at[i].set(nxt)
        return (dists, idxs)

    dists, idxs = jax.lax.fori_loop(1, n_sample, body, (dists, idxs))
    return idxs


def radius_neighbors(pos_all, pos_query, r, k):
    # emulates torch_cluster.radius with max_num_neighbors=k (k nearest within r)
    pa = jax.lax.stop_gradient(pos_all)
    pq = jax.lax.stop_gradient(pos_query)
    qq = jnp.sum(pq * pq, axis=1)
    nn = jnp.sum(pa * pa, axis=1)
    d2 = qq[:, None] + nn[None, :] - 2.0 * (pq @ pa.T)  # [M, N]
    neg_vals, cols = jax.lax.top_k(-d2, k)  # k nearest per query
    mask = (-neg_vals) <= r * r
    M = pq.shape[0]
    rows = jnp.broadcast_to(jnp.arange(M, dtype=jnp.int32)[:, None], (M, k))
    return rows.reshape(-1), cols.reshape(-1), mask.reshape(-1)


def setup_inputs(seed: int = 0) -> dict:
    key = jax.random.key(seed)
    k1, k2, k3 = jax.random.split(key, 3)
    x = jax.random.normal(k1, (N_NODES, D_FEAT), dtype=jnp.float32)
    pos = jax.random.uniform(k2, (N_NODES, 3), dtype=jnp.float32)
    batch = jnp.zeros((N_NODES,), dtype=jnp.int64)
    # PointNetConv-style local_nn: Linear(d_feat + 3 -> d_feat) + ReLU, max aggregation
    W = jax.random.normal(k3, (D_FEAT + 3, D_FEAT), dtype=jnp.float32) * 0.05
    b = jnp.zeros((D_FEAT,), dtype=jnp.float32)
    return {"x": x, "pos": pos, "batch": batch, "W": W, "b": b}


def reference(x, pos, batch, W, b):
    n_sample = int(round(RATIO * pos.shape[0]))
    idx = fps(jax.lax.stop_gradient(pos), n_sample)
    pos_s = pos[idx]
    batch_s = batch[idx]
    # row = index into sampled centers (query), col = index into full point set
    row, col, mask = radius_neighbors(pos, pos_s, RADIUS, MAX_NEIGHBORS)
    # edge_index = stack([col, row]): source j in full set -> target i in sampled set
    rel = pos[col] - pos_s[row]
    msg = jnp.concatenate([x[col], rel], axis=1) @ W + b
    msg = jax.nn.relu(msg)
    msg = jnp.where(mask[:, None], msg, jnp.full_like(msg, -jnp.inf))
    out = jax.ops.segment_max(msg, row, num_segments=n_sample)
    out = jnp.where(jnp.isfinite(out), out, 0.0)
    return out, pos_s, batch_s


if False:  # reference __main__ guard neutralized (emitter)
    inp = setup_inputs()
    o = reference(**inp)
    print([t.shape for t in o])

if __name__ == "__main__":
    import jax
    _d = setup_inputs()
    print(jax.jit(kernel)(*tuple(_d.values())))

</pallas_src>

<mosaic_0001>
#map = affine_map<(d0, d1) -> (0, 0)>
#map1 = affine_map<(d0, d1) -> (0)>
module attributes {stable_mosaic.version = 14 : i64} {
  func.func @_agg_body(%arg0: i32, %arg1: i32, %arg2: memref<10240x128xf32, #tpu.memory_space<hbm>>, %arg3: memref<5120x64xi32, #tpu.memory_space<hbm>>, %arg4: memref<5120xf32, #tpu.memory_space<hbm>>, %arg5: memref<5120xf32, #tpu.memory_space<hbm>>, %arg6: memref<5120xf32, #tpu.memory_space<hbm>>, %arg7: memref<384xf32, #tpu.memory_space<hbm>>, %arg8: memref<5120x128xf32, #tpu.memory_space<hbm>>, %arg9: memref<160x64xi32, #tpu.memory_space<vmem>>, %arg10: memref<176xf32, #tpu.memory_space<vmem>>, %arg11: memref<176xf32, #tpu.memory_space<vmem>>, %arg12: memref<176xf32, #tpu.memory_space<vmem>>, %arg13: memref<384xf32, #tpu.memory_space<vmem>>, %arg14: memref<2x64x128xf32, #tpu.memory_space<vmem>>, %arg15: memref<160x128xf32, #tpu.memory_space<vmem>>, %arg16: memref<!tpu.dma_semaphore, #tpu.memory_space<semaphore_mem>>, %arg17: memref<!tpu.dma_semaphore, #tpu.memory_space<semaphore_mem>>) attributes {dimension_semantics = [#tpu.dimension_semantics<core_parallel>, #tpu.dimension_semantics<subcore_parallel>], iteration_bounds = array<i64: 2, 16>, scalar_prefetch = 0 : i64, scratch_operands = 9 : i64, tpu.core_type = #tpu.core_type<sc_vector_subcore>, window_params = [{transform_indices = #map}, {transform_indices = #map}, {transform_indices = #map1}, {transform_indices = #map1}, {transform_indices = #map1}, {transform_indices = #map1}, {transform_indices = #map}]} {
    %mul3A = arith.constant 2 : i32
    %mul3A_0 = arith.muli %arg1, %mul3A : i32
    %add3A = arith.addi %mul3A_0, %arg0 : i32
    %mul3A_1 = arith.constant 160 : i32
    %mul3A_2 = arith.muli %add3A, %mul3A_1 : i32
    "tpu.region"() ({
      %run_scoped3A = tpu.sem_alloc : memref<!tpu.dma_semaphore, #tpu.memory_space<semaphore_mem>>
      %dma_start3A = arith.constant 0 : i32
      %dma_start3A_7 = tpu.memref_slice %arg3[%mul3A_2, %dma_start3A] : memref<5120x64xi32, #tpu.memory_space<hbm>> -> memref<160x64xi32, #tpu.memory_space<hbm>>
      %dma_start3A_8 = arith.constant 0 : i32
      %dma_start3A_9 = tpu.memref_slice %arg3[%mul3A_2, %dma_start3A_8] : memref<5120x64xi32, #tpu.memory_space<hbm>> -> memref<160x64xi32, #tpu.memory_space<hbm>>
      tpu.enqueue_dma source(%dma_start3A_9 : memref<160x64xi32, #tpu.memory_space<hbm>>) target(%arg9 : memref<160x64xi32, #tpu.memory_space<vmem>>) target_semaphore(%run_scoped3A : memref<!tpu.dma_semaphore, #tpu.memory_space<semaphore_mem>>)
      %dma_wait3A = arith.constant 0 : i32
      %dma_wait3A_10 = tpu.memref_slice %arg3[%mul3A_2, %dma_wait3A] : memref<5120x64xi32, #tpu.memory_space<hbm>> -> memref<160x64xi32, #tpu.memory_space<hbm>>
      %dma_wait3A_11 = arith.constant 0 : i32
      %dma_wait3A_12 = tpu.memref_slice %arg3[%mul3A_2, %dma_wait3A_11] : memref<5120x64xi32, #tpu.memory_space<hbm>> -> memref<160x64xi32, #tpu.memory_space<hbm>>
      tpu.wait_dma2 semaphore(%run_scoped3A : memref<!tpu.dma_semaphore, #tpu.memory_space<semaphore_mem>>) src(%dma_wait3A_12 : memref<160x64xi32, #tpu.memory_space<hbm>>) dst(%arg9 : memref<160x64xi32, #tpu.memory_space<vmem>>)
      tpu.yield
    }) : () -> ()
    "tpu.region"() ({
      %run_scoped3A = tpu.sem_alloc : memref<!tpu.dma_semaphore, #tpu.memory_space<semaphore_mem>>
      %dma_start3A = arith.constant 0 : i32
      %dma_start3A_7 = tpu.memref_slice %arg10[%dma_start3A] : memref<176xf32, #tpu.memory_space<vmem>> -> memref<160xf32, #tpu.memory_space<vmem>>
      %dma_start3A_8 = tpu.memref_slice %arg4[%mul3A_2] : memref<5120xf32, #tpu.memory_space<hbm>> -> memref<160xf32, #tpu.memory_space<hbm>>
      %dma_start3A_9 = arith.constant 0 : i32
      %dma_start3A_10 = tpu.memref_slice %arg10[%dma_start3A_9] : memref<176xf32, #tpu.memory_space<vmem>> -> memref<160xf32, #tpu.memory_space<vmem>>
      %dma_start3A_11 = tpu.memref_slice %arg4[%mul3A_2] : memref<5120xf32, #tpu.memory_space<hbm>> -> memref<160xf32, #tpu.memory_space<hbm>>
      tpu.enqueue_dma source(%dma_start3A_11 : memref<160xf32, #tpu.memory_space<hbm>>) target(%dma_start3A_10 : memref<160xf32, #tpu.memory_space<vmem>>) target_semaphore(%run_scoped3A : memref<!tpu.dma_semaphore, #tpu.memory_space<semaphore_mem>>)
      %dma_wait3A = arith.constant 0 : i32
      %dma_wait3A_12 = tpu.memref_slice %arg10[%dma_wait3A] : memref<176xf32, #tpu.memory_space<vmem>> -> memref<160xf32, #tpu.memory_space<vmem>>
      %dma_wait3A_13 = tpu.memref_slice %arg4[%mul3A_2] : memref<5120xf32, #tpu.memory_space<hbm>> -> memref<160xf32, #tpu.memory_space<hbm>>
      %dma_wait3A_14 = arith.constant 0 : i32
      %dma_wait3A_15 = tpu.memref_slice %arg10[%dma_wait3A_14] : memref<176xf32, #tpu.memory_space<vmem>> -> memref<160xf32, #tpu.memory_space<vmem>>
      %dma_wait3A_16 = tpu.memref_slice %arg4[%mul3A_2] : memref<5120xf32, #tpu.memory_space<hbm>> -> memref<160xf32, #tpu.memory_space<hbm>>
      tpu.wait_dma2 semaphore(%run_scoped3A : memref<!tpu.dma_semaphore, #tpu.memory_space<semaphore_mem>>) src(%dma_wait3A_16 : memref<160xf32, #tpu.memory_space<hbm>>) dst(%dma_wait3A_15 : memref<160xf32, #tpu.memory_space<vmem>>)
      tpu.yield
    }) : () -> ()
    "tpu.region"() ({
      %run_scoped3A = tpu.sem_alloc : memref<!tpu.dma_semaphore, #tpu.memory_space<semaphore_mem>>
      %dma_start3A = arith.constant 0 : i32
      %dma_start3A_7 = tpu.memref_slice %arg11[%dma_start3A] : memref<176xf32, #tpu.memory_space<vmem>> -> memref<160xf32, #tpu.memory_space<vmem>>
      %dma_start3A_8 = tpu.memref_slice %arg5[%mul3A_2] : memref<5120xf32, #tpu.memory_space<hbm>> -> memref<160xf32, #tpu.memory_space<hbm>>
      %dma_start3A_9 = arith.constant 0 : i32
      %dma_start3A_10 = tpu.memref_slice %arg11[%dma_start3A_9] : memref<176xf32, #tpu.memory_space<vmem>> -> memref<160xf32, #tpu.memory_space<vmem>>
      %dma_start3A_11 = tpu.memref_slice %arg5[%mul3A_2] : memref<5120xf32, #tpu.memory_space<hbm>> -> memref<160xf32, #tpu.memory_space<hbm>>
      tpu.enqueue_dma source(%dma_start3A_11 : memref<160xf32, #tpu.memory_space<hbm>>) target(%dma_start3A_10 : memref<160xf32, #tpu.memory_space<vmem>>) target_semaphore(%run_scoped3A : memref<!tpu.dma_semaphore, #tpu.memory_space<semaphore_mem>>)
      %dma_wait3A = arith.constant 0 : i32
      %dma_wait3A_12 = tpu.memref_slice %arg11[%dma_wait3A] : memref<176xf32, #tpu.memory_space<vmem>> -> memref<160xf32, #tpu.memory_space<vmem>>
      %dma_wait3A_13 = tpu.memref_slice %arg5[%mul3A_2] : memref<5120xf32, #tpu.memory_space<hbm>> -> memref<160xf32, #tpu.memory_space<hbm>>
      %dma_wait3A_14 = arith.constant 0 : i32
      %dma_wait3A_15 = tpu.memref_slice %arg11[%dma_wait3A_14] : memref<176xf32, #tpu.memory_space<vmem>> -> memref<160xf32, #tpu.memory_space<vmem>>
      %dma_wait3A_16 = tpu.memref_slice %arg5[%mul3A_2] : memref<5120xf32, #tpu.memory_space<hbm>> -> memref<160xf32, #tpu.memory_space<hbm>>
      tpu.wait_dma2 semaphore(%run_scoped3A : memref<!tpu.dma_semaphore, #tpu.memory_space<semaphore_mem>>) src(%dma_wait3A_16 : memref<160xf32, #tpu.memory_space<hbm>>) dst(%dma_wait3A_15 : memref<160xf32, #tpu.memory_space<vmem>>)
      tpu.yield
    }) : () -> ()
    "tpu.region"() ({
      %run_scoped3A = tpu.sem_alloc : memref<!tpu.dma_semaphore, #tpu.memory_space<semaphore_mem>>
      %dma_start3A = arith.constant 0 : i32
      %dma_start3A_7 = tpu.memref_slice %arg12[%dma_start3A] : memref<176xf32, #tpu.memory_space<vmem>> -> memref<160xf32, #tpu.memory_space<vmem>>
      %dma_start3A_8 = tpu.memref_slice %arg6[%mul3A_2] : memref<5120xf32, #tpu.memory_space<hbm>> -> memref<160xf32, #tpu.memory_space<hbm>>
      %dma_start3A_9 = arith.constant 0 : i32
      %dma_start3A_10 = tpu.memref_slice %arg12[%dma_start3A_9] : memref<176xf32, #tpu.memory_space<vmem>> -> memref<160xf32, #tpu.memory_space<vmem>>
      %dma_start3A_11 = tpu.memref_slice %arg6[%mul3A_2] : memref<5120xf32, #tpu.memory_space<hbm>> -> memref<160xf32, #tpu.memory_space<hbm>>
      tpu.enqueue_dma source(%dma_start3A_11 : memref<160xf32, #tpu.memory_space<hbm>>) target(%dma_start3A_10 : memref<160xf32, #tpu.memory_space<vmem>>) target_semaphore(%run_scoped3A : memref<!tpu.dma_semaphore, #tpu.memory_space<semaphore_mem>>)
      %dma_wait3A = arith.constant 0 : i32
      %dma_wait3A_12 = tpu.memref_slice %arg12[%dma_wait3A] : memref<176xf32, #tpu.memory_space<vmem>> -> memref<160xf32, #tpu.memory_space<vmem>>
      %dma_wait3A_13 = tpu.memref_slice %arg6[%mul3A_2] : memref<5120xf32, #tpu.memory_space<hbm>> -> memref<160xf32, #tpu.memory_space<hbm>>
      %dma_wait3A_14 = arith.constant 0 : i32
      %dma_wait3A_15 = tpu.memref_slice %arg12[%dma_wait3A_14] : memref<176xf32, #tpu.memory_space<vmem>> -> memref<160xf32, #tpu.memory_space<vmem>>
      %dma_wait3A_16 = tpu.memref_slice %arg6[%mul3A_2] : memref<5120xf32, #tpu.memory_space<hbm>> -> memref<160xf32, #tpu.memory_space<hbm>>
      tpu.wait_dma2 semaphore(%run_scoped3A : memref<!tpu.dma_semaphore, #tpu.memory_space<semaphore_mem>>) src(%dma_wait3A_16 : memref<160xf32, #tpu.memory_space<hbm>>) dst(%dma_wait3A_15 : memref<160xf32, #tpu.memory_space<vmem>>)
      tpu.yield
    }) : () -> ()
    "tpu.region"() ({
      %run_scoped3A = tpu.sem_alloc : memref<!tpu.dma_semaphore, #tpu.memory_space<semaphore_mem>>
      tpu.enqueue_dma source(%arg7 : memref<384xf32, #tpu.memory_space<hbm>>) target(%arg13 : memref<384xf32, #tpu.memory_space<vmem>>) target_semaphore(%run_scoped3A : memref<!tpu.dma_semaphore, #tpu.memory_space<semaphore_mem>>)
      tpu.wait_dma2 semaphore(%run_scoped3A : memref<!tpu.dma_semaphore, #tpu.memory_space<semaphore_mem>>) src(%arg7 : memref<384xf32, #tpu.memory_space<hbm>>) dst(%arg13 : memref<384xf32, #tpu.memory_space<vmem>>)
      tpu.yield
    }) : () -> ()
    %scan3A = arith.constant 0 : i32
    %scan3A_3 = arith.constant 80 : i32
    %scan3A_4 = arith.addi %scan3A, %scan3A_3 : i32
    %scan3A_5 = arith.constant 1 : i32
    scf.for %scan3A_7 = %scan3A to %scan3A_4 step %scan3A_5  : i32 {
      %mul3A_8 = arith.constant 2 : i32
      %mul3A_9 = arith.muli %mul3A_8, %scan3A_7 : i32
      %add3A_10 = arith.constant 1 : i32
      %add3A_11 = arith.addi %mul3A_9, %add3A_10 : i32
      %dma_start3A = arith.constant 0 : i32
      %dma_start3A_12 = arith.constant 0 : i32
      %dma_start3A_13 = arith.constant 0 : i32
      %dma_start3A_14 = tpu.memref_slice %arg14[%dma_start3A, %dma_start3A_12, %dma_start3A_13] : memref<2x64x128xf32, #tpu.memory_space<vmem>> -> memref<1x64x128xf32, #tpu.memory_space<vmem>>
      %dma_start3A_15 = tpu.memref_squeeze %dma_start3A_14 : memref<1x64x128xf32, #tpu.memory_space<vmem>> -> memref<64x128xf32, #tpu.memory_space<vmem>>
      %dma_start3A_16 = arith.constant 0 : i32
      %dma_start3A_17 = tpu.memref_slice %arg9[%mul3A_9, %dma_start3A_16] : memref<160x64xi32, #tpu.memory_space<vmem>> -> memref<1x64xi32, #tpu.memory_space<vmem>>
      %dma_start3A_18 = tpu.memref_squeeze %dma_start3A_17 : memref<1x64xi32, #tpu.memory_space<vmem>> -> memref<64xi32, #tpu.memory_space<vmem>>
      %dma_start3A_19 = arith.constant 0 : i32
      %dma_start3A_20 = arith.constant 0 : i32
      %dma_start3A_21 = tpu.memref_slice %arg2[%dma_start3A_19, %dma_start3A_20] : memref<10240x128xf32, #tpu.memory_space<hbm>> -> memref<10240x128xf32, #tpu.memory_space<hbm>>
      tpu.enqueue_indirect_dma source(%dma_start3A_21 : memref<10240x128xf32, #tpu.memory_space<hbm>>) target(%dma_start3A_15 : memref<64x128xf32, #tpu.memory_space<vmem>>) offsets(%dma_start3A_18 : memref<64xi32, #tpu.memory_space<vmem>>) semaphore(%arg16 : memref<!tpu.dma_semaphore, #tpu.memory_space<semaphore_mem>>)
      %dma_start3A_22 = arith.constant 1 : i32
      %dma_start3A_23 = arith.constant 0 : i32
      %dma_start3A_24 = arith.constant 0 : i32
      %dma_start3A_25 = tpu.memref_slice %arg14[%dma_start3A_22, %dma_start3A_23, %dma_start3A_24] : memref<2x64x128xf32, #tpu.memory_space<vmem>> -> memref<1x64x128xf32, #tpu.memory_space<vmem>>
      %dma_start3A_26 = tpu.memref_squeeze %dma_start3A_25 : memref<1x64x128xf32, #tpu.memory_space<vmem>> -> memref<64x128xf32, #tpu.memory_space<vmem>>
      %dma_start3A_27 = arith.constant 0 : i32
      %dma_start3A_28 = tpu.memref_slice %arg9[%add3A_11, %dma_start3A_27] : memref<160x64xi32, #tpu.memory_space<vmem>> -> memref<1x64xi32, #tpu.memory_space<vmem>>
      %dma_start3A_29 = tpu.memref_squeeze %dma_start3A_28 : memref<1x64xi32, #tpu.memory_space<vmem>> -> memref<64xi32, #tpu.memory_space<vmem>>
      %dma_start3A_30 = arith.constant 0 : i32
      %dma_start3A_31 = arith.constant 0 : i32
      %dma_start3A_32 = tpu.memref_slice %arg2[%dma_start3A_30, %dma_start3A_31] : memref<10240x128xf32, #tpu.memory_space<hbm>> -> memref<10240x128xf32, #tpu.memory_space<hbm>>
      tpu.enqueue_indirect_dma source(%dma_start3A_32 : memref<10240x128xf32, #tpu.memory_space<hbm>>) target(%dma_start3A_26 : memref<64x128xf32, #tpu.memory_space<vmem>>) offsets(%dma_start3A_29 : memref<64xi32, #tpu.memory_space<vmem>>) semaphore(%arg17 : memref<!tpu.dma_semaphore, #tpu.memory_space<semaphore_mem>>)
      %dma_wait3A = arith.constant 0 : i32
      %dma_wait3A_33 = arith.constant 0 : i32
      %dma_wait3A_34 = arith.constant 0 : i32
      %dma_wait3A_35 = tpu.memref_slice %arg14[%dma_wait3A, %dma_wait3A_33, %dma_wait3A_34] : memref<2x64x128xf32, #tpu.memory_space<vmem>> -> memref<1x64x128xf32, #tpu.memory_space<vmem>>
      %dma_wait3A_36 = tpu.memref_squeeze %dma_wait3A_35 : memref<1x64x128xf32, #tpu.memory_space<vmem>> -> memref<64x128xf32, #tpu.memory_space<vmem>>
      %dma_wait3A_37 = arith.constant 0 : i32
      %dma_wait3A_38 = tpu.memref_slice %arg9[%mul3A_9, %dma_wait3A_37] : memref<160x64xi32, #tpu.memory_space<vmem>> -> memref<1x64xi32, #tpu.memory_space<vmem>>
      %dma_wait3A_39 = tpu.memref_squeeze %dma_wait3A_38 : memref<1x64xi32, #tpu.memory_space<vmem>> -> memref<64xi32, #tpu.memory_space<vmem>>
      %dma_wait3A_40 = arith.constant 0 : i32
      %dma_wait3A_41 = arith.constant 0 : i32
      %dma_wait3A_42 = tpu.memref_slice %arg2[%dma_wait3A_40, %dma_wait3A_41] : memref<10240x128xf32, #tpu.memory_space<hbm>> -> memref<10240x128xf32, #tpu.memory_space<hbm>>
      tpu.wait_indirect_dma semaphore(%arg16 : memref<!tpu.dma_semaphore, #tpu.memory_space<semaphore_mem>>) src(%dma_wait3A_42 : memref<10240x128xf32, #tpu.memory_space<hbm>>) dst(%dma_wait3A_36 : memref<64x128xf32, #tpu.memory_space<vmem>>)
      %get3A = arith.index_cast %mul3A_9 : i32 to index
      %get3A_43 = tpu.vector_load %arg10[%get3A] {strides = array<i32>} : memref<176xf32, #tpu.memory_space<vmem>>, vector<16xf32>,
      %slice3A = vector.extract_strided_slice %get3A_43 {offsets = [0], sizes = [1], strides = [1]} : vector<16xf32> to vector<1xf32>
      %squeeze3A = vector.extract %slice3A[0] : f32 from vector<1xf32>
      %get3A_44 = arith.index_cast %mul3A_9 : i32 to index
      %get3A_45 = tpu.vector_load %arg11[%get3A_44] {strides = array<i32>} : memref<176xf32, #tpu.memory_space<vmem>>, vector<16xf32>,
      %slice3A_46 = vector.extract_strided_slice %get3A_45 {offsets = [0], sizes = [1], strides = [1]} : vector<16xf32> to vector<1xf32>
      %squeeze3A_47 = vector.extract %slice3A_46[0] : f32 from vector<1xf32>
      %get3A_48 = arith.index_cast %mul3A_9 : i32 to index
      %get3A_49 = tpu.vector_load %arg12[%get3A_48] {strides = array<i32>} : memref<176xf32, #tpu.memory_space<vmem>>, vector<16xf32>,
      %slice3A_50 = vector.extract_strided_slice %get3A_49 {offsets = [0], sizes = [1], strides = [1]} : vector<16xf32> to vector<1xf32>
      %squeeze3A_51 = vector.extract %slice3A_50[0] : f32 from vector<1xf32>
      %broadcast_in_dim3A = arith.constant -1.000000e+30 : f32
      %broadcast_in_dim3A_52 = vector.broadcast %broadcast_in_dim3A : f32 to vector<16xf32>
      %scan3A_53 = arith.constant 0 : i32
      %scan3A_54 = arith.constant 0 : i32
      %scan3A_55 = arith.constant 64 : i32
      %scan3A_56 = arith.addi %scan3A_54, %scan3A_55 : i32
      %scan3A_57 = arith.constant 1 : i32
      %scan3A_58:8 = scf.for %scan3A_425 = %scan3A_54 to %scan3A_56 step %scan3A_57 iter_args(%scan3A_426 = %broadcast_in_dim3A_52, %scan3A_427 = %broadcast_in_dim3A_52, %scan3A_428 = %broadcast_in_dim3A_52, %scan3A_429 = %broadcast_in_dim3A_52, %scan3A_430 = %broadcast_in_dim3A_52, %scan3A_431 = %broadcast_in_dim3A_52, %scan3A_432 = %broadcast_in_dim3A_52, %scan3A_433 = %broadcast_in_dim3A_52) -> (vector<16xf32>, vector<16xf32>, vector<16xf32>, vector<16xf32>, vector<16xf32>, vector<16xf32>, vector<16xf32>, vector<16xf32>)  : i32 {
        %get3A_434 = arith.constant 0 : i32
        %get3A_435 = arith.constant 0 : i32
        %get3A_436 = tpu.memref_slice %arg14[%scan3A_53, %get3A_434, %get3A_435] : memref<2x64x128xf32, #tpu.memory_space<vmem>> -> memref<1x64x128xf32, #tpu.memory_space<vmem>>
        %get3A_437 = tpu.memref_squeeze %get3A_436 : memref<1x64x128xf32, #tpu.memory_space<vmem>> -> memref<64x128xf32, #tpu.memory_space<vmem>>
        %get3A_438 = arith.index_cast %scan3A_425 : i32 to index
        %get3A_439 = arith.constant 0 : index
        %get3A_440 = tpu.vector_load %get3A_437[%get3A_438, %get3A_439] {strides = array<i32>} : memref<64x128xf32, #tpu.memory_space<vmem>>, vector<16xf32>,
        %max3A_441 = arith.maximumf %scan3A_426, %get3A_440 : vector<16xf32>
        %get3A_442 = arith.constant 0 : i32
        %get3A_443 = arith.constant 0 : i32
        %get3A_444 = tpu.memref_slice %arg14[%scan3A_53, %get3A_442, %get3A_443] : memref<2x64x128xf32, #tpu.memory_space<vmem>> -> memref<1x64x128xf32, #tpu.memory_space<vmem>>
        %get3A_445 = tpu.memref_squeeze %get3A_444 : memref<1x64x128xf32, #tpu.memory_space<vmem>> -> memref<64x128xf32, #tpu.memory_space<vmem>>
        %get3A_446 = arith.index_cast %scan3A_425 : i32 to index
        %get3A_447 = arith.constant 16 : index
        %get3A_448 = tpu.vector_load %get3A_445[%get3A_446, %get3A_447] {strides = array<i32>} : memref<64x128xf32, #tpu.memory_space<vmem>>, vector<16xf32>,
        %max3A_449 = arith.maximumf %scan3A_427, %get3A_448 : vector<16xf32>
        %get3A_450 = arith.constant 0 : i32
        %get3A_451 = arith.constant 0 : i32
        %get3A_452 = tpu.memref_slice %arg14[%scan3A_53, %get3A_450, %get3A_451] : memref<2x64x128xf32, #tpu.memory_space<vmem>> -> memref<1x64x128xf32, #tpu.memory_space<vmem>>
        %get3A_453 = tpu.memref_squeeze %get3A_452 : memref<1x64x128xf32, #tpu.memory_space<vmem>> -> memref<64x128xf32, #tpu.memory_space<vmem>>
        %get3A_454 = arith.index_cast %scan3A_425 : i32 to index
        %get3A_455 = arith.constant 32 : index
        %get3A_456 = tpu.vector_load %get3A_453[%get3A_454, %get3A_455] {strides = array<i32>} : memref<64x128xf32, #tpu.memory_space<vmem>>, vector<16xf32>,
        %max3A_457 = arith.maximumf %scan3A_428, %get3A_456 : vector<16xf32>
        %get3A_458 = arith.constant 0 : i32
        %get3A_459 = arith.constant 0 : i32
        %get3A_460 = tpu.memref_slice %arg14[%scan3A_53, %get3A_458, %get3A_459] : memref<2x64x128xf32, #tpu.memory_space<vmem>> -> memref<1x64x128xf32, #tpu.memory_space<vmem>>
        %get3A_461 = tpu.memref_squeeze %get3A_460 : memref<1x64x128xf32, #tpu.memory_space<vmem>> -> memref<64x128xf32, #tpu.memory_space<vmem>>
        %get3A_462 = arith.index_cast %scan3A_425 : i32 to index
        %get3A_463 = arith.constant 48 : index
        %get3A_464 = tpu.vector_load %get3A_461[%get3A_462, %get3A_463] {strides = array<i32>} : memref<64x128xf32, #tpu.memory_space<vmem>>, vector<16xf32>,
        %max3A_465 = arith.maximumf %scan3A_429, %get3A_464 : vector<16xf32>
        %get3A_466 = arith.constant 0 : i32
        %get3A_467 = arith.constant 0 : i32
        %get3A_468 = tpu.memref_slice %arg14[%scan3A_53, %get3A_466, %get3A_467] : memref<2x64x128xf32, #tpu.memory_space<vmem>> -> memref<1x64x128xf32, #tpu.memory_space<vmem>>
        %get3A_469 = tpu.memref_squeeze %get3A_468 : memref<1x64x128xf32, #tpu.memory_space<vmem>> -> memref<64x128xf32, #tpu.memory_space<vmem>>
        %get3A_470 = arith.index_cast %scan3A_425 : i32 to index
        %get3A_471 = arith.constant 64 : index
        %get3A_472 = tpu.vector_load %get3A_469[%get3A_470, %get3A_471] {strides = array<i32>} : memref<64x128xf32, #tpu.memory_space<vmem>>, vector<16xf32>,
        %max3A_473 = arith.maximumf %scan3A_430, %get3A_472 : vector<16xf32>
        %get3A_474 = arith.constant 0 : i32
        %get3A_475 = arith.constant 0 : i32
        %get3A_476 = tpu.memref_slice %arg14[%scan3A_53, %get3A_474, %get3A_475] : memref<2x64x128xf32, #tpu.memory_space<vmem>> -> memref<1x64x128xf32, #tpu.memory_space<vmem>>
        %get3A_477 = tpu.memref_squeeze %get3A_476 : memref<1x64x128xf32, #tpu.memory_space<vmem>> -> memref<64x128xf32, #tpu.memory_space<vmem>>
        %get3A_478 = arith.index_cast %scan3A_425 : i32 to index
        %get3A_479 = arith.constant 80 : index
        %get3A_480 = tpu.vector_load %get3A_477[%get3A_478, %get3A_479] {strides = array<i32>} : memref<64x128xf32, #tpu.memory_space<vmem>>, vector<16xf32>,
        %max3A_481 = arith.maximumf %scan3A_431, %get3A_480 : vector<16xf32>
        %get3A_482 = arith.constant 0 : i32
        %get3A_483 = arith.constant 0 : i32
        %get3A_484 = tpu.memref_slice %arg14[%scan3A_53, %get3A_482, %get3A_483] : memref<2x64x128xf32, #tpu.memory_space<vmem>> -> memref<1x64x128xf32, #tpu.memory_space<vmem>>
        %get3A_485 = tpu.memref_squeeze %get3A_484 : memref<1x64x128xf32, #tpu.memory_space<vmem>> -> memref<64x128xf32, #tpu.memory_space<vmem>>
        %get3A_486 = arith.index_cast %scan3A_425 : i32 to index
        %get3A_487 = arith.constant 96 : index
        %get3A_488 = tpu.vector_load %get3A_485[%get3A_486, %get3A_487] {strides = array<i32>} : memref<64x128xf32, #tpu.memory_space<vmem>>, vector<16xf32>,
        %max3A_489 = arith.maximumf %scan3A_432, %get3A_488 : vector<16xf32>
        %get3A_490 = arith.constant 0 : i32
        %get3A_491 = arith.constant 0 : i32
        %get3A_492 = tpu.memref_slice %arg14[%scan3A_53, %get3A_490, %get3A_491] : memref<2x64x128xf32, #tpu.memory_space<vmem>> -> memref<1x64x128xf32, #tpu.memory_space<vmem>>
        %get3A_493 = tpu.memref_squeeze %get3A_492 : memref<1x64x128xf32, #tpu.memory_space<vmem>> -> memref<64x128xf32, #tpu.memory_space<vmem>>
        %get3A_494 = arith.index_cast %scan3A_425 : i32 to index
        %get3A_495 = arith.constant 112 : index
        %get3A_496 = tpu.vector_load %get3A_493[%get3A_494, %get3A_495] {strides = array<i32>} : memref<64x128xf32, #tpu.memory_space<vmem>>, vector<16xf32>,
        %max3A_497 = arith.maximumf %scan3A_433, %get3A_496 : vector<16xf32>
        scf.yield %max3A_441, %max3A_449, %max3A_457, %max3A_465, %max3A_473, %max3A_481, %max3A_489, %max3A_497 : vector<16xf32>, vector<16xf32>, vector<16xf32>, vector<16xf32>, vector<16xf32>, vector<16xf32>, vector<16xf32>, vector<16xf32>
      }
      %scan3A_59 = arith.constant 64 : i32
      %get3A_60 = arith.constant 0 : index
      %get3A_61 = tpu.vector_load %arg13[%get3A_60] {strides = array<i32>} : memref<384xf32, #tpu.memory_space<vmem>>, vector<16xf32>,
      %mul3A_62 = vector.broadcast %squeeze3A : f32 to vector<16xf32>
      %mul3A_63 = arith.mulf %mul3A_62, %get3A_61 : vector<16xf32>
      %get3A_64 = arith.constant 128 : index
      %get3A_65 = tpu.vector_load %arg13[%get3A_64] {strides = array<i32>} : memref<384xf32, #tpu.memory_space<vmem>>, vector<16xf32>,
      %mul3A_66 = vector.broadcast %squeeze3A_47 : f32 to vector<16xf32>
      %mul3A_67 = arith.mulf %mul3A_66, %get3A_65 : vector<16xf32>
      %add3A_68 = arith.addf %mul3A_63, %mul3A_67 : vector<16xf32>
      %get3A_69 = arith.constant 256 : index
      %get3A_70 = tpu.vector_load %arg13[%get3A_69] {strides = array<i32>} : memref<384xf32, #tpu.memory_space<vmem>>, vector<16xf32>,
      %mul3A_71 = vector.broadcast %squeeze3A_51 : f32 to vector<16xf32>
      %mul3A_72 = arith.mulf %mul3A_71, %get3A_70 : vector<16xf32>
      %add3A_73 = arith.addf %add3A_68, %mul3A_72 : vector<16xf32>
      %sub3A = arith.subf %scan3A_58#0, %add3A_73 : vector<16xf32>
      %max3A = arith.constant 0.000000e+00 : f32
      %max3A_74 = vector.broadcast %max3A : f32 to vector<16xf32>
      %max3A_75 = arith.maximumf %sub3A, %max3A_74 : vector<16xf32>
      %swap3A = arith.index_cast %mul3A_9 : i32 to index
      %swap3A_76 = arith.constant 0 : index
      %swap3A_77 = tpu.vector_load %arg15[%swap3A, %swap3A_76] {strides = array<i32>} : memref<160x128xf32, #tpu.memory_space<vmem>>, vector<16xf32>,
      tpu.vector_store %arg15[%swap3A, %swap3A_76], %max3A_75 {strides = array<i32>} : memref<160x128xf32, #tpu.memory_space<vmem>>, vector<16xf32>,
      %get3A_78 = arith.constant 16 : index
      %get3A_79 = tpu.vector_load %arg13[%get3A_78] {strides = array<i32>} : memref<384xf32, #tpu.memory_space<vmem>>, vector<16xf32>,
      %mul3A_80 = vector.broadcast %squeeze3A : f32 to vector<16xf32>
      %mul3A_81 = arith.mulf %mul3A_80, %get3A_79 : vector<16xf32>
      %get3A_82 = arith.constant 144 : index
      %get3A_83 = tpu.vector_load %arg13[%get3A_82] {strides = array<i32>} : memref<384xf32, #tpu.memory_space<vmem>>, vector<16xf32>,
      %mul3A_84 = vector.broadcast %squeeze3A_47 : f32 to vector<16xf32>
      %mul3A_85 = arith.mulf %mul3A_84, %get3A_83 : vector<16xf32>
      %add3A_86 = arith.addf %mul3A_81, %mul3A_85 : vector<16xf32>
      %get3A_87 = arith.constant 272 : index
      %get3A_88 = tpu.vector_load %arg13[%get3A_87] {strides = array<i32>} : memref<384xf32, #tpu.memory_space<vmem>>, vector<16xf32>,
      %mul3A_89 = vector.broadcast %squeeze3A_51 : f32 to vector<16xf32>
      %mul3A_90 = arith.mulf %mul3A_89, %get3A_88 : vector<16xf32>
      %add3A_91 = arith.addf %add3A_86, %mul3A_90 : vector<16xf32>
      %sub3A_92 = arith.subf %scan3A_58#1, %add3A_91 : vector<16xf32>
      %max3A_93 = arith.constant 0.000000e+00 : f32
      %max3A_94 = vector.broadcast %max3A_93 : f32 to vector<16xf32>
      %max3A_95 = arith.maximumf %sub3A_92, %max3A_94 : vector<16xf32>
      %swap3A_96 = arith.index_cast %mul3A_9 : i32 to index
      %swap3A_97 = arith.constant 16 : index
      %swap3A_98 = tpu.vector_load %arg15[%swap3A_96, %swap3A_97] {strides = array<i32>} : memref<160x128xf32, #tpu.memory_space<vmem>>, vector<16xf32>,
      tpu.vector_store %arg15[%swap3A_96, %swap3A_97], %max3A_95 {strides = array<i32>} : memref<160x128xf32, #tpu.memory_space<vmem>>, vector<16xf32>,
      %get3A_99 = arith.constant 32 : index
      %get3A_100 = tpu.vector_load %arg13[%get3A_99] {strides = array<i32>} : memref<384xf32, #tpu.memory_space<vmem>>, vector<16xf32>,
      %mul3A_101 = vector.broadcast %squeeze3A : f32 to vector<16xf32>
      %mul3A_102 = arith.mulf %mul3A_101, %get3A_100 : vector<16xf32>
      %get3A_103 = arith.constant 160 : index
      %get3A_104 = tpu.vector_load %arg13[%get3A_103] {strides = array<i32>} : memref<384xf32, #tpu.memory_space<vmem>>, vector<16xf32>,
      %mul3A_105 = vector.broadcast %squeeze3A_47 : f32 to vector<16xf32>
      %mul3A_106 = arith.mulf %mul3A_105, %get3A_104 : vector<16xf32>
      %add3A_107 = arith.addf %mul3A_102, %mul3A_106 : vector<16xf32>
      %get3A_108 = arith.constant 288 : index
      %get3A_109 = tpu.vector_load %arg13[%get3A_108] {strides = array<i32>} : memref<384xf32, #tpu.memory_space<vmem>>, vector<16xf32>,
      %mul3A_110 = vector.broadcast %squeeze3A_51 : f32 to vector<16xf32>
      %mul3A_111 = arith.mulf %mul3A_110, %get3A_109 : vector<16xf32>
      %add3A_112 = arith.addf %add3A_107, %mul3A_111 : vector<16xf32>
      %sub3A_113 = arith.subf %scan3A_58#2, %add3A_112 : vector<16xf32>
      %max3A_114 = arith.constant 0.000000e+00 : f32
      %max3A_115 = vector.broadcast %max3A_114 : f32 to vector<16xf32>
      %max3A_116 = arith.maximumf %sub3A_113, %max3A_115 : vector<16xf32>
      %swap3A_117 = arith.index_cast %mul3A_9 : i32 to index
      %swap3A_118 = arith.constant 32 : index
      %swap3A_119 = tpu.vector_load %arg15[%swap3A_117, %swap3A_118] {strides = array<i32>} : memref<160x128xf32, #tpu.memory_space<vmem>>, vector<16xf32>,
      tpu.vector_store %arg15[%swap3A_117, %swap3A_118], %max3A_116 {strides = array<i32>} : memref<160x128xf32, #tpu.memory_space<vmem>>, vector<16xf32>,
      %get3A_120 = arith.constant 48 : index
      %get3A_121 = tpu.vector_load %arg13[%get3A_120] {strides = array<i32>} : memref<384xf32, #tpu.memory_space<vmem>>, vector<16xf32>,
      %mul3A_122 = vector.broadcast %squeeze3A : f32 to vector<16xf32>
      %mul3A_123 = arith.mulf %mul3A_122, %get3A_121 : vector<16xf32>
      %get3A_124 = arith.constant 176 : index
      %get3A_125 = tpu.vector_load %arg13[%get3A_124] {strides = array<i32>} : memref<384xf32, #tpu.memory_space<vmem>>, vector<16xf32>,
      %mul3A_126 = vector.broadcast %squeeze3A_47 : f32 to vector<16xf32>
      %mul3A_127 = arith.mulf %mul3A_126, %get3A_125 : vector<16xf32>
      %add3A_128 = arith.addf %mul3A_123, %mul3A_127 : vector<16xf32>
      %get3A_129 = arith.constant 304 : index
      %get3A_130 = tpu.vector_load %arg13[%get3A_129] {strides = array<i32>} : memref<384xf32, #tpu.memory_space<vmem>>, vector<16xf32>,
      %mul3A_131 = vector.broadcast %squeeze3A_51 : f32 to vector<16xf32>
      %mul3A_132 = arith.mulf %mul3A_131, %get3A_130 : vector<16xf32>
      %add3A_133 = arith.addf %add3A_128, %mul3A_132 : vector<16xf32>
      %sub3A_134 = arith.subf %scan3A_58#3, %add3A_133 : vector<16xf32>
      %max3A_135 = arith.constant 0.000000e+00 : f32
      %max3A_136 = vector.broadcast %max3A_135 : f32 to vector<16xf32>
      %max3A_137 = arith.maximumf %sub3A_134, %max3A_136 : vector<16xf32>
      %swap3A_138 = arith.index_cast %mul3A_9 : i32 to index
      %swap3A_139 = arith.constant 48 : index
      %swap3A_140 = tpu.vector_load %arg15[%swap3A_138, %swap3A_139] {strides = array<i32>} : memref<160x128xf32, #tpu.memory_space<vmem>>, vector<16xf32>,
      tpu.vector_store %arg15[%swap3A_138, %swap3A_139], %max3A_137 {strides = array<i32>} : memref<160x128xf32, #tpu.memory_space<vmem>>, vector<16xf32>,
      %get3A_141 = arith.constant 64 : index
      %get3A_142 = tpu.vector_load %arg13[%get3A_141] {strides = array<i32>} : memref<384xf32, #tpu.memory_space<vmem>>, vector<16xf32>,
      %mul3A_143 = vector.broadcast %squeeze3A : f32 to vector<16xf32>
      %mul3A_144 = arith.mulf %mul3A_143, %get3A_142 : vector<16xf32>
      %get3A_145 = arith.constant 192 : index
      %get3A_146 = tpu.vector_load %arg13[%get3A_145] {strides = array<i32>} : memref<384xf32, #tpu.memory_space<vmem>>, vector<16xf32>,
      %mul3A_147 = vector.broadcast %squeeze3A_47 : f32 to vector<16xf32>
      %mul3A_148 = arith.mulf %mul3A_147, %get3A_146 : vector<16xf32>
      %add3A_149 = arith.addf %mul3A_144, %mul3A_148 : vector<16xf32>
      %get3A_150 = arith.constant 320 : index
      %get3A_151 = tpu.vector_load %arg13[%get3A_150] {strides = array<i32>} : memref<384xf32, #tpu.memory_space<vmem>>, vector<16xf32>,
      %mul3A_152 = vector.broadcast %squeeze3A_51 : f32 to vector<16xf32>
      %mul3A_153 = arith.mulf %mul3A_152, %get3A_151 : vector<16xf32>
      %add3A_154 = arith.addf %add3A_149, %mul3A_153 : vector<16xf32>
      %sub3A_155 = arith.subf %scan3A_58#4, %add3A_154 : vector<16xf32>
      %max3A_156 = arith.constant 0.000000e+00 : f32
      %max3A_157 = vector.broadcast %max3A_156 : f32 to vector<16xf32>
      %max3A_158 = arith.maximumf %sub3A_155, %max3A_157 : vector<16xf32>
      %swap3A_159 = arith.index_cast %mul3A_9 : i32 to index
      %swap3A_160 = arith.constant 64 : index
      %swap3A_161 = tpu.vector_load %arg15[%swap3A_159, %swap3A_160] {strides = array<i32>} : memref<160x128xf32, #tpu.memory_space<vmem>>, vector<16xf32>,
      tpu.vector_store %arg15[%swap3A_159, %swap3A_160], %max3A_158 {strides = array<i32>} : memref<160x128xf32, #tpu.memory_space<vmem>>, vector<16xf32>,
      %get3A_162 = arith.constant 80 : index
      %get3A_163 = tpu.vector_load %arg13[%get3A_162] {strides = array<i32>} : memref<384xf32, #tpu.memory_space<vmem>>, vector<16xf32>,
      %mul3A_164 = vector.broadcast %squeeze3A : f32 to vector<16xf32>
      %mul3A_165 = arith.mulf %mul3A_164, %get3A_163 : vector<16xf32>
      %get3A_166 = arith.constant 208 : index
      %get3A_167 = tpu.vector_load %arg13[%get3A_166] {strides = array<i32>} : memref<384xf32, #tpu.memory_space<vmem>>, vector<16xf32>,
      %mul3A_168 = vector.broadcast %squeeze3A_47 : f32 to vector<16xf32>
      %mul3A_169 = arith.mulf %mul3A_168, %get3A_167 : vector<16xf32>
      %add3A_170 = arith.addf %mul3A_165, %mul3A_169 : vector<16xf32>
      %get3A_171 = arith.constant 336 : index
      %get3A_172 = tpu.vector_load %arg13[%get3A_171] {strides = array<i32>} : memref<384xf32, #tpu.memory_space<vmem>>, vector<16xf32>,
      %mul3A_173 = vector.broadcast %squeeze3A_51 : f32 to vector<16xf32>
      %mul3A_174 = arith.mulf %mul3A_173, %get3A_172 : vector<16xf32>
      %add3A_175 = arith.addf %add3A_170, %mul3A_174 : vector<16xf32>
      %sub3A_176 = arith.subf %scan3A_58#5, %add3A_175 : vector<16xf32>
      %max3A_177 = arith.constant 0.000000e+00 : f32
      %max3A_178 = vector.broadcast %max3A_177 : f32 to vector<16xf32>
      %max3A_179 = arith.maximumf %sub3A_176, %max3A_178 : vector<16xf32>
      %swap3A_180 = arith.index_cast %mul3A_9 : i32 to index
      %swap3A_181 = arith.constant 80 : index
      %swap3A_182 = tpu.vector_load %arg15[%swap3A_180, %swap3A_181] {strides = array<i32>} : memref<160x128xf32, #tpu.memory_space<vmem>>, vector<16xf32>,
      tpu.vector_store %arg15[%swap3A_180, %swap3A_181], %max3A_179 {strides = array<i32>} : memref<160x128xf32, #tpu.memory_space<vmem>>, vector<16xf32>,
      %get3A_183 = arith.constant 96 : index
      %get3A_184 = tpu.vector_load %arg13[%get3A_183] {strides = array<i32>} : memref<384xf32, #tpu.memory_space<vmem>>, vector<16xf32>,
      %mul3A_185 = vector.broadcast %squeeze3A : f32 to vector<16xf32>
      %mul3A_186 = arith.mulf %mul3A_185, %get3A_184 : vector<16xf32>
      %get3A_187 = arith.constant 224 : index
      %get3A_188 = tpu.vector_load %arg13[%get3A_187] {strides = array<i32>} : memref<384xf32, #tpu.memory_space<vmem>>, vector<16xf32>,
      %mul3A_189 = vector.broadcast %squeeze3A_47 : f32 to vector<16xf32>
      %mul3A_190 = arith.mulf %mul3A_189, %get3A_188 : vector<16xf32>
      %add3A_191 = arith.addf %mul3A_186, %mul3A_190 : vector<16xf32>
      %get3A_192 = arith.constant 352 : index
      %get3A_193 = tpu.vector_load %arg13[%get3A_192] {strides = array<i32>} : memref<384xf32, #tpu.memory_space<vmem>>, vector<16xf32>,
      %mul3A_194 = vector.broadcast %squeeze3A_51 : f32 to vector<16xf32>
      %mul3A_195 = arith.mulf %mul3A_194, %get3A_193 : vector<16xf32>
      %add3A_196 = arith.addf %add3A_191, %mul3A_195 : vector<16xf32>
      %sub3A_197 = arith.subf %scan3A_58#6, %add3A_196 : vector<16xf32>
      %max3A_198 = arith.constant 0.000000e+00 : f32
      %max3A_199 = vector.broadcast %max3A_198 : f32 to vector<16xf32>
      %max3A_200 = arith.maximumf %sub3A_197, %max3A_199 : vector<16xf32>
      %swap3A_201 = arith.index_cast %mul3A_9 : i32 to index
      %swap3A_202 = arith.constant 96 : index
      %swap3A_203 = tpu.vector_load %arg15[%swap3A_201, %swap3A_202] {strides = array<i32>} : memref<160x128xf32, #tpu.memory_space<vmem>>, vector<16xf32>,
      tpu.vector_store %arg15[%swap3A_201, %swap3A_202], %max3A_200 {strides = array<i32>} : memref<160x128xf32, #tpu.memory_space<vmem>>, vector<16xf32>,
      %get3A_204 = arith.constant 112 : index
      %get3A_205 = tpu.vector_load %arg13[%get3A_204] {strides = array<i32>} : memref<384xf32, #tpu.memory_space<vmem>>, vector<16xf32>,
      %mul3A_206 = vector.broadcast %squeeze3A : f32 to vector<16xf32>
      %mul3A_207 = arith.mulf %mul3A_206, %get3A_205 : vector<16xf32>
      %get3A_208 = arith.constant 240 : index
      %get3A_209 = tpu.vector_load %arg13[%get3A_208] {strides = array<i32>} : memref<384xf32, #tpu.memory_space<vmem>>, vector<16xf32>,
      %mul3A_210 = vector.broadcast %squeeze3A_47 : f32 to vector<16xf32>
      %mul3A_211 = arith.mulf %mul3A_210, %get3A_209 : vector<16xf32>
      %add3A_212 = arith.addf %mul3A_207, %mul3A_211 : vector<16xf32>
      %get3A_213 = arith.constant 368 : index
      %get3A_214 = tpu.vector_load %arg13[%get3A_213] {strides = array<i32>} : memref<384xf32, #tpu.memory_space<vmem>>, vector<16xf32>,
      %mul3A_215 = vector.broadcast %squeeze3A_51 : f32 to vector<16xf32>
      %mul3A_216 = arith.mulf %mul3A_215, %get3A_214 : vector<16xf32>
      %add3A_217 = arith.addf %add3A_212, %mul3A_216 : vector<16xf32>
      %sub3A_218 = arith.subf %scan3A_58#7, %add3A_217 : vector<16xf32>
      %max3A_219 = arith.constant 0.000000e+00 : f32
      %max3A_220 = vector.broadcast %max3A_219 : f32 to vector<16xf32>
      %max3A_221 = arith.maximumf %sub3A_218, %max3A_220 : vector<16xf32>
      %swap3A_222 = arith.index_cast %mul3A_9 : i32 to index
      %swap3A_223 = arith.constant 112 : index
      %swap3A_224 = tpu.vector_load %arg15[%swap3A_222, %swap3A_223] {strides = array<i32>} : memref<160x128xf32, #tpu.memory_space<vmem>>, vector<16xf32>,
      tpu.vector_store %arg15[%swap3A_222, %swap3A_223], %max3A_221 {strides = array<i32>} : memref<160x128xf32, #tpu.memory_space<vmem>>, vector<16xf32>,
      %dma_wait3A_225 = arith.constant 1 : i32
      %dma_wait3A_226 = arith.constant 0 : i32
      %dma_wait3A_227 = arith.constant 0 : i32
      %dma_wait3A_228 = tpu.memref_slice %arg14[%dma_wait3A_225, %dma_wait3A_226, %dma_wait3A_227] : memref<2x64x128xf32, #tpu.memory_space<vmem>> -> memref<1x64x128xf32, #tpu.memory_space<vmem>>
      %dma_wait3A_229 = tpu.memref_squeeze %dma_wait3A_228 : memref<1x64x128xf32, #tpu.memory_space<vmem>> -> memref<64x128xf32, #tpu.memory_space<vmem>>
      %dma_wait3A_230 = arith.constant 0 : i32
      %dma_wait3A_231 = tpu.memref_slice %arg9[%add3A_11, %dma_wait3A_230] : memref<160x64xi32, #tpu.memory_space<vmem>> -> memref<1x64xi32, #tpu.memory_space<vmem>>
      %dma_wait3A_232 = tpu.memref_squeeze %dma_wait3A_231 : memref<1x64xi32, #tpu.memory_space<vmem>> -> memref<64xi32, #tpu.memory_space<vmem>>
      %dma_wait3A_233 = arith.constant 0 : i32
      %dma_wait3A_234 = arith.constant 0 : i32
      %dma_wait3A_235 = tpu.memref_slice %arg2[%dma_wait3A_233, %dma_wait3A_234] : memref<10240x128xf32, #tpu.memory_space<hbm>> -> memref<10240x128xf32, #tpu.memory_space<hbm>>
      tpu.wait_indirect_dma semaphore(%arg17 : memref<!tpu.dma_semaphore, #tpu.memory_space<semaphore_mem>>) src(%dma_wait3A_235 : memref<10240x128xf32, #tpu.memory_space<hbm>>) dst(%dma_wait3A_229 : memref<64x128xf32, #tpu.memory_space<vmem>>)
      %get3A_236 = arith.index_cast %add3A_11 : i32 to index
      %get3A_237 = tpu.vector_load %arg10[%get3A_236] {strides = array<i32>} : memref<176xf32, #tpu.memory_space<vmem>>, vector<16xf32>,
      %slice3A_238 = vector.extract_strided_slice %get3A_237 {offsets = [0], sizes = [1], strides = [1]} : vector<16xf32> to vector<1xf32>
      %squeeze3A_239 = vector.extract %slice3A_238[0] : f32 from vector<1xf32>
      %get3A_240 = arith.index_cast %add3A_11 : i32 to index
      %get3A_241 = tpu.vector_load %arg11[%get3A_240] {strides = array<i32>} : memref<176xf32, #tpu.memory_space<vmem>>, vector<16xf32>,
      %slice3A_242 = vector.extract_strided_slice %get3A_241 {offsets = [0], sizes = [1], strides = [1]} : vector<16xf32> to vector<1xf32>
      %squeeze3A_243 = vector.extract %slice3A_242[0] : f32 from vector<1xf32>
      %get3A_244 = arith.index_cast %add3A_11 : i32 to index
      %get3A_245 = tpu.vector_load %arg12[%get3A_244] {strides = array<i32>} : memref<176xf32, #tpu.memory_space<vmem>>, vector<16xf32>,
      %slice3A_246 = vector.extract_strided_slice %get3A_245 {offsets = [0], sizes = [1], strides = [1]} : vector<16xf32> to vector<1xf32>
      %squeeze3A_247 = vector.extract %slice3A_246[0] : f32 from vector<1xf32>
      %broadcast_in_dim3A_248 = arith.constant -1.000000e+30 : f32
      %broadcast_in_dim3A_249 = vector.broadcast %broadcast_in_dim3A_248 : f32 to vector<16xf32>
      %scan3A_250 = arith.constant 1 : i32
      %scan3A_251 = arith.constant 0 : i32
      %scan3A_252 = arith.constant 64 : i32
      %scan3A_253 = arith.addi %scan3A_251, %scan3A_252 : i32
      %scan3A_254 = arith.constant 1 : i32
      %scan3A_255:8 = scf.for %scan3A_425 = %scan3A_251 to %scan3A_253 step %scan3A_254 iter_args(%scan3A_426 = %broadcast_in_dim3A_249, %scan3A_427 = %broadcast_in_dim3A_249, %scan3A_428 = %broadcast_in_dim3A_249, %scan3A_429 = %broadcast_in_dim3A_249, %scan3A_430 = %broadcast_in_dim3A_249, %scan3A_431 = %broadcast_in_dim3A_249, %scan3A_432 = %broadcast_in_dim3A_249, %scan3A_433 = %broadcast_in_dim3A_249) -> (vector<16xf32>, vector<16xf32>, vector<16xf32>, vector<16xf32>, vector<16xf32>, vector<16xf32>, vector<16xf32>, vector<16xf32>)  : i32 {
        %get3A_434 = arith.constant 0 : i32
        %get3A_435 = arith.constant 0 : i32
        %get3A_436 = tpu.memref_slice %arg14[%scan3A_250, %get3A_434, %get3A_435] : memref<2x64x128xf32, #tpu.memory_space<vmem>> -> memref<1x64x128xf32, #tpu.memory_space<vmem>>
        %get3A_437 = tpu.memref_squeeze %get3A_436 : memref<1x64x128xf32, #tpu.memory_space<vmem>> -> memref<64x128xf32, #tpu.memory_space<vmem>>
        %get3A_438 = arith.index_cast %scan3A_425 : i32 to index
        %get3A_439 = arith.constant 0 : index
        %get3A_440 = tpu.vector_load %get3A_437[%get3A_438, %get3A_439] {strides = array<i32>} : memref<64x128xf32, #tpu.memory_space<vmem>>, vector<16xf32>,
        %max3A_441 = arith.maximumf %scan3A_426, %get3A_440 : vector<16xf32>
        %get3A_442 = arith.constant 0 : i32
        %get3A_443 = arith.constant 0 : i32
        %get3A_444 = tpu.memref_slice %arg14[%scan3A_250, %get3A_442, %get3A_443] : memref<2x64x128xf32, #tpu.memory_space<vmem>> -> memref<1x64x128xf32, #tpu.memory_space<vmem>>
        %get3A_445 = tpu.memref_squeeze %get3A_444 : memref<1x64x128xf32, #tpu.memory_space<vmem>> -> memref<64x128xf32, #tpu.memory_space<vmem>>
        %get3A_446 = arith.index_cast %scan3A_425 : i32 to index
        %get3A_447 = arith.constant 16 : index
        %get3A_448 = tpu.vector_load %get3A_445[%get3A_446, %get3A_447] {strides = array<i32>} : memref<64x128xf32, #tpu.memory_space<vmem>>, vector<16xf32>,
        %max3A_449 = arith.maximumf %scan3A_427, %get3A_448 : vector<16xf32>
        %get3A_450 = arith.constant 0 : i32
        %get3A_451 = arith.constant 0 : i32
        %get3A_452 = tpu.memref_slice %arg14[%scan3A_250, %get3A_450, %get3A_451] : memref<2x64x128xf32, #tpu.memory_space<vmem>> -> memref<1x64x128xf32, #tpu.memory_space<vmem>>
        %get3A_453 = tpu.memref_squeeze %get3A_452 : memref<1x64x128xf32, #tpu.memory_space<vmem>> -> memref<64x128xf32, #tpu.memory_space<vmem>>
        %get3A_454 = arith.index_cast %scan3A_425 : i32 to index
        %get3A_455 = arith.constant 32 : index
        %get3A_456 = tpu.vector_load %get3A_453[%get3A_454, %get3A_455] {strides = array<i32>} : memref<64x128xf32, #tpu.memory_space<vmem>>, vector<16xf32>,
        %max3A_457 = arith.maximumf %scan3A_428, %get3A_456 : vector<16xf32>
        %get3A_458 = arith.constant 0 : i32
        %get3A_459 = arith.constant 0 : i32
        %get3A_460 = tpu.memref_slice %arg14[%scan3A_250, %get3A_458, %get3A_459] : memref<2x64x128xf32, #tpu.memory_space<vmem>> -> memref<1x64x128xf32, #tpu.memory_space<vmem>>
        %get3A_461 = tpu.memref_squeeze %get3A_460 : memref<1x64x128xf32, #tpu.memory_space<vmem>> -> memref<64x128xf32, #tpu.memory_space<vmem>>
        %get3A_462 = arith.index_cast %scan3A_425 : i32 to index
        %get3A_463 = arith.constant 48 : index
        %get3A_464 = tpu.vector_load %get3A_461[%get3A_462, %get3A_463] {strides = array<i32>} : memref<64x128xf32, #tpu.memory_space<vmem>>, vector<16xf32>,
        %max3A_465 = arith.maximumf %scan3A_429, %get3A_464 : vector<16xf32>
        %get3A_466 = arith.constant 0 : i32
        %get3A_467 = arith.constant 0 : i32
        %get3A_468 = tpu.memref_slice %arg14[%scan3A_250, %get3A_466, %get3A_467] : memref<2x64x128xf32, #tpu.memory_space<vmem>> -> memref<1x64x128xf32, #tpu.memory_space<vmem>>
        %get3A_469 = tpu.memref_squeeze %get3A_468 : memref<1x64x128xf32, #tpu.memory_space<vmem>> -> memref<64x128xf32, #tpu.memory_space<vmem>>
        %get3A_470 = arith.index_cast %scan3A_425 : i32 to index
        %get3A_471 = arith.constant 64 : index
        %get3A_472 = tpu.vector_load %get3A_469[%get3A_470, %get3A_471] {strides = array<i32>} : memref<64x128xf32, #tpu.memory_space<vmem>>, vector<16xf32>,
        %max3A_473 = arith.maximumf %scan3A_430, %get3A_472 : vector<16xf32>
        %get3A_474 = arith.constant 0 : i32
        %get3A_475 = arith.constant 0 : i32
        %get3A_476 = tpu.memref_slice %arg14[%scan3A_250, %get3A_474, %get3A_475] : memref<2x64x128xf32, #tpu.memory_space<vmem>> -> memref<1x64x128xf32, #tpu.memory_space<vmem>>
        %get3A_477 = tpu.memref_squeeze %get3A_476 : memref<1x64x128xf32, #tpu.memory_space<vmem>> -> memref<64x128xf32, #tpu.memory_space<vmem>>
        %get3A_478 = arith.index_cast %scan3A_425 : i32 to index
        %get3A_479 = arith.constant 80 : index
        %get3A_480 = tpu.vector_load %get3A_477[%get3A_478, %get3A_479] {strides = array<i32>} : memref<64x128xf32, #tpu.memory_space<vmem>>, vector<16xf32>,
        %max3A_481 = arith.maximumf %scan3A_431, %get3A_480 : vector<16xf32>
        %get3A_482 = arith.constant 0 : i32
        %get3A_483 = arith.constant 0 : i32
        %get3A_484 = tpu.memref_slice %arg14[%scan3A_250, %get3A_482, %get3A_483] : memref<2x64x128xf32, #tpu.memory_space<vmem>> -> memref<1x64x128xf32, #tpu.memory_space<vmem>>
        %get3A_485 = tpu.memref_squeeze %get3A_484 : memref<1x64x128xf32, #tpu.memory_space<vmem>> -> memref<64x128xf32, #tpu.memory_space<vmem>>
        %get3A_486 = arith.index_cast %scan3A_425 : i32 to index
        %get3A_487 = arith.constant 96 : index
        %get3A_488 = tpu.vector_load %get3A_485[%get3A_486, %get3A_487] {strides = array<i32>} : memref<64x128xf32, #tpu.memory_space<vmem>>, vector<16xf32>,
        %max3A_489 = arith.maximumf %scan3A_432, %get3A_488 : vector<16xf32>
        %get3A_490 = arith.constant 0 : i32
        %get3A_491 = arith.constant 0 : i32
        %get3A_492 = tpu.memref_slice %arg14[%scan3A_250, %get3A_490, %get3A_491] : memref<2x64x128xf32, #tpu.memory_space<vmem>> -> memref<1x64x128xf32, #tpu.memory_space<vmem>>
        %get3A_493 = tpu.memref_squeeze %get3A_492 : memref<1x64x128xf32, #tpu.memory_space<vmem>> -> memref<64x128xf32, #tpu.memory_space<vmem>>
        %get3A_494 = arith.index_cast %scan3A_425 : i32 to index
        %get3A_495 = arith.constant 112 : index
        %get3A_496 = tpu.vector_load %get3A_493[%get3A_494, %get3A_495] {strides = array<i32>} : memref<64x128xf32, #tpu.memory_space<vmem>>, vector<16xf32>,
        %max3A_497 = arith.maximumf %scan3A_433, %get3A_496 : vector<16xf32>
        scf.yield %max3A_441, %max3A_449, %max3A_457, %max3A_465, %max3A_473, %max3A_481, %max3A_489, %max3A_497 : vector<16xf32>, vector<16xf32>, vector<16xf32>, vector<16xf32>, vector<16xf32>, vector<16xf32>, vector<16xf32>, vector<16xf32>
      }
      %scan3A_256 = arith.constant 64 : i32
      %get3A_257 = arith.constant 0 : index
      %get3A_258 = tpu.vector_load %arg13[%get3A_257] {strides = array<i32>} : memref<384xf32, #tpu.memory_space<vmem>>, vector<16xf32>,
      %mul3A_259 = vector.broadcast %squeeze3A_239 : f32 to vector<16xf32>
      %mul3A_260 = arith.mulf %mul3A_259, %get3A_258 : vector<16xf32>
      %get3A_261 = arith.constant 128 : index
      %get3A_262 = tpu.vector_load %arg13[%get3A_261] {strides = array<i32>} : memref<384xf32, #tpu.memory_space<vmem>>, vector<16xf32>,
      %mul3A_263 = vector.broadcast %squeeze3A_243 : f32 to vector<16xf32>
      %mul3A_264 = arith.mulf %mul3A_263, %get3A_262 : vector<16xf32>
      %add3A_265 = arith.addf %mul3A_260, %mul3A_264 : vector<16xf32>
      %get3A_266 = arith.constant 256 : index
      %get3A_267 = tpu.vector_load %arg13[%get3A_266] {strides = array<i32>} : memref<384xf32, #tpu.memory_space<vmem>>, vector<16xf32>,
      %mul3A_268 = vector.broadcast %squeeze3A_247 : f32 to vector<16xf32>
      %mul3A_269 = arith.mulf %mul3A_268, %get3A_267 : vector<16xf32>
      %add3A_270 = arith.addf %add3A_265, %mul3A_269 : vector<16xf32>
      %sub3A_271 = arith.subf %scan3A_255#0, %add3A_270 : vector<16xf32>
      %max3A_272 = arith.constant 0.000000e+00 : f32
      %max3A_273 = vector.broadcast %max3A_272 : f32 to vector<16xf32>
      %max3A_274 = arith.maximumf %sub3A_271, %max3A_273 : vector<16xf32>
      %swap3A_275 = arith.index_cast %add3A_11 : i32 to index
      %swap3A_276 = arith.constant 0 : index
      %swap3A_277 = tpu.vector_load %arg15[%swap3A_275, %swap3A_276] {strides = array<i32>} : memref<160x128xf32, #tpu.memory_space<vmem>>, vector<16xf32>,
      tpu.vector_store %arg15[%swap3A_275, %swap3A_276], %max3A_274 {strides = array<i32>} : memref<160x128xf32, #tpu.memory_space<vmem>>, vector<16xf32>,
      %get3A_278 = arith.constant 16 : index
      %get3A_279 = tpu.vector_load %arg13[%get3A_278] {strides = array<i32>} : memref<384xf32, #tpu.memory_space<vmem>>, vector<16xf32>,
      %mul3A_280 = vector.broadcast %squeeze3A_239 : f32 to vector<16xf32>
      %mul3A_281 = arith.mulf %mul3A_280, %get3A_279 : vector<16xf32>
      %get3A_282 = arith.constant 144 : index
      %get3A_283 = tpu.vector_load %arg13[%get3A_282] {strides = array<i32>} : memref<384xf32, #tpu.memory_space<vmem>>, vector<16xf32>,
      %mul3A_284 = vector.broadcast %squeeze3A_243 : f32 to vector<16xf32>
      %mul3A_285 = arith.mulf %mul3A_284, %get3A_283 : vector<16xf32>
      %add3A_286 = arith.addf %mul3A_281, %mul3A_285 : vector<16xf32>
      %get3A_287 = arith.constant 272 : index
      %get3A_288 = tpu.vector_load %arg13[%get3A_287] {strides = array<i32>} : memref<384xf32, #tpu.memory_space<vmem>>, vector<16xf32>,
      %mul3A_289 = vector.broadcast %squeeze3A_247 : f32 to vector<16xf32>
      %mul3A_290 = arith.mulf %mul3A_289, %get3A_288 : vector<16xf32>
      %add3A_291 = arith.addf %add3A_286, %mul3A_290 : vector<16xf32>
      %sub3A_292 = arith.subf %scan3A_255#1, %add3A_291 : vector<16xf32>
      %max3A_293 = arith.constant 0.000000e+00 : f32
      %max3A_294 = vector.broadcast %max3A_293 : f32 to vector<16xf32>
      %max3A_295 = arith.maximumf %sub3A_292, %max3A_294 : vector<16xf32>
      %swap3A_296 = arith.index_cast %add3A_11 : i32 to index
      %swap3A_297 = arith.constant 16 : index
      %swap3A_298 = tpu.vector_load %arg15[%swap3A_296, %swap3A_297] {strides = array<i32>} : memref<160x128xf32, #tpu.memory_space<vmem>>, vector<16xf32>,
      tpu.vector_store %arg15[%swap3A_296, %swap3A_297], %max3A_295 {strides = array<i32>} : memref<160x128xf32, #tpu.memory_space<vmem>>, vector<16xf32>,
      %get3A_299 = arith.constant 32 : index
      %get3A_300 = tpu.vector_load %arg13[%get3A_299] {strides = array<i32>} : memref<384xf32, #tpu.memory_space<vmem>>, vector<16xf32>,
      %mul3A_301 = vector.broadcast %squeeze3A_239 : f32 to vector<16xf32>
      %mul3A_302 = arith.mulf %mul3A_301, %get3A_300 : vector<16xf32>
      %get3A_303 = arith.constant 160 : index
      %get3A_304 = tpu.vector_load %arg13[%get3A_303] {strides = array<i32>} : memref<384xf32, #tpu.memory_space<vmem>>, vector<16xf32>,
      %mul3A_305 = vector.broadcast %squeeze3A_243 : f32 to vector<16xf32>
      %mul3A_306 = arith.mulf %mul3A_305, %get3A_304 : vector<16xf32>
      %add3A_307 = arith.addf %mul3A_302, %mul3A_306 : vector<16xf32>
      %get3A_308 = arith.constant 288 : index
      %get3A_309 = tpu.vector_load %arg13[%get3A_308] {strides = array<i32>} : memref<384xf32, #tpu.memory_space<vmem>>, vector<16xf32>,
      %mul3A_310 = vector.broadcast %squeeze3A_247 : f32 to vector<16xf32>
      %mul3A_311 = arith.mulf %mul3A_310, %get3A_309 : vector<16xf32>
      %add3A_312 = arith.addf %add3A_307, %mul3A_311 : vector<16xf32>
      %sub3A_313 = arith.subf %scan3A_255#2, %add3A_312 : vector<16xf32>
      %max3A_314 = arith.constant 0.000000e+00 : f32
      %max3A_315 = vector.broadcast %max3A_314 : f32 to vector<16xf32>
      %max3A_316 = arith.maximumf %sub3A_313, %max3A_315 : vector<16xf32>
      %swap3A_317 = arith.index_cast %add3A_11 : i32 to index
      %swap3A_318 = arith.constant 32 : index
      %swap3A_319 = tpu.vector_load %arg15[%swap3A_317, %swap3A_318] {strides = array<i32>} : memref<160x128xf32, #tpu.memory_space<vmem>>, vector<16xf32>,
      tpu.vector_store %arg15[%swap3A_317, %swap3A_318], %max3A_316 {strides = array<i32>} : memref<160x128xf32, #tpu.memory_space<vmem>>, vector<16xf32>,
      %get3A_320 = arith.constant 48 : index
      %get3A_321 = tpu.vector_load %arg13[%get3A_320] {strides = array<i32>} : memref<384xf32, #tpu.memory_space<vmem>>, vector<16xf32>,
      %mul3A_322 = vector.broadcast %squeeze3A_239 : f32 to vector<16xf32>
      %mul3A_323 = arith.mulf %mul3A_322, %get3A_321 : vector<16xf32>
      %get3A_324 = arith.constant 176 : index
      %get3A_325 = tpu.vector_load %arg13[%get3A_324] {strides = array<i32>} : memref<384xf32, #tpu.memory_space<vmem>>, vector<16xf32>,
      %mul3A_326 = vector.broadcast %squeeze3A_243 : f32 to vector<16xf32>
      %mul3A_327 = arith.mulf %mul3A_326, %get3A_325 : vector<16xf32>
      %add3A_328 = arith.addf %mul3A_323, %mul3A_327 : vector<16xf32>
      %get3A_329 = arith.constant 304 : index
      %get3A_330 = tpu.vector_load %arg13[%get3A_329] {strides = array<i32>} : memref<384xf32, #tpu.memory_space<vmem>>, vector<16xf32>,
      %mul3A_331 = vector.broadcast %squeeze3A_247 : f32 to vector<16xf32>
      %mul3A_332 = arith.mulf %mul3A_331, %get3A_330 : vector<16xf32>
      %add3A_333 = arith.addf %add3A_328, %mul3A_332 : vector<16xf32>
      %sub3A_334 = arith.subf %scan3A_255#3, %add3A_333 : vector<16xf32>
      %max3A_335 = arith.constant 0.000000e+00 : f32
      %max3A_336 = vector.broadcast %max3A_335 : f32 to vector<16xf32>
      %max3A_337 = arith.maximumf %sub3A_334, %max3A_336 : vector<16xf32>
      %swap3A_338 = arith.index_cast %add3A_11 : i32 to index
      %swap3A_339 = arith.constant 48 : index
      %swap3A_340 = tpu.vector_load %arg15[%swap3A_338, %swap3A_339] {strides = array<i32>} : memref<160x128xf32, #tpu.memory_space<vmem>>, vector<16xf32>,
      tpu.vector_store %arg15[%swap3A_338, %swap3A_339], %max3A_337 {strides = array<i32>} : memref<160x128xf32, #tpu.memory_space<vmem>>, vector<16xf32>,
      %get3A_341 = arith.constant 64 : index
      %get3A_342 = tpu.vector_load %arg13[%get3A_341] {strides = array<i32>} : memref<384xf32, #tpu.memory_space<vmem>>, vector<16xf32>,
      %mul3A_343 = vector.broadcast %squeeze3A_239 : f32 to vector<16xf32>
      %mul3A_344 = arith.mulf %mul3A_343, %get3A_342 : vector<16xf32>
      %get3A_345 = arith.constant 192 : index
      %get3A_346 = tpu.vector_load %arg13[%get3A_345] {strides = array<i32>} : memref<384xf32, #tpu.memory_space<vmem>>, vector<16xf32>,
      %mul3A_347 = vector.broadcast %squeeze3A_243 : f32 to vector<16xf32>
      %mul3A_348 = arith.mulf %mul3A_347, %get3A_346 : vector<16xf32>
      %add3A_349 = arith.addf %mul3A_344, %mul3A_348 : vector<16xf32>
      %get3A_350 = arith.constant 320 : index
      %get3A_351 = tpu.vector_load %arg13[%get3A_350] {strides = array<i32>} : memref<384xf32, #tpu.memory_space<vmem>>, vector<16xf32>,
      %mul3A_352 = vector.broadcast %squeeze3A_247 : f32 to vector<16xf32>
      %mul3A_353 = arith.mulf %mul3A_352, %get3A_351 : vector<16xf32>
      %add3A_354 = arith.addf %add3A_349, %mul3A_353 : vector<16xf32>
      %sub3A_355 = arith.subf %scan3A_255#4, %add3A_354 : vector<16xf32>
      %max3A_356 = arith.constant 0.000000e+00 : f32
      %max3A_357 = vector.broadcast %max3A_356 : f32 to vector<16xf32>
      %max3A_358 = arith.maximumf %sub3A_355, %max3A_357 : vector<16xf32>
      %swap3A_359 = arith.index_cast %add3A_11 : i32 to index
      %swap3A_360 = arith.constant 64 : index
      %swap3A_361 = tpu.vector_load %arg15[%swap3A_359, %swap3A_360] {strides = array<i32>} : memref<160x128xf32, #tpu.memory_space<vmem>>, vector<16xf32>,
      tpu.vector_store %arg15[%swap3A_359, %swap3A_360], %max3A_358 {strides = array<i32>} : memref<160x128xf32, #tpu.memory_space<vmem>>, vector<16xf32>,
      %get3A_362 = arith.constant 80 : index
      %get3A_363 = tpu.vector_load %arg13[%get3A_362] {strides = array<i32>} : memref<384xf32, #tpu.memory_space<vmem>>, vector<16xf32>,
      %mul3A_364 = vector.broadcast %squeeze3A_239 : f32 to vector<16xf32>
      %mul3A_365 = arith.mulf %mul3A_364, %get3A_363 : vector<16xf32>
      %get3A_366 = arith.constant 208 : index
      %get3A_367 = tpu.vector_load %arg13[%get3A_366] {strides = array<i32>} : memref<384xf32, #tpu.memory_space<vmem>>, vector<16xf32>,
      %mul3A_368 = vector.broadcast %squeeze3A_243 : f32 to vector<16xf32>
      %mul3A_369 = arith.mulf %mul3A_368, %get3A_367 : vector<16xf32>
      %add3A_370 = arith.addf %mul3A_365, %mul3A_369 : vector<16xf32>
      %get3A_371 = arith.constant 336 : index
      %get3A_372 = tpu.vector_load %arg13[%get3A_371] {strides = array<i32>} : memref<384xf32, #tpu.memory_space<vmem>>, vector<16xf32>,
      %mul3A_373 = vector.broadcast %squeeze3A_247 : f32 to vector<16xf32>
      %mul3A_374 = arith.mulf %mul3A_373, %get3A_372 : vector<16xf32>
      %add3A_375 = arith.addf %add3A_370, %mul3A_374 : vector<16xf32>
      %sub3A_376 = arith.subf %scan3A_255#5, %add3A_375 : vector<16xf32>
      %max3A_377 = arith.constant 0.000000e+00 : f32
      %max3A_378 = vector.broadcast %max3A_377 : f32 to vector<16xf32>
      %max3A_379 = arith.maximumf %sub3A_376, %max3A_378 : vector<16xf32>
      %swap3A_380 = arith.index_cast %add3A_11 : i32 to index
      %swap3A_381 = arith.constant 80 : index
      %swap3A_382 = tpu.vector_load %arg15[%swap3A_380, %swap3A_381] {strides = array<i32>} : memref<160x128xf32, #tpu.memory_space<vmem>>, vector<16xf32>,
      tpu.vector_store %arg15[%swap3A_380, %swap3A_381], %max3A_379 {strides = array<i32>} : memref<160x128xf32, #tpu.memory_space<vmem>>, vector<16xf32>,
      %get3A_383 = arith.constant 96 : index
      %get3A_384 = tpu.vector_load %arg13[%get3A_383] {strides = array<i32>} : memref<384xf32, #tpu.memory_space<vmem>>, vector<16xf32>,
      %mul3A_385 = vector.broadcast %squeeze3A_239 : f32 to vector<16xf32>
      %mul3A_386 = arith.mulf %mul3A_385, %get3A_384 : vector<16xf32>
      %get3A_387 = arith.constant 224 : index
      %get3A_388 = tpu.vector_load %arg13[%get3A_387] {strides = array<i32>} : memref<384xf32, #tpu.memory_space<vmem>>, vector<16xf32>,
      %mul3A_389 = vector.broadcast %squeeze3A_243 : f32 to vector<16xf32>
      %mul3A_390 = arith.mulf %mul3A_389, %get3A_388 : vector<16xf32>
      %add3A_391 = arith.addf %mul3A_386, %mul3A_390 : vector<16xf32>
      %get3A_392 = arith.constant 352 : index
      %get3A_393 = tpu.vector_load %arg13[%get3A_392] {strides = array<i32>} : memref<384xf32, #tpu.memory_space<vmem>>, vector<16xf32>,
      %mul3A_394 = vector.broadcast %squeeze3A_247 : f32 to vector<16xf32>
      %mul3A_395 = arith.mulf %mul3A_394, %get3A_393 : vector<16xf32>
      %add3A_396 = arith.addf %add3A_391, %mul3A_395 : vector<16xf32>
      %sub3A_397 = arith.subf %scan3A_255#6, %add3A_396 : vector<16xf32>
      %max3A_398 = arith.constant 0.000000e+00 : f32
      %max3A_399 = vector.broadcast %max3A_398 : f32 to vector<16xf32>
      %max3A_400 = arith.maximumf %sub3A_397, %max3A_399 : vector<16xf32>
      %swap3A_401 = arith.index_cast %add3A_11 : i32 to index
      %swap3A_402 = arith.constant 96 : index
      %swap3A_403 = tpu.vector_load %arg15[%swap3A_401, %swap3A_402] {strides = array<i32>} : memref<160x128xf32, #tpu.memory_space<vmem>>, vector<16xf32>,
      tpu.vector_store %arg15[%swap3A_401, %swap3A_402], %max3A_400 {strides = array<i32>} : memref<160x128xf32, #tpu.memory_space<vmem>>, vector<16xf32>,
      %get3A_404 = arith.constant 112 : index
      %get3A_405 = tpu.vector_load %arg13[%get3A_404] {strides = array<i32>} : memref<384xf32, #tpu.memory_space<vmem>>, vector<16xf32>,
      %mul3A_406 = vector.broadcast %squeeze3A_239 : f32 to vector<16xf32>
      %mul3A_407 = arith.mulf %mul3A_406, %get3A_405 : vector<16xf32>
      %get3A_408 = arith.constant 240 : index
      %get3A_409 = tpu.vector_load %arg13[%get3A_408] {strides = array<i32>} : memref<384xf32, #tpu.memory_space<vmem>>, vector<16xf32>,
      %mul3A_410 = vector.broadcast %squeeze3A_243 : f32 to vector<16xf32>
      %mul3A_411 = arith.mulf %mul3A_410, %get3A_409 : vector<16xf32>
      %add3A_412 = arith.addf %mul3A_407, %mul3A_411 : vector<16xf32>
      %get3A_413 = arith.constant 368 : index
      %get3A_414 = tpu.vector_load %arg13[%get3A_413] {strides = array<i32>} : memref<384xf32, #tpu.memory_space<vmem>>, vector<16xf32>,
      %mul3A_415 = vector.broadcast %squeeze3A_247 : f32 to vector<16xf32>
      %mul3A_416 = arith.mulf %mul3A_415, %get3A_414 : vector<16xf32>
      %add3A_417 = arith.addf %add3A_412, %mul3A_416 : vector<16xf32>
      %sub3A_418 = arith.subf %scan3A_255#7, %add3A_417 : vector<16xf32>
      %max3A_419 = arith.constant 0.000000e+00 : f32
      %max3A_420 = vector.broadcast %max3A_419 : f32 to vector<16xf32>
      %max3A_421 = arith.maximumf %sub3A_418, %max3A_420 : vector<16xf32>
      %swap3A_422 = arith.index_cast %add3A_11 : i32 to index
      %swap3A_423 = arith.constant 112 : index
      %swap3A_424 = tpu.vector_load %arg15[%swap3A_422, %swap3A_423] {strides = array<i32>} : memref<160x128xf32, #tpu.memory_space<vmem>>, vector<16xf32>,
      tpu.vector_store %arg15[%swap3A_422, %swap3A_423], %max3A_421 {strides = array<i32>} : memref<160x128xf32, #tpu.memory_space<vmem>>, vector<16xf32>,
    }
    %scan3A_6 = arith.constant 80 : i32
    "tpu.region"() ({
      %run_scoped3A = tpu.sem_alloc : memref<!tpu.dma_semaphore, #tpu.memory_space<semaphore_mem>>
      %dma_start3A = arith.constant 0 : i32
      %dma_start3A_7 = tpu.memref_slice %arg8[%mul3A_2, %dma_start3A] : memref<5120x128xf32, #tpu.memory_space<hbm>> -> memref<160x128xf32, #tpu.memory_space<hbm>>
      %dma_start3A_8 = arith.constant 0 : i32
      %dma_start3A_9 = tpu.memref_slice %arg8[%mul3A_2, %dma_start3A_8] : memref<5120x128xf32, #tpu.memory_space<hbm>> -> memref<160x128xf32, #tpu.memory_space<hbm>>
      tpu.enqueue_dma source(%arg15 : memref<160x128xf32, #tpu.memory_space<vmem>>) target(%dma_start3A_9 : memref<160x128xf32, #tpu.memory_space<hbm>>) target_semaphore(%run_scoped3A : memref<!tpu.dma_semaphore, #tpu.memory_space<semaphore_mem>>)
      %dma_wait3A = arith.constant 0 : i32
      %dma_wait3A_10 = tpu.memref_slice %arg8[%mul3A_2, %dma_wait3A] : memref<5120x128xf32, #tpu.memory_space<hbm>> -> memref<160x128xf32, #tpu.memory_space<hbm>>
      %dma_wait3A_11 = arith.constant 0 : i32
      %dma_wait3A_12 = tpu.memref_slice %arg8[%mul3A_2, %dma_wait3A_11] : memref<5120x128xf32, #tpu.memory_space<hbm>> -> memref<160x128xf32, #tpu.memory_space<hbm>>
      tpu.wait_dma2 semaphore(%run_scoped3A : memref<!tpu.dma_semaphore, #tpu.memory_space<semaphore_mem>>) src(%arg15 : memref<160x128xf32, #tpu.memory_space<vmem>>) dst(%dma_wait3A_12 : memref<160x128xf32, #tpu.memory_space<hbm>>)
      tpu.yield
    }) : () -> ()
    return
  }
}

#map = affine_map<(d0, d1) -> (0)>
#map1 = affine_map<(d0, d1) -> (0, 0)>
module attributes {stable_mosaic.version = 14 : i64} {
  func.func @_topk_body(%arg0: i32, %arg1: i32, %arg2: memref<10240xf32, #tpu.memory_space<hbm>>, %arg3: memref<10240xf32, #tpu.memory_space<hbm>>, %arg4: memref<10240xf32, #tpu.memory_space<hbm>>, %arg5: memref<10240xi32, #tpu.memory_space<hbm>>, %arg6: memref<80xi32, #tpu.memory_space<hbm>>, %arg7: memref<5120xf32, #tpu.memory_space<hbm>>, %arg8: memref<5120xf32, #tpu.memory_space<hbm>>, %arg9: memref<5120xf32, #tpu.memory_space<hbm>>, %arg10: memref<5120x64xi32, #tpu.memory_space<hbm>>, %arg11: memref<10240xf32, #tpu.memory_space<vmem>>, %arg12: memref<10240xf32, #tpu.memory_space<vmem>>, %arg13: memref<10240xf32, #tpu.memory_space<vmem>>, %arg14: memref<10240xf32, #tpu.memory_space<vmem>>, %arg15: memref<10240xi32, #tpu.memory_space<vmem>>, %arg16: memref<80xi32, #tpu.memory_space<vmem>>, %arg17: memref<176xf32, #tpu.memory_space<vmem>>, %arg18: memref<176xf32, #tpu.memory_space<vmem>>, %arg19: memref<176xf32, #tpu.memory_space<vmem>>, %arg20: memref<10256xf32, #tpu.memory_space<vmem>>, %arg21: memref<10256xi32, #tpu.memory_space<vmem>>, %arg22: memref<656xf32, #tpu.memory_space<vmem>>, %arg23: memref<160x64xi32, #tpu.memory_space<vmem>>) attributes {dimension_semantics = [#tpu.dimension_semantics<core_parallel>, #tpu.dimension_semantics<subcore_parallel>], iteration_bounds = array<i64: 2, 16>, scalar_prefetch = 0 : i64, scratch_operands = 13 : i64, tpu.core_type = #tpu.core_type<sc_vector_subcore>, window_params = [{transform_indices = #map}, {transform_indices = #map}, {transform_indices = #map}, {transform_indices = #map}, {transform_indices = #map}, {transform_indices = #map}, {transform_indices = #map}, {transform_indices = #map}, {transform_indices = #map1}]} {
    %mul3A = arith.constant 2 : i32
    %mul3A_0 = arith.muli %arg1, %mul3A : i32
    %add3A = arith.addi %mul3A_0, %arg0 : i32
    %mul3A_1 = arith.constant 160 : i32
    %mul3A_2 = arith.muli %add3A, %mul3A_1 : i32
    "tpu.region"() ({
      %run_scoped3A = tpu.sem_alloc : memref<!tpu.dma_semaphore, #tpu.memory_space<semaphore_mem>>
      tpu.enqueue_dma source(%arg2 : memref<10240xf32, #tpu.memory_space<hbm>>) target(%arg11 : memref<10240xf32, #tpu.memory_space<vmem>>) target_semaphore(%run_scoped3A : memref<!tpu.dma_semaphore, #tpu.memory_space<semaphore_mem>>)
      tpu.wait_dma2 semaphore(%run_scoped3A : memref<!tpu.dma_semaphore, #tpu.memory_space<semaphore_mem>>) src(%arg2 : memref<10240xf32, #tpu.memory_space<hbm>>) dst(%arg11 : memref<10240xf32, #tpu.memory_space<vmem>>)
      tpu.yield
    }) : () -> ()
    "tpu.region"() ({
      %run_scoped3A = tpu.sem_alloc : memref<!tpu.dma_semaphore, #tpu.memory_space<semaphore_mem>>
      tpu.enqueue_dma source(%arg3 : memref<10240xf32, #tpu.memory_space<hbm>>) target(%arg12 : memref<10240xf32, #tpu.memory_space<vmem>>) target_semaphore(%run_scoped3A : memref<!tpu.dma_semaphore, #tpu.memory_space<semaphore_mem>>)
      tpu.wait_dma2 semaphore(%run_scoped3A : memref<!tpu.dma_semaphore, #tpu.memory_space<semaphore_mem>>) src(%arg3 : memref<10240xf32, #tpu.memory_space<hbm>>) dst(%arg12 : memref<10240xf32, #tpu.memory_space<vmem>>)
      tpu.yield
    }) : () -> ()
    "tpu.region"() ({
      %run_scoped3A = tpu.sem_alloc : memref<!tpu.dma_semaphore, #tpu.memory_space<semaphore_mem>>
      tpu.enqueue_dma source(%arg4 : memref<10240xf32, #tpu.memory_space<hbm>>) target(%arg13 : memref<10240xf32, #tpu.memory_space<vmem>>) target_semaphore(%run_scoped3A : memref<!tpu.dma_semaphore, #tpu.memory_space<semaphore_mem>>)
      tpu.wait_dma2 semaphore(%run_scoped3A : memref<!tpu.dma_semaphore, #tpu.memory_space<semaphore_mem>>) src(%arg4 : memref<10240xf32, #tpu.memory_space<hbm>>) dst(%arg13 : memref<10240xf32, #tpu.memory_space<vmem>>)
      tpu.yield
    }) : () -> ()
    "tpu.region"() ({
      %run_scoped3A = tpu.sem_alloc : memref<!tpu.dma_semaphore, #tpu.memory_space<semaphore_mem>>
      tpu.enqueue_dma source(%arg5 : memref<10240xi32, #tpu.memory_space<hbm>>) target(%arg15 : memref<10240xi32, #tpu.memory_space<vmem>>) target_semaphore(%run_scoped3A : memref<!tpu.dma_semaphore, #tpu.memory_space<semaphore_mem>>)
      tpu.wait_dma2 semaphore(%run_scoped3A : memref<!tpu.dma_semaphore, #tpu.memory_space<semaphore_mem>>) src(%arg5 : memref<10240xi32, #tpu.memory_space<hbm>>) dst(%arg15 : memref<10240xi32, #tpu.memory_space<vmem>>)
      tpu.yield
    }) : () -> ()
    "tpu.region"() ({
      %run_scoped3A = tpu.sem_alloc : memref<!tpu.dma_semaphore, #tpu.memory_space<semaphore_mem>>
      tpu.enqueue_dma source(%arg6 : memref<80xi32, #tpu.memory_space<hbm>>) target(%arg16 : memref<80xi32, #tpu.memory_space<vmem>>) target_semaphore(%run_scoped3A : memref<!tpu.dma_semaphore, #tpu.memory_space<semaphore_mem>>)
      tpu.wait_dma2 semaphore(%run_scoped3A : memref<!tpu.dma_semaphore, #tpu.memory_space<semaphore_mem>>) src(%arg6 : memref<80xi32, #tpu.memory_space<hbm>>) dst(%arg16 : memref<80xi32, #tpu.memory_space<vmem>>)
      tpu.yield
    }) : () -> ()
    "tpu.region"() ({
      %run_scoped3A = tpu.sem_alloc : memref<!tpu.dma_semaphore, #tpu.memory_space<semaphore_mem>>
      %dma_start3A = arith.constant 0 : i32
      %dma_start3A_15 = tpu.memref_slice %arg17[%dma_start3A] : memref<176xf32, #tpu.memory_space<vmem>> -> memref<160xf32, #tpu.memory_space<vmem>>
      %dma_start3A_16 = tpu.memref_slice %arg7[%mul3A_2] : memref<5120xf32, #tpu.memory_space<hbm>> -> memref<160xf32, #tpu.memory_space<hbm>>
      %dma_start3A_17 = arith.constant 0 : i32
      %dma_start3A_18 = tpu.memref_slice %arg17[%dma_start3A_17] : memref<176xf32, #tpu.memory_space<vmem>> -> memref<160xf32, #tpu.memory_space<vmem>>
      %dma_start3A_19 = tpu.memref_slice %arg7[%mul3A_2] : memref<5120xf32, #tpu.memory_space<hbm>> -> memref<160xf32, #tpu.memory_space<hbm>>
      tpu.enqueue_dma source(%dma_start3A_19 : memref<160xf32, #tpu.memory_space<hbm>>) target(%dma_start3A_18 : memref<160xf32, #tpu.memory_space<vmem>>) target_semaphore(%run_scoped3A : memref<!tpu.dma_semaphore, #tpu.memory_space<semaphore_mem>>)
      %dma_wait3A = arith.constant 0 : i32
      %dma_wait3A_20 = tpu.memref_slice %arg17[%dma_wait3A] : memref<176xf32, #tpu.memory_space<vmem>> -> memref<160xf32, #tpu.memory_space<vmem>>
      %dma_wait3A_21 = tpu.memref_slice %arg7[%mul3A_2] : memref<5120xf32, #tpu.memory_space<hbm>> -> memref<160xf32, #tpu.memory_space<hbm>>
      %dma_wait3A_22 = arith.constant 0 : i32
      %dma_wait3A_23 = tpu.memref_slice %arg17[%dma_wait3A_22] : memref<176xf32, #tpu.memory_space<vmem>> -> memref<160xf32, #tpu.memory_space<vmem>>
      %dma_wait3A_24 = tpu.memref_slice %arg7[%mul3A_2] : memref<5120xf32, #tpu.memory_space<hbm>> -> memref<160xf32, #tpu.memory_space<hbm>>
      tpu.wait_dma2 semaphore(%run_scoped3A : memref<!tpu.dma_semaphore, #tpu.memory_space<semaphore_mem>>) src(%dma_wait3A_24 : memref<160xf32, #tpu.memory_space<hbm>>) dst(%dma_wait3A_23 : memref<160xf32, #tpu.memory_space<vmem>>)
      tpu.yield
    }) : () -> ()
    "tpu.region"() ({
      %run_scoped3A = tpu.sem_alloc : memref<!tpu.dma_semaphore, #tpu.memory_space<semaphore_mem>>
      %dma_start3A = arith.constant 0 : i32
      %dma_start3A_15 = tpu.memref_slice %arg18[%dma_start3A] : memref<176xf32, #tpu.memory_space<vmem>> -> memref<160xf32, #tpu.memory_space<vmem>>
      %dma_start3A_16 = tpu.memref_slice %arg8[%mul3A_2] : memref<5120xf32, #tpu.memory_space<hbm>> -> memref<160xf32, #tpu.memory_space<hbm>>
      %dma_start3A_17 = arith.constant 0 : i32
      %dma_start3A_18 = tpu.memref_slice %arg18[%dma_start3A_17] : memref<176xf32, #tpu.memory_space<vmem>> -> memref<160xf32, #tpu.memory_space<vmem>>
      %dma_start3A_19 = tpu.memref_slice %arg8[%mul3A_2] : memref<5120xf32, #tpu.memory_space<hbm>> -> memref<160xf32, #tpu.memory_space<hbm>>
      tpu.enqueue_dma source(%dma_start3A_19 : memref<160xf32, #tpu.memory_space<hbm>>) target(%dma_start3A_18 : memref<160xf32, #tpu.memory_space<vmem>>) target_semaphore(%run_scoped3A : memref<!tpu.dma_semaphore, #tpu.memory_space<semaphore_mem>>)
      %dma_wait3A = arith.constant 0 : i32
      %dma_wait3A_20 = tpu.memref_slice %arg18[%dma_wait3A] : memref<176xf32, #tpu.memory_space<vmem>> -> memref<160xf32, #tpu.memory_space<vmem>>
      %dma_wait3A_21 = tpu.memref_slice %arg8[%mul3A_2] : memref<5120xf32, #tpu.memory_space<hbm>> -> memref<160xf32, #tpu.memory_space<hbm>>
      %dma_wait3A_22 = arith.constant 0 : i32
      %dma_wait3A_23 = tpu.memref_slice %arg18[%dma_wait3A_22] : memref<176xf32, #tpu.memory_space<vmem>> -> memref<160xf32, #tpu.memory_space<vmem>>
      %dma_wait3A_24 = tpu.memref_slice %arg8[%mul3A_2] : memref<5120xf32, #tpu.memory_space<hbm>> -> memref<160xf32, #tpu.memory_space<hbm>>
      tpu.wait_dma2 semaphore(%run_scoped3A : memref<!tpu.dma_semaphore, #tpu.memory_space<semaphore_mem>>) src(%dma_wait3A_24 : memref<160xf32, #tpu.memory_space<hbm>>) dst(%dma_wait3A_23 : memref<160xf32, #tpu.memory_space<vmem>>)
      tpu.yield
    }) : () -> ()
    "tpu.region"() ({
      %run_scoped3A = tpu.sem_alloc : memref<!tpu.dma_semaphore, #tpu.memory_space<semaphore_mem>>
      %dma_start3A = arith.constant 0 : i32
      %dma_start3A_15 = tpu.memref_slice %arg19[%dma_start3A] : memref<176xf32, #tpu.memory_space<vmem>> -> memref<160xf32, #tpu.memory_space<vmem>>
      %dma_start3A_16 = tpu.memref_slice %arg9[%mul3A_2] : memref<5120xf32, #tpu.memory_space<hbm>> -> memref<160xf32, #tpu.memory_space<hbm>>
      %dma_start3A_17 = arith.constant 0 : i32
      %dma_start3A_18 = tpu.memref_slice %arg19[%dma_start3A_17] : memref<176xf32, #tpu.memory_space<vmem>> -> memref<160xf32, #tpu.memory_space<vmem>>
      %dma_start3A_19 = tpu.memref_slice %arg9[%mul3A_2] : memref<5120xf32, #tpu.memory_space<hbm>> -> memref<160xf32, #tpu.memory_space<hbm>>
      tpu.enqueue_dma source(%dma_start3A_19 : memref<160xf32, #tpu.memory_space<hbm>>) target(%dma_start3A_18 : memref<160xf32, #tpu.memory_space<vmem>>) target_semaphore(%run_scoped3A : memref<!tpu.dma_semaphore, #tpu.memory_space<semaphore_mem>>)
      %dma_wait3A = arith.constant 0 : i32
      %dma_wait3A_20 = tpu.memref_slice %arg19[%dma_wait3A] : memref<176xf32, #tpu.memory_space<vmem>> -> memref<160xf32, #tpu.memory_space<vmem>>
      %dma_wait3A_21 = tpu.memref_slice %arg9[%mul3A_2] : memref<5120xf32, #tpu.memory_space<hbm>> -> memref<160xf32, #tpu.memory_space<hbm>>
      %dma_wait3A_22 = arith.constant 0 : i32
      %dma_wait3A_23 = tpu.memref_slice %arg19[%dma_wait3A_22] : memref<176xf32, #tpu.memory_space<vmem>> -> memref<160xf32, #tpu.memory_space<vmem>>
      %dma_wait3A_24 = tpu.memref_slice %arg9[%mul3A_2] : memref<5120xf32, #tpu.memory_space<hbm>> -> memref<160xf32, #tpu.memory_space<hbm>>
      tpu.wait_dma2 semaphore(%run_scoped3A : memref<!tpu.dma_semaphore, #tpu.memory_space<semaphore_mem>>) src(%dma_wait3A_24 : memref<160xf32, #tpu.memory_space<hbm>>) dst(%dma_wait3A_23 : memref<160xf32, #tpu.memory_space<vmem>>)
      tpu.yield
    }) : () -> ()
    %iota3A = tpu.iota {dimensions = array<i32: 0>} : vector<16xi32>
    %broadcast_in_dim3A = arith.constant 0x7F800000 : f32
    %broadcast_in_dim3A_3 = vector.broadcast %broadcast_in_dim3A : f32 to vector<16xf32>
    %scan3A = arith.constant 0 : i32
    %scan3A_4 = arith.constant 640 : i32
    %scan3A_5 = arith.addi %scan3A, %scan3A_4 : i32
    %scan3A_6 = arith.constant 1 : i32
    scf.for %scan3A_15 = %scan3A to %scan3A_5 step %scan3A_6  : i32 {
      %mul3A_16 = arith.constant 16 : i32
      %mul3A_17 = arith.muli %scan3A_15, %mul3A_16 : i32
      %get3A = arith.index_cast %mul3A_17 : i32 to index
      %get3A_18 = tpu.vector_load %arg11[%get3A] {strides = array<i32>} : memref<10240xf32, #tpu.memory_space<vmem>>, vector<16xf32>,
      %mul3A_19 = arith.constant 16 : i32
      %mul3A_20 = arith.muli %scan3A_15, %mul3A_19 : i32
      %get3A_21 = arith.index_cast %mul3A_20 : i32 to index
      %get3A_22 = tpu.vector_load %arg12[%get3A_21] {strides = array<i32>} : memref<10240xf32, #tpu.memory_space<vmem>>, vector<16xf32>,
      %mul3A_23 = arith.constant 16 : i32
      %mul3A_24 = arith.muli %scan3A_15, %mul3A_23 : i32
      %get3A_25 = arith.index_cast %mul3A_24 : i32 to index
      %get3A_26 = tpu.vector_load %arg13[%get3A_25] {strides = array<i32>} : memref<10240xf32, #tpu.memory_space<vmem>>, vector<16xf32>,
      %mul3A_27 = arith.mulf %get3A_18, %get3A_18 : vector<16xf32>
      %mul3A_28 = arith.mulf %get3A_26, %get3A_26 : vector<16xf32>
      %add3A_29 = arith.addf %mul3A_27, %mul3A_28 : vector<16xf32>
      %mul3A_30 = arith.mulf %get3A_22, %get3A_22 : vector<16xf32>
      %add3A_31 = arith.addf %add3A_29, %mul3A_30 : vector<16xf32>
      %mul3A_32 = arith.constant 16 : i32
      %mul3A_33 = arith.muli %scan3A_15, %mul3A_32 : i32
      %swap3A = arith.index_cast %mul3A_33 : i32 to index
      %swap3A_34 = tpu.vector_load %arg14[%swap3A] {strides = array<i32>} : memref<10240xf32, #tpu.memory_space<vmem>>, vector<16xf32>,
      tpu.vector_store %arg14[%swap3A], %add3A_31 {strides = array<i32>} : memref<10240xf32, #tpu.memory_space<vmem>>, vector<16xf32>,
      %bitcast_convert_type3A = tpu.bitcast %get3A_18 : vector<16xf32> -> vector<16xi32>
      %add3A_35 = arith.constant 32767 : i32
      %add3A_36 = vector.broadcast %add3A_35 : i32 to vector<16xi32>
      %add3A_37 = arith.addi %bitcast_convert_type3A, %add3A_36 : vector<16xi32>
      %shift_right_logical3A = arith.constant 16 : i32
      %shift_right_logical3A_38 = vector.broadcast %shift_right_logical3A : i32 to vector<16xi32>
      %shift_right_logical3A_39 = arith.shrui %bitcast_convert_type3A, %shift_right_logical3A_38 : vector<16xi32>
      %and3A = arith.constant 1 : i32
      %and3A_40 = vector.broadcast %and3A : i32 to vector<16xi32>
      %and3A_41 = arith.andi %shift_right_logical3A_39, %and3A_40 : vector<16xi32>
      %add3A_42 = arith.addi %add3A_37, %and3A_41 : vector<16xi32>
      %and3A_43 = arith.constant -65536 : i32
      %and3A_44 = vector.broadcast %and3A_43 : i32 to vector<16xi32>
      %and3A_45 = arith.andi %add3A_42, %and3A_44 : vector<16xi32>
      %bitcast_convert_type3A_46 = tpu.bitcast %and3A_45 : vector<16xi32> -> vector<16xf32>
      %mul3A_47 = arith.constant 2.000000e+00 : f32
      %mul3A_48 = vector.broadcast %mul3A_47 : f32 to vector<16xf32>
      %mul3A_49 = arith.mulf %mul3A_48, %bitcast_convert_type3A_46 : vector<16xf32>
      %mul3A_50 = arith.constant 16 : i32
      %mul3A_51 = arith.muli %scan3A_15, %mul3A_50 : i32
      %swap3A_52 = arith.index_cast %mul3A_51 : i32 to index
      %swap3A_53 = tpu.vector_load %arg11[%swap3A_52] {strides = array<i32>} : memref<10240xf32, #tpu.memory_space<vmem>>, vector<16xf32>,
      tpu.vector_store %arg11[%swap3A_52], %mul3A_49 {strides = array<i32>} : memref<10240xf32, #tpu.memory_space<vmem>>, vector<16xf32>,
      %bitcast_convert_type3A_54 = tpu.bitcast %get3A_22 : vector<16xf32> -> vector<16xi32>
      %add3A_55 = arith.constant 32767 : i32
      %add3A_56 = vector.broadcast %add3A_55 : i32 to vector<16xi32>
      %add3A_57 = arith.addi %bitcast_convert_type3A_54, %add3A_56 : vector<16xi32>
      %shift_right_logical3A_58 = arith.constant 16 : i32
      %shift_right_logical3A_59 = vector.broadcast %shift_right_logical3A_58 : i32 to vector<16xi32>
      %shift_right_logical3A_60 = arith.shrui %bitcast_convert_type3A_54, %shift_right_logical3A_59 : vector<16xi32>
      %and3A_61 = arith.constant 1 : i32
      %and3A_62 = vector.broadcast %and3A_61 : i32 to vector<16xi32>
      %and3A_63 = arith.andi %shift_right_logical3A_60, %and3A_62 : vector<16xi32>
      %add3A_64 = arith.addi %add3A_57, %and3A_63 : vector<16xi32>
      %and3A_65 = arith.constant -65536 : i32
      %and3A_66 = vector.broadcast %and3A_65 : i32 to vector<16xi32>
      %and3A_67 = arith.andi %add3A_64, %and3A_66 : vector<16xi32>
      %bitcast_convert_type3A_68 = tpu.bitcast %and3A_67 : vector<16xi32> -> vector<16xf32>
      %mul3A_69 = arith.constant 2.000000e+00 : f32
      %mul3A_70 = vector.broadcast %mul3A_69 : f32 to vector<16xf32>
      %mul3A_71 = arith.mulf %mul3A_70, %bitcast_convert_type3A_68 : vector<16xf32>
      %mul3A_72 = arith.constant 16 : i32
      %mul3A_73 = arith.muli %scan3A_15, %mul3A_72 : i32
      %swap3A_74 = arith.index_cast %mul3A_73 : i32 to index
      %swap3A_75 = tpu.vector_load %arg12[%swap3A_74] {strides = array<i32>} : memref<10240xf32, #tpu.memory_space<vmem>>, vector<16xf32>,
      tpu.vector_store %arg12[%swap3A_74], %mul3A_71 {strides = array<i32>} : memref<10240xf32, #tpu.memory_space<vmem>>, vector<16xf32>,
      %bitcast_convert_type3A_76 = tpu.bitcast %get3A_26 : vector<16xf32> -> vector<16xi32>
      %add3A_77 = arith.constant 32767 : i32
      %add3A_78 = vector.broadcast %add3A_77 : i32 to vector<16xi32>
      %add3A_79 = arith.addi %bitcast_convert_type3A_76, %add3A_78 : vector<16xi32>
      %shift_right_logical3A_80 = arith.constant 16 : i32
      %shift_right_logical3A_81 = vector.broadcast %shift_right_logical3A_80 : i32 to vector<16xi32>
      %shift_right_logical3A_82 = arith.shrui %bitcast_convert_type3A_76, %shift_right_logical3A_81 : vector<16xi32>
      %and3A_83 = arith.constant 1 : i32
      %and3A_84 = vector.broadcast %and3A_83 : i32 to vector<16xi32>
      %and3A_85 = arith.andi %shift_right_logical3A_82, %and3A_84 : vector<16xi32>
      %add3A_86 = arith.addi %add3A_79, %and3A_85 : vector<16xi32>
      %and3A_87 = arith.constant -65536 : i32
      %and3A_88 = vector.broadcast %and3A_87 : i32 to vector<16xi32>
      %and3A_89 = arith.andi %add3A_86, %and3A_88 : vector<16xi32>
      %bitcast_convert_type3A_90 = tpu.bitcast %and3A_89 : vector<16xi32> -> vector<16xf32>
      %mul3A_91 = arith.constant 2.000000e+00 : f32
      %mul3A_92 = vector.broadcast %mul3A_91 : f32 to vector<16xf32>
      %mul3A_93 = arith.mulf %mul3A_92, %bitcast_convert_type3A_90 : vector<16xf32>
      %mul3A_94 = arith.constant 16 : i32
      %mul3A_95 = arith.muli %scan3A_15, %mul3A_94 : i32
      %swap3A_96 = arith.index_cast %mul3A_95 : i32 to index
      %swap3A_97 = tpu.vector_load %arg13[%swap3A_96] {strides = array<i32>} : memref<10240xf32, #tpu.memory_space<vmem>>, vector<16xf32>,
      tpu.vector_store %arg13[%swap3A_96], %mul3A_93 {strides = array<i32>} : memref<10240xf32, #tpu.memory_space<vmem>>, vector<16xf32>,
    }
    %scan3A_7 = arith.constant 640 : i32
    %scan3A_8 = arith.constant 640 : i32
    %scan3A_9 = arith.constant 0 : i32
    %scan3A_10 = arith.constant 160 : i32
    %scan3A_11 = arith.addi %scan3A_9, %scan3A_10 : i32
    %scan3A_12 = arith.constant 1 : i32
    %scan3A_13 = scf.for %scan3A_15 = %scan3A_9 to %scan3A_11 step %scan3A_12 iter_args(%scan3A_16 = %scan3A_8) -> (i32)  : i32 {
      %get3A = arith.index_cast %scan3A_15 : i32 to index
      %get3A_17 = tpu.vector_load %arg17[%get3A] {strides = array<i32>} : memref<176xf32, #tpu.memory_space<vmem>>, vector<16xf32>,
      %slice3A = vector.extract_strided_slice %get3A_17 {offsets = [0], sizes = [1], strides = [1]} : vector<16xf32> to vector<1xf32>
      %squeeze3A = vector.extract %slice3A[0] : f32 from vector<1xf32>
      %get3A_18 = arith.index_cast %scan3A_15 : i32 to index
      %get3A_19 = tpu.vector_load %arg18[%get3A_18] {strides = array<i32>} : memref<176xf32, #tpu.memory_space<vmem>>, vector<16xf32>,
      %slice3A_20 = vector.extract_strided_slice %get3A_19 {offsets = [0], sizes = [1], strides = [1]} : vector<16xf32> to vector<1xf32>
      %squeeze3A_21 = vector.extract %slice3A_20[0] : f32 from vector<1xf32>
      %get3A_22 = arith.index_cast %scan3A_15 : i32 to index
      %get3A_23 = tpu.vector_load %arg19[%get3A_22] {strides = array<i32>} : memref<176xf32, #tpu.memory_space<vmem>>, vector<16xf32>,
      %slice3A_24 = vector.extract_strided_slice %get3A_23 {offsets = [0], sizes = [1], strides = [1]} : vector<16xf32> to vector<1xf32>
      %squeeze3A_25 = vector.extract %slice3A_24[0] : f32 from vector<1xf32>
      %mul3A_26 = arith.mulf %squeeze3A, %squeeze3A : f32
      %mul3A_27 = arith.mulf %squeeze3A_25, %squeeze3A_25 : f32
      %add3A_28 = arith.addf %mul3A_26, %mul3A_27 : f32
      %mul3A_29 = arith.mulf %squeeze3A_21, %squeeze3A_21 : f32
      %add3A_30 = arith.addf %add3A_28, %mul3A_29 : f32
      %bitcast_convert_type3A = arith.bitcast %squeeze3A : f32 to i32
      %add3A_31 = arith.constant 32767 : i32
      %add3A_32 = arith.addi %bitcast_convert_type3A, %add3A_31 : i32
      %shift_right_logical3A = arith.constant 16 : i32
      %shift_right_logical3A_33 = arith.shrui %bitcast_convert_type3A, %shift_right_logical3A : i32
      %and3A = arith.constant 1 : i32
      %and3A_34 = arith.andi %shift_right_logical3A_33, %and3A : i32
      %add3A_35 = arith.addi %add3A_32, %and3A_34 : i32
      %and3A_36 = arith.constant -65536 : i32
      %and3A_37 = arith.andi %add3A_35, %and3A_36 : i32
      %bitcast_convert_type3A_38 = arith.bitcast %and3A_37 : i32 to f32
      %bitcast_convert_type3A_39 = arith.bitcast %squeeze3A_21 : f32 to i32
      %add3A_40 = arith.constant 32767 : i32
      %add3A_41 = arith.addi %bitcast_convert_type3A_39, %add3A_40 : i32
      %shift_right_logical3A_42 = arith.constant 16 : i32
      %shift_right_logical3A_43 = arith.shrui %bitcast_convert_type3A_39, %shift_right_logical3A_42 : i32
      %and3A_44 = arith.constant 1 : i32
      %and3A_45 = arith.andi %shift_right_logical3A_43, %and3A_44 : i32
      %add3A_46 = arith.addi %add3A_41, %and3A_45 : i32
      %and3A_47 = arith.constant -65536 : i32
      %and3A_48 = arith.andi %add3A_46, %and3A_47 : i32
      %bitcast_convert_type3A_49 = arith.bitcast %and3A_48 : i32 to f32
      %bitcast_convert_type3A_50 = arith.bitcast %squeeze3A_25 : f32 to i32
      %add3A_51 = arith.constant 32767 : i32
      %add3A_52 = arith.addi %bitcast_convert_type3A_50, %add3A_51 : i32
      %shift_right_logical3A_53 = arith.constant 16 : i32
      %shift_right_logical3A_54 = arith.shrui %bitcast_convert_type3A_50, %shift_right_logical3A_53 : i32
      %and3A_55 = arith.constant 1 : i32
      %and3A_56 = arith.andi %shift_right_logical3A_54, %and3A_55 : i32
      %add3A_57 = arith.addi %add3A_52, %and3A_56 : i32
      %and3A_58 = arith.constant -65536 : i32
      %and3A_59 = arith.andi %add3A_57, %and3A_58 : i32
      %bitcast_convert_type3A_60 = arith.bitcast %and3A_59 : i32 to f32
      %while3A = arith.constant 0 : i32
      %while3A_61 = arith.subi %scan3A_16, %while3A : i32
      %while3A_62 = arith.addi %while3A, %while3A_61 : i32
      %while3A_63 = arith.constant 1 : i32
      %while3A_64 = arith.divsi %while3A_61, %while3A_63 : i32
      %while3A_65 = arith.muli %while3A_64, %while3A_63 : i32
      %while3A_66 = arith.addi %while3A, %while3A_65 : i32
      %while3A_67 = arith.constant 1 : i32
      scf.for %while3A_233 = %while3A to %while3A_66 step %while3A_67  : i32 {
        %mul3A_234 = arith.constant 16 : i32
        %mul3A_235 = arith.muli %while3A_233, %mul3A_234 : i32
        %swap3A = arith.index_cast %mul3A_235 : i32 to index
        %swap3A_236 = tpu.vector_load %arg20[%swap3A] {strides = array<i32>} : memref<10256xf32, #tpu.memory_space<vmem>>, vector<16xf32>,
        tpu.vector_store %arg20[%swap3A], %broadcast_in_dim3A_3 {strides = array<i32>} : memref<10256xf32, #tpu.memory_space<vmem>>, vector<16xf32>,
      }
      %while3A_68 = arith.constant 1 : i32
      scf.for %while3A_233 = %while3A_66 to %while3A_62 step %while3A_68  : i32 {
        %mul3A_234 = arith.constant 16 : i32
        %mul3A_235 = arith.muli %while3A_233, %mul3A_234 : i32
        %swap3A = arith.index_cast %mul3A_235 : i32 to index
        %swap3A_236 = tpu.vector_load %arg20[%swap3A] {strides = array<i32>} : memref<10256xf32, #tpu.memory_space<vmem>>, vector<16xf32>,
        tpu.vector_store %arg20[%swap3A], %broadcast_in_dim3A_3 {strides = array<i32>} : memref<10256xf32, #tpu.memory_space<vmem>>, vector<16xf32>,
      }
      %sub3A = arith.constant 2.700000e-01 : f32
      %sub3A_69 = arith.subf %squeeze3A, %sub3A : f32
      %mul3A_70 = arith.constant 6.400000e+01 : f32
      %mul3A_71 = arith.mulf %sub3A_69, %mul3A_70 : f32
      %jit3A = arith.constant 0.000000e+00 : f32
      %jit3A_72 = arith.constant 63 : i32
      %max3A = arith.maximumf %jit3A, %mul3A_71 : f32
      %convert_element_type3A = arith.sitofp %jit3A_72 : i32 to f32
      %min3A = arith.minimumf %convert_element_type3A, %max3A : f32
      %convert_element_type3A_73 = arith.fptosi %min3A : f32 to i32
      %add3A_74 = arith.constant 2.700000e-01 : f32
      %add3A_75 = arith.addf %squeeze3A, %add3A_74 : f32
      %mul3A_76 = arith.constant 6.400000e+01 : f32
      %mul3A_77 = arith.mulf %add3A_75, %mul3A_76 : f32
      %jit3A_78 = arith.constant 0.000000e+00 : f32
      %jit3A_79 = arith.constant 63 : i32
      %max3A_80 = arith.maximumf %jit3A_78, %mul3A_77 : f32
      %convert_element_type3A_81 = arith.sitofp %jit3A_79 : i32 to f32
      %min3A_82 = arith.minimumf %convert_element_type3A_81, %max3A_80 : f32
      %convert_element_type3A_83 = arith.fptosi %min3A_82 : f32 to i32
      %get3A_84 = arith.index_cast %convert_element_type3A_73 : i32 to index
      %get3A_85 = tpu.vector_load %arg16[%get3A_84] {strides = array<i32>} : memref<80xi32, #tpu.memory_space<vmem>>, vector<16xi32>,
      %slice3A_86 = vector.extract_strided_slice %get3A_85 {offsets = [0], sizes = [1], strides = [1]} : vector<16xi32> to vector<1xi32>
      %squeeze3A_87 = vector.extract %slice3A_86[0] : i32 from vector<1xi32>
      %jit3A_88 = arith.constant 16 : i32
      %div3A = arith.divsi %squeeze3A_87, %jit3A_88 : i32
      %sign3A = arith.constant 0 : i32
      %sign3A_89 = arith.cmpi sgt, %squeeze3A_87, %sign3A : i32
      %sign3A_90 = arith.extui %sign3A_89 : i1 to i32
      %sign3A_91 = arith.constant 0 : i32
      %sign3A_92 = arith.cmpi slt, %squeeze3A_87, %sign3A_91 : i32
      %sign3A_93 = arith.extui %sign3A_92 : i1 to i32
      %sign3A_94 = arith.subi %sign3A_90, %sign3A_93 : i32
      %sign3A_95 = arith.constant 0 : i32
      %sign3A_96 = arith.cmpi sgt, %jit3A_88, %sign3A_95 : i32
      %sign3A_97 = arith.extui %sign3A_96 : i1 to i32
      %sign3A_98 = arith.constant 0 : i32
      %sign3A_99 = arith.cmpi slt, %jit3A_88, %sign3A_98 : i32
      %sign3A_100 = arith.extui %sign3A_99 : i1 to i32
      %sign3A_101 = arith.subi %sign3A_97, %sign3A_100 : i32
      %ne3A = arith.cmpi ne, %sign3A_94, %sign3A_101 : i32
      %rem3A = arith.remsi %squeeze3A_87, %jit3A_88 : i32
      %ne3A_102 = arith.constant 0 : i32
      %ne3A_103 = arith.cmpi ne, %rem3A, %ne3A_102 : i32
      %and3A_104 = arith.andi %ne3A, %ne3A_103 : i1
      %sub3A_105 = arith.constant 1 : i32
      %sub3A_106 = arith.subi %div3A, %sub3A_105 : i32
      %select_n3A = arith.select %and3A_104, %sub3A_106, %div3A : i32
      %add3A_107 = arith.constant 1 : i32
      %add3A_108 = arith.addi %convert_element_type3A_83, %add3A_107 : i32
      %get3A_109 = arith.index_cast %add3A_108 : i32 to index
      %get3A_110 = tpu.vector_load %arg16[%get3A_109] {strides = array<i32>} : memref<80xi32, #tpu.memory_space<vmem>>, vector<16xi32>,
      %slice3A_111 = vector.extract_strided_slice %get3A_110 {offsets = [0], sizes = [1], strides = [1]} : vector<16xi32> to vector<1xi32>
      %squeeze3A_112 = vector.extract %slice3A_111[0] : i32 from vector<1xi32>
      %add3A_113 = arith.constant 16 : i32
      %add3A_114 = arith.addi %squeeze3A_112, %add3A_113 : i32
      %sub3A_115 = arith.constant 1 : i32
      %sub3A_116 = arith.subi %add3A_114, %sub3A_115 : i32
      %jit3A_117 = arith.constant 16 : i32
      %div3A_118 = arith.divsi %sub3A_116, %jit3A_117 : i32
      %sign3A_119 = arith.constant 0 : i32
      %sign3A_120 = arith.cmpi sgt, %sub3A_116, %sign3A_119 : i32
      %sign3A_121 = arith.extui %sign3A_120 : i1 to i32
      %sign3A_122 = arith.constant 0 : i32
      %sign3A_123 = arith.cmpi slt, %sub3A_116, %sign3A_122 : i32
      %sign3A_124 = arith.extui %sign3A_123 : i1 to i32
      %sign3A_125 = arith.subi %sign3A_121, %sign3A_124 : i32
      %sign3A_126 = arith.constant 0 : i32
      %sign3A_127 = arith.cmpi sgt, %jit3A_117, %sign3A_126 : i32
      %sign3A_128 = arith.extui %sign3A_127 : i1 to i32
      %sign3A_129 = arith.constant 0 : i32
      %sign3A_130 = arith.cmpi slt, %jit3A_117, %sign3A_129 : i32
      %sign3A_131 = arith.extui %sign3A_130 : i1 to i32
      %sign3A_132 = arith.subi %sign3A_128, %sign3A_131 : i32
      %ne3A_133 = arith.cmpi ne, %sign3A_125, %sign3A_132 : i32
      %rem3A_134 = arith.remsi %sub3A_116, %jit3A_117 : i32
      %ne3A_135 = arith.constant 0 : i32
      %ne3A_136 = arith.cmpi ne, %rem3A_134, %ne3A_135 : i32
      %and3A_137 = arith.andi %ne3A_133, %ne3A_136 : i1
      %sub3A_138 = arith.constant 1 : i32
      %sub3A_139 = arith.subi %div3A_118, %sub3A_138 : i32
      %select_n3A_140 = arith.select %and3A_137, %sub3A_139, %div3A_118 : i32
      %while3A_141 = arith.constant 0 : i32
      %while3A_142 = arith.subi %select_n3A_140, %select_n3A : i32
      %while3A_143 = arith.addi %select_n3A, %while3A_142 : i32
      %while3A_144 = arith.constant 1 : i32
      %while3A_145 = arith.divsi %while3A_142, %while3A_144 : i32
      %while3A_146 = arith.muli %while3A_145, %while3A_144 : i32
      %while3A_147 = arith.addi %select_n3A, %while3A_146 : i32
      %while3A_148 = arith.constant 1 : i32
      %while3A_149 = scf.for %while3A_233 = %select_n3A to %while3A_147 step %while3A_148 iter_args(%while3A_234 = %while3A_141) -> (i32)  : i32 {
        %mul3A_235 = arith.constant 16 : i32
        %mul3A_236 = arith.muli %while3A_233, %mul3A_235 : i32
        %get3A_237 = arith.index_cast %mul3A_236 : i32 to index
        %get3A_238 = tpu.vector_load %arg11[%get3A_237] {strides = array<i32>} : memref<10240xf32, #tpu.memory_space<vmem>>, vector<16xf32>,
        %mul3A_239 = arith.constant 16 : i32
        %mul3A_240 = arith.muli %while3A_233, %mul3A_239 : i32
        %get3A_241 = arith.index_cast %mul3A_240 : i32 to index
        %get3A_242 = tpu.vector_load %arg12[%get3A_241] {strides = array<i32>} : memref<10240xf32, #tpu.memory_space<vmem>>, vector<16xf32>,
        %mul3A_243 = arith.constant 16 : i32
        %mul3A_244 = arith.muli %while3A_233, %mul3A_243 : i32
        %get3A_245 = arith.index_cast %mul3A_244 : i32 to index
        %get3A_246 = tpu.vector_load %arg13[%get3A_245] {strides = array<i32>} : memref<10240xf32, #tpu.memory_space<vmem>>, vector<16xf32>,
        %mul3A_247 = arith.constant 16 : i32
        %mul3A_248 = arith.muli %while3A_233, %mul3A_247 : i32
        %get3A_249 = arith.index_cast %mul3A_248 : i32 to index
        %get3A_250 = tpu.vector_load %arg14[%get3A_249] {strides = array<i32>} : memref<10240xf32, #tpu.memory_space<vmem>>, vector<16xf32>,
        %mul3A_251 = vector.broadcast %bitcast_convert_type3A_38 : f32 to vector<16xf32>
        %mul3A_252 = arith.mulf %mul3A_251, %get3A_238 : vector<16xf32>
        %mul3A_253 = vector.broadcast %bitcast_convert_type3A_60 : f32 to vector<16xf32>
        %mul3A_254 = arith.mulf %mul3A_253, %get3A_246 : vector<16xf32>
        %add3A_255 = arith.addf %mul3A_252, %mul3A_254 : vector<16xf32>
        %mul3A_256 = vector.broadcast %bitcast_convert_type3A_49 : f32 to vector<16xf32>
        %mul3A_257 = arith.mulf %mul3A_256, %get3A_242 : vector<16xf32>
        %add3A_258 = arith.addf %add3A_255, %mul3A_257 : vector<16xf32>
        %add3A_259 = vector.broadcast %add3A_30 : f32 to vector<16xf32>
        %add3A_260 = arith.addf %add3A_259, %get3A_250 : vector<16xf32>
        %sub3A_261 = arith.subf %add3A_260, %add3A_258 : vector<16xf32>
        %le3A = arith.constant 4.000000e-02 : f32
        %le3A_262 = vector.broadcast %le3A : f32 to vector<16xf32>
        %le3A_263 = arith.cmpf ole, %sub3A_261, %le3A_262 : vector<16xf32>
        %swap3A = arith.index_cast %while3A_234 : i32 to index
        %swap3A_264 = tpu.vector_load %arg20[%swap3A] masked %le3A_263 {strides = array<i32>} : memref<10256xf32, #tpu.memory_space<vmem>>, vector<16xf32>, vector<16xi1>
        tpu.vector_store %arg20[%swap3A], %sub3A_261 masked %le3A_263 {strides = array<i32>} : memref<10256xf32, #tpu.memory_space<vmem>>, vector<16xf32>, vector<16xi1>
        %mul3A_265 = arith.constant 16 : i32
        %mul3A_266 = arith.muli %while3A_233, %mul3A_265 : i32
        %add3A_267 = vector.broadcast %mul3A_266 : i32 to vector<16xi32>
        %add3A_268 = arith.addi %iota3A, %add3A_267 : vector<16xi32>
        %swap3A_269 = arith.index_cast %while3A_234 : i32 to index
        %swap3A_270 = tpu.vector_load %arg21[%swap3A_269] masked %le3A_263 {strides = array<i32>} : memref<10256xi32, #tpu.memory_space<vmem>>, vector<16xi32>, vector<16xi1>
        tpu.vector_store %arg21[%swap3A_269], %add3A_268 masked %le3A_263 {strides = array<i32>} : memref<10256xi32, #tpu.memory_space<vmem>>, vector<16xi32>, vector<16xi1>
        %convert_element_type3A_271 = arith.extui %le3A_263 : vector<16xi1> to vector<16xi32>
        %reduce_sum3A = arith.constant true
        %reduce_sum3A_272 = vector.broadcast %reduce_sum3A : i1 to vector<16xi1>
        %reduce_sum3A_273 = tpu.scan <sum>, %convert_element_type3A_271 masked %reduce_sum3A_272 : vector<16xi32>, vector<16xi1> -> vector<16xi32>
        %reduce_sum3A_274 = vector.extract %reduce_sum3A_273[15] : i32 from vector<16xi32>
        %add3A_275 = arith.addi %while3A_234, %reduce_sum3A_274 : i32
        scf.yield %add3A_275 : i32
      }
      %while3A_150 = arith.constant 1 : i32
      %while3A_151 = scf.for %while3A_233 = %while3A_147 to %while3A_143 step %while3A_150 iter_args(%while3A_234 = %while3A_149) -> (i32)  : i32 {
        %mul3A_235 = arith.constant 16 : i32
        %mul3A_236 = arith.muli %while3A_233, %mul3A_235 : i32
        %get3A_237 = arith.index_cast %mul3A_236 : i32 to index
        %get3A_238 = tpu.vector_load %arg11[%get3A_237] {strides = array<i32>} : memref<10240xf32, #tpu.memory_space<vmem>>, vector<16xf32>,
        %mul3A_239 = arith.constant 16 : i32
        %mul3A_240 = arith.muli %while3A_233, %mul3A_239 : i32
        %get3A_241 = arith.index_cast %mul3A_240 : i32 to index
        %get3A_242 = tpu.vector_load %arg12[%get3A_241] {strides = array<i32>} : memref<10240xf32, #tpu.memory_space<vmem>>, vector<16xf32>,
        %mul3A_243 = arith.constant 16 : i32
        %mul3A_244 = arith.muli %while3A_233, %mul3A_243 : i32
        %get3A_245 = arith.index_cast %mul3A_244 : i32 to index
        %get3A_246 = tpu.vector_load %arg13[%get3A_245] {strides = array<i32>} : memref<10240xf32, #tpu.memory_space<vmem>>, vector<16xf32>,
        %mul3A_247 = arith.constant 16 : i32
        %mul3A_248 = arith.muli %while3A_233, %mul3A_247 : i32
        %get3A_249 = arith.index_cast %mul3A_248 : i32 to index
        %get3A_250 = tpu.vector_load %arg14[%get3A_249] {strides = array<i32>} : memref<10240xf32, #tpu.memory_space<vmem>>, vector<16xf32>,
        %mul3A_251 = vector.broadcast %bitcast_convert_type3A_38 : f32 to vector<16xf32>
        %mul3A_252 = arith.mulf %mul3A_251, %get3A_238 : vector<16xf32>
        %mul3A_253 = vector.broadcast %bitcast_convert_type3A_60 : f32 to vector<16xf32>
        %mul3A_254 = arith.mulf %mul3A_253, %get3A_246 : vector<16xf32>
        %add3A_255 = arith.addf %mul3A_252, %mul3A_254 : vector<16xf32>
        %mul3A_256 = vector.broadcast %bitcast_convert_type3A_49 : f32 to vector<16xf32>
        %mul3A_257 = arith.mulf %mul3A_256, %get3A_242 : vector<16xf32>
        %add3A_258 = arith.addf %add3A_255, %mul3A_257 : vector<16xf32>
        %add3A_259 = vector.broadcast %add3A_30 : f32 to vector<16xf32>
        %add3A_260 = arith.addf %add3A_259, %get3A_250 : vector<16xf32>
        %sub3A_261 = arith.subf %add3A_260, %add3A_258 : vector<16xf32>
        %le3A = arith.constant 4.000000e-02 : f32
        %le3A_262 = vector.broadcast %le3A : f32 to vector<16xf32>
        %le3A_263 = arith.cmpf ole, %sub3A_261, %le3A_262 : vector<16xf32>
        %swap3A = arith.index_cast %while3A_234 : i32 to index
        %swap3A_264 = tpu.vector_load %arg20[%swap3A] masked %le3A_263 {strides = array<i32>} : memref<10256xf32, #tpu.memory_space<vmem>>, vector<16xf32>, vector<16xi1>
        tpu.vector_store %arg20[%swap3A], %sub3A_261 masked %le3A_263 {strides = array<i32>} : memref<10256xf32, #tpu.memory_space<vmem>>, vector<16xf32>, vector<16xi1>
        %mul3A_265 = arith.constant 16 : i32
        %mul3A_266 = arith.muli %while3A_233, %mul3A_265 : i32
        %add3A_267 = vector.broadcast %mul3A_266 : i32 to vector<16xi32>
        %add3A_268 = arith.addi %iota3A, %add3A_267 : vector<16xi32>
        %swap3A_269 = arith.index_cast %while3A_234 : i32 to index
        %swap3A_270 = tpu.vector_load %arg21[%swap3A_269] masked %le3A_263 {strides = array<i32>} : memref<10256xi32, #tpu.memory_space<vmem>>, vector<16xi32>, vector<16xi1>
        tpu.vector_store %arg21[%swap3A_269], %add3A_268 masked %le3A_263 {strides = array<i32>} : memref<10256xi32, #tpu.memory_space<vmem>>, vector<16xi32>, vector<16xi1>
        %convert_element_type3A_271 = arith.extui %le3A_263 : vector<16xi1> to vector<16xi32>
        %reduce_sum3A = arith.constant true
        %reduce_sum3A_272 = vector.broadcast %reduce_sum3A : i1 to vector<16xi1>
        %reduce_sum3A_273 = tpu.scan <sum>, %convert_element_type3A_271 masked %reduce_sum3A_272 : vector<16xi32>, vector<16xi1> -> vector<16xi32>
        %reduce_sum3A_274 = vector.extract %reduce_sum3A_273[15] : i32 from vector<16xi32>
        %add3A_275 = arith.addi %while3A_234, %reduce_sum3A_274 : i32
        scf.yield %add3A_275 : i32
      }
      %add3A_152 = arith.constant 16 : i32
      %add3A_153 = arith.addi %while3A_151, %add3A_152 : i32
      %sub3A_154 = arith.constant 1 : i32
      %sub3A_155 = arith.subi %add3A_153, %sub3A_154 : i32
      %jit3A_156 = arith.constant 16 : i32
      %div3A_157 = arith.divsi %sub3A_155, %jit3A_156 : i32
      %sign3A_158 = arith.constant 0 : i32
      %sign3A_159 = arith.cmpi sgt, %sub3A_155, %sign3A_158 : i32
      %sign3A_160 = arith.extui %sign3A_159 : i1 to i32
      %sign3A_161 = arith.constant 0 : i32
      %sign3A_162 = arith.cmpi slt, %sub3A_155, %sign3A_161 : i32
      %sign3A_163 = arith.extui %sign3A_162 : i1 to i32
      %sign3A_164 = arith.subi %sign3A_160, %sign3A_163 : i32
      %sign3A_165 = arith.constant 0 : i32
      %sign3A_166 = arith.cmpi sgt, %jit3A_156, %sign3A_165 : i32
      %sign3A_167 = arith.extui %sign3A_166 : i1 to i32
      %sign3A_168 = arith.constant 0 : i32
      %sign3A_169 = arith.cmpi slt, %jit3A_156, %sign3A_168 : i32
      %sign3A_170 = arith.extui %sign3A_169 : i1 to i32
      %sign3A_171 = arith.subi %sign3A_167, %sign3A_170 : i32
      %ne3A_172 = arith.cmpi ne, %sign3A_164, %sign3A_171 : i32
      %rem3A_173 = arith.remsi %sub3A_155, %jit3A_156 : i32
      %ne3A_174 = arith.constant 0 : i32
      %ne3A_175 = arith.cmpi ne, %rem3A_173, %ne3A_174 : i32
      %and3A_176 = arith.andi %ne3A_172, %ne3A_175 : i1
      %sub3A_177 = arith.constant 1 : i32
      %sub3A_178 = arith.subi %div3A_157, %sub3A_177 : i32
      %select_n3A_179 = arith.select %and3A_176, %sub3A_178, %div3A_157 : i32
      %max3A_180 = arith.constant 1 : i32
      %max3A_181 = arith.maxsi %select_n3A_179, %max3A_180 : i32
      %add3A_182 = arith.constant 16 : i32
      %add3A_183 = arith.addi %max3A_181, %add3A_182 : i32
      %sub3A_184 = arith.constant 1 : i32
      %sub3A_185 = arith.subi %add3A_183, %sub3A_184 : i32
      %jit3A_186 = arith.constant 16 : i32
      %div3A_187 = arith.divsi %sub3A_185, %jit3A_186 : i32
      %sign3A_188 = arith.constant 0 : i32
      %sign3A_189 = arith.cmpi sgt, %sub3A_185, %sign3A_188 : i32
      %sign3A_190 = arith.extui %sign3A_189 : i1 to i32
      %sign3A_191 = arith.constant 0 : i32
      %sign3A_192 = arith.cmpi slt, %sub3A_185, %sign3A_191 : i32
      %sign3A_193 = arith.extui %sign3A_192 : i1 to i32
      %sign3A_194 = arith.subi %sign3A_190, %sign3A_193 : i32
      %sign3A_195 = arith.constant 0 : i32
      %sign3A_196 = arith.cmpi sgt, %jit3A_186, %sign3A_195 : i32
      %sign3A_197 = arith.extui %sign3A_196 : i1 to i32
      %sign3A_198 = arith.constant 0 : i32
      %sign3A_199 = arith.cmpi slt, %jit3A_186, %sign3A_198 : i32
      %sign3A_200 = arith.extui %sign3A_199 : i1 to i32
      %sign3A_201 = arith.subi %sign3A_197, %sign3A_200 : i32
      %ne3A_202 = arith.cmpi ne, %sign3A_194, %sign3A_201 : i32
      %rem3A_203 = arith.remsi %sub3A_185, %jit3A_186 : i32
      %ne3A_204 = arith.constant 0 : i32
      %ne3A_205 = arith.cmpi ne, %rem3A_203, %ne3A_204 : i32
      %and3A_206 = arith.andi %ne3A_202, %ne3A_205 : i1
      %sub3A_207 = arith.constant 1 : i32
      %sub3A_208 = arith.subi %div3A_187, %sub3A_207 : i32
      %select_n3A_209 = arith.select %and3A_206, %sub3A_208, %div3A_187 : i32
      %while3A_210 = arith.constant 0 : i32
      %while3A_211 = arith.subi %select_n3A_209, %while3A_210 : i32
      %while3A_212 = arith.addi %while3A_210, %while3A_211 : i32
      %while3A_213 = arith.constant 1 : i32
      %while3A_214 = arith.divsi %while3A_211, %while3A_213 : i32
      %while3A_215 = arith.muli %while3A_214, %while3A_213 : i32
      %while3A_216 = arith.addi %while3A_210, %while3A_215 : i32
      %while3A_217 = arith.constant 1 : i32
      scf.for %while3A_233 = %while3A_210 to %while3A_216 step %while3A_217  : i32 {
        %mul3A_234 = arith.constant 16 : i32
        %mul3A_235 = arith.muli %while3A_233, %mul3A_234 : i32
        %swap3A = arith.index_cast %mul3A_235 : i32 to index
        %swap3A_236 = tpu.vector_load %arg22[%swap3A] {strides = array<i32>} : memref<656xf32, #tpu.memory_space<vmem>>, vector<16xf32>,
        tpu.vector_store %arg22[%swap3A], %broadcast_in_dim3A_3 {strides = array<i32>} : memref<656xf32, #tpu.memory_space<vmem>>, vector<16xf32>,
      }
      %while3A_218 = arith.constant 1 : i32
      scf.for %while3A_233 = %while3A_216 to %while3A_212 step %while3A_218  : i32 {
        %mul3A_234 = arith.constant 16 : i32
        %mul3A_235 = arith.muli %while3A_233, %mul3A_234 : i32
        %swap3A = arith.index_cast %mul3A_235 : i32 to index
        %swap3A_236 = tpu.vector_load %arg22[%swap3A] {strides = array<i32>} : memref<656xf32, #tpu.memory_space<vmem>>, vector<16xf32>,
        tpu.vector_store %arg22[%swap3A], %broadcast_in_dim3A_3 {strides = array<i32>} : memref<656xf32, #tpu.memory_space<vmem>>, vector<16xf32>,
      }
      %while3A_219 = arith.constant 0 : i32
      %while3A_220 = arith.subi %max3A_181, %while3A_219 : i32
      %while3A_221 = arith.addi %while3A_219, %while3A_220 : i32
      %while3A_222 = arith.constant 1 : i32
      %while3A_223 = arith.divsi %while3A_220, %while3A_222 : i32
      %while3A_224 = arith.muli %while3A_223, %while3A_222 : i32
      %while3A_225 = arith.addi %while3A_219, %while3A_224 : i32
      %while3A_226 = arith.constant 1 : i32
      scf.for %while3A_233 = %while3A_219 to %while3A_225 step %while3A_226  : i32 {
        %mul3A_234 = arith.constant 16 : i32
        %mul3A_235 = arith.muli %while3A_233, %mul3A_234 : i32
        %get3A_236 = arith.index_cast %mul3A_235 : i32 to index
        %get3A_237 = tpu.vector_load %arg20[%get3A_236] {strides = array<i32>} : memref<10256xf32, #tpu.memory_space<vmem>>, vector<16xf32>,
        %jit3A_238 = arith.constant 16 : i32
        %div3A_239 = arith.divsi %while3A_233, %jit3A_238 : i32
        %sign3A_240 = arith.constant 0 : i32
        %sign3A_241 = arith.cmpi sgt, %while3A_233, %sign3A_240 : i32
        %sign3A_242 = arith.extui %sign3A_241 : i1 to i32
        %sign3A_243 = arith.constant 0 : i32
        %sign3A_244 = arith.cmpi slt, %while3A_233, %sign3A_243 : i32
        %sign3A_245 = arith.extui %sign3A_244 : i1 to i32
        %sign3A_246 = arith.subi %sign3A_242, %sign3A_245 : i32
        %sign3A_247 = arith.constant 0 : i32
        %sign3A_248 = arith.cmpi sgt, %jit3A_238, %sign3A_247 : i32
        %sign3A_249 = arith.extui %sign3A_248 : i1 to i32
        %sign3A_250 = arith.constant 0 : i32
        %sign3A_251 = arith.cmpi slt, %jit3A_238, %sign3A_250 : i32
        %sign3A_252 = arith.extui %sign3A_251 : i1 to i32
        %sign3A_253 = arith.subi %sign3A_249, %sign3A_252 : i32
        %ne3A_254 = arith.cmpi ne, %sign3A_246, %sign3A_253 : i32
        %rem3A_255 = arith.remsi %while3A_233, %jit3A_238 : i32
        %ne3A_256 = arith.constant 0 : i32
        %ne3A_257 = arith.cmpi ne, %rem3A_255, %ne3A_256 : i32
        %and3A_258 = arith.andi %ne3A_254, %ne3A_257 : i1
        %sub3A_259 = arith.constant 1 : i32
        %sub3A_260 = arith.subi %div3A_239, %sub3A_259 : i32
        %select_n3A_261 = arith.select %and3A_258, %sub3A_260, %div3A_239 : i32
        %mul3A_262 = arith.constant 16 : i32
        %mul3A_263 = arith.muli %select_n3A_261, %mul3A_262 : i32
        %sub3A_264 = arith.subi %while3A_233, %mul3A_263 : i32
        %mul3A_265 = arith.constant 16 : i32
        %mul3A_266 = arith.muli %select_n3A_261, %mul3A_265 : i32
        %get3A_267 = arith.index_cast %mul3A_266 : i32 to index
        %get3A_268 = tpu.vector_load %arg22[%get3A_267] {strides = array<i32>} : memref<656xf32, #tpu.memory_space<vmem>>, vector<16xf32>,
        %eq3A = vector.broadcast %sub3A_264 : i32 to vector<16xi32>
        %eq3A_269 = arith.cmpi eq, %iota3A, %eq3A : vector<16xi32>
        %reduce_min3A = arith.constant true
        %reduce_min3A_270 = vector.broadcast %reduce_min3A : i1 to vector<16xi1>
        %reduce_min3A_271 = tpu.scan <min>, %get3A_237 masked %reduce_min3A_270 : vector<16xf32>, vector<16xi1> -> vector<16xf32>
        %reduce_min3A_272 = vector.extract %reduce_min3A_271[15] : f32 from vector<16xf32>
        %broadcast_in_dim3A_273 = vector.broadcast %reduce_min3A_272 : f32 to vector<16xf32>
        %select_n3A_274 = arith.select %eq3A_269, %broadcast_in_dim3A_273, %get3A_268 : vector<16xi1>, vector<16xf32>
        %mul3A_275 = arith.constant 16 : i32
        %mul3A_276 = arith.muli %select_n3A_261, %mul3A_275 : i32
        %swap3A = arith.index_cast %mul3A_276 : i32 to index
        %swap3A_277 = tpu.vector_load %arg22[%swap3A] {strides = array<i32>} : memref<656xf32, #tpu.memory_space<vmem>>, vector<16xf32>,
        tpu.vector_store %arg22[%swap3A], %select_n3A_274 {strides = array<i32>} : memref<656xf32, #tpu.memory_space<vmem>>, vector<16xf32>,
      }
      %while3A_227 = arith.constant 1 : i32
      scf.for %while3A_233 = %while3A_225 to %while3A_221 step %while3A_227  : i32 {
        %mul3A_234 = arith.constant 16 : i32
        %mul3A_235 = arith.muli %while3A_233, %mul3A_234 : i32
        %get3A_236 = arith.index_cast %mul3A_235 : i32 to index
        %get3A_237 = tpu.vector_load %arg20[%get3A_236] {strides = array<i32>} : memref<10256xf32, #tpu.memory_space<vmem>>, vector<16xf32>,
        %jit3A_238 = arith.constant 16 : i32
        %div3A_239 = arith.divsi %while3A_233, %jit3A_238 : i32
        %sign3A_240 = arith.constant 0 : i32
        %sign3A_241 = arith.cmpi sgt, %while3A_233, %sign3A_240 : i32
        %sign3A_242 = arith.extui %sign3A_241 : i1 to i32
        %sign3A_243 = arith.constant 0 : i32
        %sign3A_244 = arith.cmpi slt, %while3A_233, %sign3A_243 : i32
        %sign3A_245 = arith.extui %sign3A_244 : i1 to i32
        %sign3A_246 = arith.subi %sign3A_242, %sign3A_245 : i32
        %sign3A_247 = arith.constant 0 : i32
        %sign3A_248 = arith.cmpi sgt, %jit3A_238, %sign3A_247 : i32
        %sign3A_249 = arith.extui %sign3A_248 : i1 to i32
        %sign3A_250 = arith.constant 0 : i32
        %sign3A_251 = arith.cmpi slt, %jit3A_238, %sign3A_250 : i32
        %sign3A_252 = arith.extui %sign3A_251 : i1 to i32
        %sign3A_253 = arith.subi %sign3A_249, %sign3A_252 : i32
        %ne3A_254 = arith.cmpi ne, %sign3A_246, %sign3A_253 : i32
        %rem3A_255 = arith.remsi %while3A_233, %jit3A_238 : i32
        %ne3A_256 = arith.constant 0 : i32
        %ne3A_257 = arith.cmpi ne, %rem3A_255, %ne3A_256 : i32
        %and3A_258 = arith.andi %ne3A_254, %ne3A_257 : i1
        %sub3A_259 = arith.constant 1 : i32
        %sub3A_260 = arith.subi %div3A_239, %sub3A_259 : i32
        %select_n3A_261 = arith.select %and3A_258, %sub3A_260, %div3A_239 : i32
        %mul3A_262 = arith.constant 16 : i32
        %mul3A_263 = arith.muli %select_n3A_261, %mul3A_262 : i32
        %sub3A_264 = arith.subi %while3A_233, %mul3A_263 : i32
        %mul3A_265 = arith.constant 16 : i32
        %mul3A_266 = arith.muli %select_n3A_261, %mul3A_265 : i32
        %get3A_267 = arith.index_cast %mul3A_266 : i32 to index
        %get3A_268 = tpu.vector_load %arg22[%get3A_267] {strides = array<i32>} : memref<656xf32, #tpu.memory_space<vmem>>, vector<16xf32>,
        %eq3A = vector.broadcast %sub3A_264 : i32 to vector<16xi32>
        %eq3A_269 = arith.cmpi eq, %iota3A, %eq3A : vector<16xi32>
        %reduce_min3A = arith.constant true
        %reduce_min3A_270 = vector.broadcast %reduce_min3A : i1 to vector<16xi1>
        %reduce_min3A_271 = tpu.scan <min>, %get3A_237 masked %reduce_min3A_270 : vector<16xf32>, vector<16xi1> -> vector<16xf32>
        %reduce_min3A_272 = vector.extract %reduce_min3A_271[15] : f32 from vector<16xf32>
        %broadcast_in_dim3A_273 = vector.broadcast %reduce_min3A_272 : f32 to vector<16xf32>
        %select_n3A_274 = arith.select %eq3A_269, %broadcast_in_dim3A_273, %get3A_268 : vector<16xi1>, vector<16xf32>
        %mul3A_275 = arith.constant 16 : i32
        %mul3A_276 = arith.muli %select_n3A_261, %mul3A_275 : i32
        %swap3A = arith.index_cast %mul3A_276 : i32 to index
        %swap3A_277 = tpu.vector_load %arg22[%swap3A] {strides = array<i32>} : memref<656xf32, #tpu.memory_space<vmem>>, vector<16xf32>,
        tpu.vector_store %arg22[%swap3A], %select_n3A_274 {strides = array<i32>} : memref<656xf32, #tpu.memory_space<vmem>>, vector<16xf32>,
      }
      %scan3A_228 = arith.constant 0 : i32
      %scan3A_229 = arith.constant 4 : i32
      %scan3A_230 = arith.addi %scan3A_228, %scan3A_229 : i32
      %scan3A_231 = arith.constant 1 : i32
      scf.for %scan3A_233 = %scan3A_228 to %scan3A_230 step %scan3A_231  : i32 {
        %broadcast_in_dim3A_234 = arith.constant 0 : i32
        %broadcast_in_dim3A_235 = vector.broadcast %broadcast_in_dim3A_234 : i32 to vector<16xi32>
        %scan3A_236 = arith.constant 0 : i32
        %scan3A_237 = arith.constant 16 : i32
        %scan3A_238 = arith.addi %scan3A_236, %scan3A_237 : i32
        %scan3A_239 = arith.constant 1 : i32
        %scan3A_240 = scf.for %scan3A_246 = %scan3A_236 to %scan3A_238 step %scan3A_239 iter_args(%scan3A_247 = %broadcast_in_dim3A_235) -> (vector<16xi32>)  : i32 {
          %while3A_248 = arith.constant 0 : i32
          %while3A_249 = arith.subi %select_n3A_209, %while3A_248 : i32
          %while3A_250 = arith.addi %while3A_248, %while3A_249 : i32
          %while3A_251 = arith.constant 1 : i32
          %while3A_252 = arith.divsi %while3A_249, %while3A_251 : i32
          %while3A_253 = arith.muli %while3A_252, %while3A_251 : i32
          %while3A_254 = arith.addi %while3A_248, %while3A_253 : i32
          %while3A_255 = arith.constant 1 : i32
          %while3A_256 = scf.for %while3A_410 = %while3A_248 to %while3A_254 step %while3A_255 iter_args(%while3A_411 = %broadcast_in_dim3A_3) -> (vector<16xf32>)  : i32 {
            %mul3A_412 = arith.constant 16 : i32
            %mul3A_413 = arith.muli %while3A_410, %mul3A_412 : i32
            %get3A_414 = arith.index_cast %mul3A_413 : i32 to index
            %get3A_415 = tpu.vector_load %arg22[%get3A_414] {strides = array<i32>} : memref<656xf32, #tpu.memory_space<vmem>>, vector<16xf32>,
            %min3A_416 = arith.minimumf %while3A_411, %get3A_415 : vector<16xf32>
            scf.yield %min3A_416 : vector<16xf32>
          }
          %while3A_257 = arith.constant 1 : i32
          %while3A_258 = scf.for %while3A_410 = %while3A_254 to %while3A_250 step %while3A_257 iter_args(%while3A_411 = %while3A_256) -> (vector<16xf32>)  : i32 {
            %mul3A_412 = arith.constant 16 : i32
            %mul3A_413 = arith.muli %while3A_410, %mul3A_412 : i32
            %get3A_414 = arith.index_cast %mul3A_413 : i32 to index
            %get3A_415 = tpu.vector_load %arg22[%get3A_414] {strides = array<i32>} : memref<656xf32, #tpu.memory_space<vmem>>, vector<16xf32>,
            %min3A_416 = arith.minimumf %while3A_411, %get3A_415 : vector<16xf32>
            scf.yield %min3A_416 : vector<16xf32>
          }
          %reduce_min3A = arith.constant true
          %reduce_min3A_259 = vector.broadcast %reduce_min3A : i1 to vector<16xi1>
          %reduce_min3A_260 = tpu.scan <min>, %while3A_258 masked %reduce_min3A_259 : vector<16xf32>, vector<16xi1> -> vector<16xf32>
          %reduce_min3A_261 = vector.extract %reduce_min3A_260[15] : f32 from vector<16xf32>
          %broadcast_in_dim3A_262 = arith.constant 656 : i32
          %broadcast_in_dim3A_263 = vector.broadcast %broadcast_in_dim3A_262 : i32 to vector<16xi32>
          %while3A_264 = arith.constant 0 : i32
          %while3A_265 = arith.subi %select_n3A_209, %while3A_264 : i32
          %while3A_266 = arith.addi %while3A_264, %while3A_265 : i32
          %while3A_267 = arith.constant 1 : i32
          %while3A_268 = arith.divsi %while3A_265, %while3A_267 : i32
          %while3A_269 = arith.muli %while3A_268, %while3A_267 : i32
          %while3A_270 = arith.addi %while3A_264, %while3A_269 : i32
          %while3A_271 = arith.constant 1 : i32
          %while3A_272 = scf.for %while3A_410 = %while3A_264 to %while3A_270 step %while3A_271 iter_args(%while3A_411 = %broadcast_in_dim3A_263) -> (vector<16xi32>)  : i32 {
            %mul3A_412 = arith.constant 16 : i32
            %mul3A_413 = arith.muli %while3A_410, %mul3A_412 : i32
            %get3A_414 = arith.index_cast %mul3A_413 : i32 to index
            %get3A_415 = tpu.vector_load %arg22[%get3A_414] {strides = array<i32>} : memref<656xf32, #tpu.memory_space<vmem>>, vector<16xf32>,
            %eq3A_416 = vector.broadcast %reduce_min3A_261 : f32 to vector<16xf32>
            %eq3A_417 = arith.cmpf oeq, %get3A_415, %eq3A_416 : vector<16xf32>
            %mul3A_418 = arith.constant 16 : i32
            %mul3A_419 = arith.muli %while3A_410, %mul3A_418 : i32
            %add3A_420 = vector.broadcast %mul3A_419 : i32 to vector<16xi32>
            %add3A_421 = arith.addi %add3A_420, %iota3A : vector<16xi32>
            %jit3A_422 = arith.constant 656 : i32
            %broadcast_in_dim3A_423 = vector.broadcast %jit3A_422 : i32 to vector<16xi32>
            %select_n3A_424 = arith.select %eq3A_417, %add3A_421, %broadcast_in_dim3A_423 : vector<16xi1>, vector<16xi32>
            %min3A_425 = arith.minsi %while3A_411, %select_n3A_424 : vector<16xi32>
            scf.yield %min3A_425 : vector<16xi32>
          }
          %while3A_273 = arith.constant 1 : i32
          %while3A_274 = scf.for %while3A_410 = %while3A_270 to %while3A_266 step %while3A_273 iter_args(%while3A_411 = %while3A_272) -> (vector<16xi32>)  : i32 {
            %mul3A_412 = arith.constant 16 : i32
            %mul3A_413 = arith.muli %while3A_410, %mul3A_412 : i32
            %get3A_414 = arith.index_cast %mul3A_413 : i32 to index
            %get3A_415 = tpu.vector_load %arg22[%get3A_414] {strides = array<i32>} : memref<656xf32, #tpu.memory_space<vmem>>, vector<16xf32>,
            %eq3A_416 = vector.broadcast %reduce_min3A_261 : f32 to vector<16xf32>
            %eq3A_417 = arith.cmpf oeq, %get3A_415, %eq3A_416 : vector<16xf32>
            %mul3A_418 = arith.constant 16 : i32
            %mul3A_419 = arith.muli %while3A_410, %mul3A_418 : i32
            %add3A_420 = vector.broadcast %mul3A_419 : i32 to vector<16xi32>
            %add3A_421 = arith.addi %add3A_420, %iota3A : vector<16xi32>
            %jit3A_422 = arith.constant 656 : i32
            %broadcast_in_dim3A_423 = vector.broadcast %jit3A_422 : i32 to vector<16xi32>
            %select_n3A_424 = arith.select %eq3A_417, %add3A_421, %broadcast_in_dim3A_423 : vector<16xi1>, vector<16xi32>
            %min3A_425 = arith.minsi %while3A_411, %select_n3A_424 : vector<16xi32>
            scf.yield %min3A_425 : vector<16xi32>
          }
          %reduce_min3A_275 = arith.constant true
          %reduce_min3A_276 = vector.broadcast %reduce_min3A_275 : i1 to vector<16xi1>
          %reduce_min3A_277 = arith.constant -2147483648 : i32
          %reduce_min3A_278 = vector.broadcast %reduce_min3A_277 : i32 to vector<16xi32>
          %reduce_min3A_279 = arith.xori %while3A_274, %reduce_min3A_278 : vector<16xi32>
          %reduce_min3A_280 = tpu.scan <min>, %reduce_min3A_279 masked %reduce_min3A_276 : vector<16xi32>, vector<16xi1> -> vector<16xi32>
          %reduce_min3A_281 = arith.xori %reduce_min3A_280, %reduce_min3A_278 : vector<16xi32>
          %reduce_min3A_282 = vector.extract %reduce_min3A_281[15] : i32 from vector<16xi32>
          %mul3A_283 = arith.constant 16 : i32
          %mul3A_284 = arith.muli %reduce_min3A_282, %mul3A_283 : i32
          %get3A_285 = arith.index_cast %mul3A_284 : i32 to index
          %get3A_286 = tpu.vector_load %arg20[%get3A_285] {strides = array<i32>} : memref<10256xf32, #tpu.memory_space<vmem>>, vector<16xf32>,
          %eq3A = vector.broadcast %reduce_min3A_261 : f32 to vector<16xf32>
          %eq3A_287 = arith.cmpf oeq, %get3A_286, %eq3A : vector<16xf32>
          %jit3A_288 = arith.constant 16 : i32
          %broadcast_in_dim3A_289 = vector.broadcast %jit3A_288 : i32 to vector<16xi32>
          %select_n3A_290 = arith.select %eq3A_287, %iota3A, %broadcast_in_dim3A_289 : vector<16xi1>, vector<16xi32>
          %reduce_min3A_291 = arith.constant true
          %reduce_min3A_292 = vector.broadcast %reduce_min3A_291 : i1 to vector<16xi1>
          %reduce_min3A_293 = arith.constant -2147483648 : i32
          %reduce_min3A_294 = vector.broadcast %reduce_min3A_293 : i32 to vector<16xi32>
          %reduce_min3A_295 = arith.xori %select_n3A_290, %reduce_min3A_294 : vector<16xi32>
          %reduce_min3A_296 = tpu.scan <min>, %reduce_min3A_295 masked %reduce_min3A_292 : vector<16xi32>, vector<16xi1> -> vector<16xi32>
          %reduce_min3A_297 = arith.xori %reduce_min3A_296, %reduce_min3A_294 : vector<16xi32>
          %reduce_min3A_298 = vector.extract %reduce_min3A_297[15] : i32 from vector<16xi32>
          %eq3A_299 = vector.broadcast %reduce_min3A_298 : i32 to vector<16xi32>
          %eq3A_300 = arith.cmpi eq, %iota3A, %eq3A_299 : vector<16xi32>
          %jit3A_301 = arith.constant 0x7F800000 : f32
          %broadcast_in_dim3A_302 = vector.broadcast %jit3A_301 : f32 to vector<16xf32>
          %select_n3A_303 = arith.select %eq3A_300, %broadcast_in_dim3A_302, %get3A_286 : vector<16xi1>, vector<16xf32>
          %mul3A_304 = arith.constant 16 : i32
          %mul3A_305 = arith.muli %reduce_min3A_282, %mul3A_304 : i32
          %swap3A_306 = arith.index_cast %mul3A_305 : i32 to index
          %swap3A_307 = tpu.vector_load %arg20[%swap3A_306] {strides = array<i32>} : memref<10256xf32, #tpu.memory_space<vmem>>, vector<16xf32>,
          tpu.vector_store %arg20[%swap3A_306], %select_n3A_303 {strides = array<i32>} : memref<10256xf32, #tpu.memory_space<vmem>>, vector<16xf32>,
          %jit3A_308 = arith.constant 16 : i32
          %div3A_309 = arith.divsi %reduce_min3A_282, %jit3A_308 : i32
          %sign3A_310 = arith.constant 0 : i32
          %sign3A_311 = arith.cmpi sgt, %reduce_min3A_282, %sign3A_310 : i32
          %sign3A_312 = arith.extui %sign3A_311 : i1 to i32
          %sign3A_313 = arith.constant 0 : i32
          %sign3A_314 = arith.cmpi slt, %reduce_min3A_282, %sign3A_313 : i32
          %sign3A_315 = arith.extui %sign3A_314 : i1 to i32
          %sign3A_316 = arith.subi %sign3A_312, %sign3A_315 : i32
          %sign3A_317 = arith.constant 0 : i32
          %sign3A_318 = arith.cmpi sgt, %jit3A_308, %sign3A_317 : i32
          %sign3A_319 = arith.extui %sign3A_318 : i1 to i32
          %sign3A_320 = arith.constant 0 : i32
          %sign3A_321 = arith.cmpi slt, %jit3A_308, %sign3A_320 : i32
          %sign3A_322 = arith.extui %sign3A_321 : i1 to i32
          %sign3A_323 = arith.subi %sign3A_319, %sign3A_322 : i32
          %ne3A_324 = arith.cmpi ne, %sign3A_316, %sign3A_323 : i32
          %rem3A_325 = arith.remsi %reduce_min3A_282, %jit3A_308 : i32
          %ne3A_326 = arith.constant 0 : i32
          %ne3A_327 = arith.cmpi ne, %rem3A_325, %ne3A_326 : i32
          %and3A_328 = arith.andi %ne3A_324, %ne3A_327 : i1
          %sub3A_329 = arith.constant 1 : i32
          %sub3A_330 = arith.subi %div3A_309, %sub3A_329 : i32
          %select_n3A_331 = arith.select %and3A_328, %sub3A_330, %div3A_309 : i32
          %mul3A_332 = arith.constant 16 : i32
          %mul3A_333 = arith.muli %select_n3A_331, %mul3A_332 : i32
          %sub3A_334 = arith.subi %reduce_min3A_282, %mul3A_333 : i32
          %mul3A_335 = arith.constant 16 : i32
          %mul3A_336 = arith.muli %select_n3A_331, %mul3A_335 : i32
          %get3A_337 = arith.index_cast %mul3A_336 : i32 to index
          %get3A_338 = tpu.vector_load %arg22[%get3A_337] {strides = array<i32>} : memref<656xf32, #tpu.memory_space<vmem>>, vector<16xf32>,
          %eq3A_339 = vector.broadcast %sub3A_334 : i32 to vector<16xi32>
          %eq3A_340 = arith.cmpi eq, %iota3A, %eq3A_339 : vector<16xi32>
          %reduce_min3A_341 = arith.constant true
          %reduce_min3A_342 = vector.broadcast %reduce_min3A_341 : i1 to vector<16xi1>
          %reduce_min3A_343 = tpu.scan <min>, %select_n3A_303 masked %reduce_min3A_342 : vector<16xf32>, vector<16xi1> -> vector<16xf32>
          %reduce_min3A_344 = vector.extract %reduce_min3A_343[15] : f32 from vector<16xf32>
          %broadcast_in_dim3A_345 = vector.broadcast %reduce_min3A_344 : f32 to vector<16xf32>
          %select_n3A_346 = arith.select %eq3A_340, %broadcast_in_dim3A_345, %get3A_338 : vector<16xi1>, vector<16xf32>
          %mul3A_347 = arith.constant 16 : i32
          %mul3A_348 = arith.muli %select_n3A_331, %mul3A_347 : i32
          %swap3A_349 = arith.index_cast %mul3A_348 : i32 to index
          %swap3A_350 = tpu.vector_load %arg22[%swap3A_349] {strides = array<i32>} : memref<656xf32, #tpu.memory_space<vmem>>, vector<16xf32>,
          tpu.vector_store %arg22[%swap3A_349], %select_n3A_346 {strides = array<i32>} : memref<656xf32, #tpu.memory_space<vmem>>, vector<16xf32>,
          %eq3A_351 = vector.broadcast %reduce_min3A_298 : i32 to vector<16xi32>
          %eq3A_352 = arith.cmpi eq, %iota3A, %eq3A_351 : vector<16xi32>
          %mul3A_353 = arith.constant 16 : i32
          %mul3A_354 = arith.muli %reduce_min3A_282, %mul3A_353 : i32
          %get3A_355 = arith.index_cast %mul3A_354 : i32 to index
          %get3A_356 = tpu.vector_load %arg21[%get3A_355] {strides = array<i32>} : memref<10256xi32, #tpu.memory_space<vmem>>, vector<16xi32>,
          %jit3A_357 = arith.constant 0 : i32
          %broadcast_in_dim3A_358 = vector.broadcast %jit3A_357 : i32 to vector<16xi32>
          %select_n3A_359 = arith.select %eq3A_352, %get3A_356, %broadcast_in_dim3A_358 : vector<16xi1>, vector<16xi32>
          %reduce_sum3A = arith.constant true
          %reduce_sum3A_360 = vector.broadcast %reduce_sum3A : i1 to vector<16xi1>
          %reduce_sum3A_361 = tpu.scan <sum>, %select_n3A_359 masked %reduce_sum3A_360 : vector<16xi32>, vector<16xi1> -> vector<16xi32>
          %reduce_sum3A_362 = vector.extract %reduce_sum3A_361[15] : i32 from vector<16xi32>
          %jit3A_363 = arith.constant 16 : i32
          %div3A_364 = arith.divsi %reduce_sum3A_362, %jit3A_363 : i32
          %sign3A_365 = arith.constant 0 : i32
          %sign3A_366 = arith.cmpi sgt, %reduce_sum3A_362, %sign3A_365 : i32
          %sign3A_367 = arith.extui %sign3A_366 : i1 to i32
          %sign3A_368 = arith.constant 0 : i32
          %sign3A_369 = arith.cmpi slt, %reduce_sum3A_362, %sign3A_368 : i32
          %sign3A_370 = arith.extui %sign3A_369 : i1 to i32
          %sign3A_371 = arith.subi %sign3A_367, %sign3A_370 : i32
          %sign3A_372 = arith.constant 0 : i32
          %sign3A_373 = arith.cmpi sgt, %jit3A_363, %sign3A_372 : i32
          %sign3A_374 = arith.extui %sign3A_373 : i1 to i32
          %sign3A_375 = arith.constant 0 : i32
          %sign3A_376 = arith.cmpi slt, %jit3A_363, %sign3A_375 : i32
          %sign3A_377 = arith.extui %sign3A_376 : i1 to i32
          %sign3A_378 = arith.subi %sign3A_374, %sign3A_377 : i32
          %ne3A_379 = arith.cmpi ne, %sign3A_371, %sign3A_378 : i32
          %rem3A_380 = arith.remsi %reduce_sum3A_362, %jit3A_363 : i32
          %ne3A_381 = arith.constant 0 : i32
          %ne3A_382 = arith.cmpi ne, %rem3A_380, %ne3A_381 : i32
          %and3A_383 = arith.andi %ne3A_379, %ne3A_382 : i1
          %sub3A_384 = arith.constant 1 : i32
          %sub3A_385 = arith.subi %div3A_364, %sub3A_384 : i32
          %select_n3A_386 = arith.select %and3A_383, %sub3A_385, %div3A_364 : i32
          %mul3A_387 = arith.constant 16 : i32
          %mul3A_388 = arith.muli %select_n3A_386, %mul3A_387 : i32
          %sub3A_389 = arith.subi %reduce_sum3A_362, %mul3A_388 : i32
          %eq3A_390 = vector.broadcast %sub3A_389 : i32 to vector<16xi32>
          %eq3A_391 = arith.cmpi eq, %iota3A, %eq3A_390 : vector<16xi32>
          %mul3A_392 = arith.constant 16 : i32
          %mul3A_393 = arith.muli %select_n3A_386, %mul3A_392 : i32
          %get3A_394 = arith.index_cast %mul3A_393 : i32 to index
          %get3A_395 = tpu.vector_load %arg15[%get3A_394] {strides = array<i32>} : memref<10240xi32, #tpu.memory_space<vmem>>, vector<16xi32>,
          %jit3A_396 = arith.constant 0 : i32
          %broadcast_in_dim3A_397 = vector.broadcast %jit3A_396 : i32 to vector<16xi32>
          %select_n3A_398 = arith.select %eq3A_391, %get3A_395, %broadcast_in_dim3A_397 : vector<16xi1>, vector<16xi32>
          %reduce_sum3A_399 = arith.constant true
          %reduce_sum3A_400 = vector.broadcast %reduce_sum3A_399 : i1 to vector<16xi1>
          %reduce_sum3A_401 = tpu.scan <sum>, %select_n3A_398 masked %reduce_sum3A_400 : vector<16xi32>, vector<16xi1> -> vector<16xi32>
          %reduce_sum3A_402 = vector.extract %reduce_sum3A_401[15] : i32 from vector<16xi32>
          %le3A = arith.constant 4.000000e-02 : f32
          %le3A_403 = arith.cmpf ole, %reduce_min3A_261, %le3A : f32
          %jit3A_404 = arith.constant 10000 : i32
          %select_n3A_405 = arith.select %le3A_403, %reduce_sum3A_402, %jit3A_404 : i32
          %eq3A_406 = vector.broadcast %scan3A_246 : i32 to vector<16xi32>
          %eq3A_407 = arith.cmpi eq, %iota3A, %eq3A_406 : vector<16xi32>
          %broadcast_in_dim3A_408 = vector.broadcast %select_n3A_405 : i32 to vector<16xi32>
          %select_n3A_409 = arith.select %eq3A_407, %broadcast_in_dim3A_408, %scan3A_247 : vector<16xi1>, vector<16xi32>
          scf.yield %select_n3A_409 : vector<16xi32>
        }
        %scan3A_241 = arith.constant 16 : i32
        %mul3A_242 = arith.constant 16 : i32
        %mul3A_243 = arith.muli %scan3A_233, %mul3A_242 : i32
        %swap3A = arith.index_cast %scan3A_15 : i32 to index
        %swap3A_244 = arith.index_cast %mul3A_243 : i32 to index
        %swap3A_245 = tpu.vector_load %arg23[%swap3A, %swap3A_244] {strides = array<i32>} : memref<160x64xi32, #tpu.memory_space<vmem>>, vector<16xi32>,
        tpu.vector_store %arg23[%swap3A, %swap3A_244], %scan3A_240 {strides = array<i32>} : memref<160x64xi32, #tpu.memory_space<vmem>>, vector<16xi32>,
      }
      %scan3A_232 = arith.constant 4 : i32
      scf.yield %max3A_181 : i32
    }
    %scan3A_14 = arith.constant 160 : i32
    "tpu.region"() ({
      %run_scoped3A = tpu.sem_alloc : memref<!tpu.dma_semaphore, #tpu.memory_space<semaphore_mem>>
      %dma_start3A = arith.constant 0 : i32
      %dma_start3A_15 = tpu.memref_slice %arg10[%mul3A_2, %dma_start3A] : memref<5120x64xi32, #tpu.memory_space<hbm>> -> memref<160x64xi32, #tpu.memory_space<hbm>>
      %dma_start3A_16 = arith.constant 0 : i32
      %dma_start3A_17 = tpu.memref_slice %arg10[%mul3A_2, %dma_start3A_16] : memref<5120x64xi32, #tpu.memory_space<hbm>> -> memref<160x64xi32, #tpu.memory_space<hbm>>
      tpu.enqueue_dma source(%arg23 : memref<160x64xi32, #tpu.memory_space<vmem>>) target(%dma_start3A_17 : memref<160x64xi32, #tpu.memory_space<hbm>>) target_semaphore(%run_scoped3A : memref<!tpu.dma_semaphore, #tpu.memory_space<semaphore_mem>>)
      %dma_wait3A = arith.constant 0 : i32
      %dma_wait3A_18 = tpu.memref_slice %arg10[%mul3A_2, %dma_wait3A] : memref<5120x64xi32, #tpu.memory_space<hbm>> -> memref<160x64xi32, #tpu.memory_space<hbm>>
      %dma_wait3A_19 = arith.constant 0 : i32
      %dma_wait3A_20 = tpu.memref_slice %arg10[%mul3A_2, %dma_wait3A_19] : memref<5120x64xi32, #tpu.memory_space<hbm>> -> memref<160x64xi32, #tpu.memory_space<hbm>>
      tpu.wait_dma2 semaphore(%run_scoped3A : memref<!tpu.dma_semaphore, #tpu.memory_space<semaphore_mem>>) src(%arg23 : memref<160x64xi32, #tpu.memory_space<vmem>>) dst(%dma_wait3A_20 : memref<160x64xi32, #tpu.memory_space<hbm>>)
      tpu.yield
    }) : () -> ()
    return
  }
}

module attributes {stable_mosaic.version = 14 : i64} {
  func.func @_fps_body(%arg0: memref<8x1280xf32, #tpu.memory_space<vmem>>, %arg1: memref<8x1280xf32, #tpu.memory_space<vmem>>, %arg2: memref<8x1280xf32, #tpu.memory_space<vmem>>, %arg3: memref<10240xf32, #tpu.memory_space<smem>>, %arg4: memref<10240xf32, #tpu.memory_space<smem>>, %arg5: memref<10240xf32, #tpu.memory_space<smem>>, %arg6: memref<5000xi32, #tpu.memory_space<smem>>) attributes {dimension_semantics = [], scalar_prefetch = 0 : i64, scratch_operands = 0 : i64, tpu.core_type = #tpu.core_type<tc>} {
    %get3A = arith.constant 0 : index
    %get3A_0 = arith.constant 0 : index
    %get3A_1 = vector.load %arg0[%get3A, %get3A_0] : memref<8x1280xf32, #tpu.memory_space<vmem>>, vector<8x1280xf32>
    %get3A_2 = arith.constant 0 : index
    %get3A_3 = arith.constant 0 : index
    %get3A_4 = vector.load %arg1[%get3A_2, %get3A_3] : memref<8x1280xf32, #tpu.memory_space<vmem>>, vector<8x1280xf32>
    %get3A_5 = arith.constant 0 : index
    %get3A_6 = arith.constant 0 : index
    %get3A_7 = vector.load %arg2[%get3A_5, %get3A_6] : memref<8x1280xf32, #tpu.memory_space<vmem>>, vector<8x1280xf32>
    %iota3A = tpu.iota {dimensions = array<i32: 0>} : vector<8x1280xi32>
    %mul3A = arith.constant 1280 : i32
    %mul3A_8 = vector.broadcast %mul3A : i32 to vector<8x1280xi32>
    %mul3A_9 = arith.muli %iota3A, %mul3A_8 : vector<8x1280xi32>
    %iota3A_10 = tpu.iota {dimensions = array<i32: 1>} : vector<8x1280xi32>
    %add3A = arith.addi %mul3A_9, %iota3A_10 : vector<8x1280xi32>
    %swap3A = arith.constant 0 : i32
    %swap3A_11 = arith.constant 0 : index
    %swap3A_12 = memref.load %arg6[%swap3A_11] : memref<5000xi32, #tpu.memory_space<smem>>
    memref.store %swap3A, %arg6[%swap3A_11] : memref<5000xi32, #tpu.memory_space<smem>>
    %broadcast_in_dim3A = arith.constant 0x7F800000 : f32
    %broadcast_in_dim3A_13 = vector.broadcast %broadcast_in_dim3A : f32 to vector<8x1280xf32>
    %get3A_14 = arith.constant 0 : index
    %get3A_15 = memref.load %arg3[%get3A_14] : memref<10240xf32, #tpu.memory_space<smem>>
    %get3A_16 = arith.constant 0 : index
    %get3A_17 = memref.load %arg4[%get3A_16] : memref<10240xf32, #tpu.memory_space<smem>>
    %get3A_18 = arith.constant 0 : index
    %get3A_19 = memref.load %arg5[%get3A_18] : memref<10240xf32, #tpu.memory_space<smem>>
    %scan3A = arith.constant 1 : i32
    %scan3A_20 = arith.constant 4999 : i32
    %scan3A_21 = arith.addi %scan3A, %scan3A_20 : i32
    %scan3A_22 = arith.constant 1 : i32
    %scan3A_23:4 = scf.for %scan3A_25 = %scan3A to %scan3A_21 step %scan3A_22 iter_args(%scan3A_26 = %broadcast_in_dim3A_13, %scan3A_27 = %get3A_15, %scan3A_28 = %get3A_17, %scan3A_29 = %get3A_19) -> (vector<8x1280xf32>, f32, f32, f32)  : i32 {
      %sub3A = vector.broadcast %scan3A_27 : f32 to vector<8x1280xf32>
      %sub3A_30 = arith.subf %get3A_1, %sub3A : vector<8x1280xf32>
      %sub3A_31 = vector.broadcast %scan3A_28 : f32 to vector<8x1280xf32>
      %sub3A_32 = arith.subf %get3A_4, %sub3A_31 : vector<8x1280xf32>
      %sub3A_33 = vector.broadcast %scan3A_29 : f32 to vector<8x1280xf32>
      %sub3A_34 = arith.subf %get3A_7, %sub3A_33 : vector<8x1280xf32>
      %mul3A_35 = arith.mulf %sub3A_30, %sub3A_30 : vector<8x1280xf32>
      %mul3A_36 = arith.mulf %sub3A_34, %sub3A_34 : vector<8x1280xf32>
      %add3A_37 = arith.addf %mul3A_35, %mul3A_36 : vector<8x1280xf32>
      %mul3A_38 = arith.mulf %sub3A_32, %sub3A_32 : vector<8x1280xf32>
      %add3A_39 = arith.addf %add3A_37, %mul3A_38 : vector<8x1280xf32>
      %min3A = arith.minimumf %scan3A_26, %add3A_39 : vector<8x1280xf32>
      %reduce_max3A = vector.shape_cast %min3A : vector<8x1280xf32> to vector<1x8x1280xf32>
      %reduce_max3A_40 = arith.constant dense<0xFF800000> : vector<1xf32>
      %reduce_max3A_41 = vector.multi_reduction <maximumf>, %reduce_max3A, %reduce_max3A_40 [1, 2] : vector<1x8x1280xf32> to vector<1xf32>
      %reduce_max3A_42 = vector.shape_cast %reduce_max3A_41 : vector<1xf32> to vector<1x1x1xf32>
      %reduce_max3A_43 = vector.extract %reduce_max3A_42[0, 0, 0] : f32 from vector<1x1x1xf32>
      %eq3A = vector.broadcast %reduce_max3A_43 : f32 to vector<8x1280xf32>
      %eq3A_44 = arith.cmpf oeq, %min3A, %eq3A : vector<8x1280xf32>
      %jit3A = arith.constant 10240 : i32
      %broadcast_in_dim3A_45 = vector.broadcast %jit3A : i32 to vector<8x1280xi32>
      %select_n3A = arith.select %eq3A_44, %add3A, %broadcast_in_dim3A_45 : vector<8x1280xi1>, vector<8x1280xi32>
      %reduce_min3A = vector.shape_cast %select_n3A : vector<8x1280xi32> to vector<1x8x1280xi32>
      %reduce_min3A_46 = arith.constant dense<2147483647> : vector<1xi32>
      %reduce_min3A_47 = vector.multi_reduction <minsi>, %reduce_min3A, %reduce_min3A_46 [1, 2] : vector<1x8x1280xi32> to vector<1xi32>
      %reduce_min3A_48 = vector.shape_cast %reduce_min3A_47 : vector<1xi32> to vector<1x1x1xi32>
      %reduce_min3A_49 = vector.extract %reduce_min3A_48[0, 0, 0] : i32 from vector<1x1x1xi32>
      %swap3A_50 = arith.index_cast %scan3A_25 : i32 to index
      %swap3A_51 = memref.load %arg6[%swap3A_50] : memref<5000xi32, #tpu.memory_space<smem>>
      memref.store %reduce_min3A_49, %arg6[%swap3A_50] : memref<5000xi32, #tpu.memory_space<smem>>
      %get3A_52 = arith.index_cast %reduce_min3A_49 : i32 to index
      %get3A_53 = memref.load %arg3[%get3A_52] : memref<10240xf32, #tpu.memory_space<smem>>
      %get3A_54 = arith.index_cast %reduce_min3A_49 : i32 to index
      %get3A_55 = memref.load %arg4[%get3A_54] : memref<10240xf32, #tpu.memory_space<smem>>
      %get3A_56 = arith.index_cast %reduce_min3A_49 : i32 to index
      %get3A_57 = memref.load %arg5[%get3A_56] : memref<10240xf32, #tpu.memory_space<smem>>
      scf.yield %min3A, %get3A_53, %get3A_55, %get3A_57 : vector<8x1280xf32>, f32, f32, f32
    }
    %scan3A_24 = arith.constant 4999 : i32
    return
  }
}

module attributes {stable_mosaic.version = 14 : i64} {
  func.func @_feat_body(%arg0: i32, %arg1: memref<512x256xf32, #tpu.memory_space<vmem>>, %arg2: memref<256x128xf32, #tpu.memory_space<vmem>>, %arg3: memref<1x128xf32, #tpu.memory_space<vmem>>, %arg4: memref<512x128xf32, #tpu.memory_space<vmem>>) attributes {dimension_semantics = [#tpu.dimension_semantics<arbitrary>], iteration_bounds = array<i64: 20>, scalar_prefetch = 0 : i64, scratch_operands = 0 : i64, tpu.core_type = #tpu.core_type<tc>, window_params = [{transform_indices = @transform_0, window_bounds = array<i64: 512, 256>}, {pipeline_mode = #tpu.pipeline_mode<synchronous>, transform_indices = @transform_1, window_bounds = array<i64: 256, 128>}, {pipeline_mode = #tpu.pipeline_mode<synchronous>, transform_indices = @transform_2, window_bounds = array<i64: 1, 128>}, {transform_indices = @transform_3, window_bounds = array<i64: 512, 128>}]} {
    %get3A = arith.constant 0 : index
    %get3A_0 = arith.constant 0 : index
    %get3A_1 = vector.load %arg1[%get3A, %get3A_0] : memref<512x256xf32, #tpu.memory_space<vmem>>, vector<512x256xf32>
    %get3A_2 = arith.constant 0 : index
    %get3A_3 = arith.constant 0 : index
    %get3A_4 = vector.load %arg2[%get3A_2, %get3A_3] : memref<256x128xf32, #tpu.memory_space<vmem>>, vector<256x128xf32>
    %dot_general3A = arith.constant dense<0.000000e+00> : vector<512x128xf32>
    %dot_general3A_5 = tpu.matmul %get3A_1, %get3A_4, %dot_general3A {dimension_numbers = #tpu.dot_dimension_numbers<[1], [0], [0], [1], [0, 0, 1, 1], [], []>, transpose_lhs_hint = false} : vector<512x256xf32>, vector<256x128xf32>, vector<512x128xf32> -> vector<512x128xf32>
    %get3A_6 = arith.constant 0 : index
    %get3A_7 = arith.constant 0 : index
    %get3A_8 = vector.load %arg3[%get3A_6, %get3A_7] : memref<1x128xf32, #tpu.memory_space<vmem>>, vector<1x128xf32>
    %add3A = vector.broadcast %get3A_8 : vector<1x128xf32> to vector<512x128xf32>
    %add3A_9 = arith.addf %dot_general3A_5, %add3A : vector<512x128xf32>
    %mul3A = arith.constant 512 : i32
    %mul3A_10 = arith.muli %arg0, %mul3A : i32
    %iota3A = tpu.iota {dimensions = array<i32: 0>} : vector<512x128xi32>
    %add3A_11 = vector.broadcast %mul3A_10 : i32 to vector<512x128xi32>
    %add3A_12 = arith.addi %add3A_11, %iota3A : vector<512x128xi32>
    %lt3A = arith.constant 10000 : i32
    %lt3A_13 = vector.broadcast %lt3A : i32 to vector<512x128xi32>
    %lt3A_14 = arith.cmpi slt, %add3A_12, %lt3A_13 : vector<512x128xi32>
    %jit3A = arith.constant -1.000000e+30 : f32
    %broadcast_in_dim3A = vector.broadcast %jit3A : f32 to vector<512x128xf32>
    %select_n3A = arith.select %lt3A_14, %add3A_9, %broadcast_in_dim3A : vector<512x128xi1>, vector<512x128xf32>
    %swap3A = arith.constant 0 : index
    %swap3A_15 = arith.constant 0 : index
    %swap3A_16 = vector.load %arg4[%swap3A, %swap3A_15] : memref<512x128xf32, #tpu.memory_space<vmem>>, vector<512x128xf32>
    tpu.vector_store %arg4[%swap3A, %swap3A_15], %select_n3A {strides = array<i32>} : memref<512x128xf32, #tpu.memory_space<vmem>>, vector<512x128xf32>,
    return
  }
  func.func @transform_0(%arg0: i32) -> (i32, i32) {
    %c0_i32 = arith.constant 0 : i32
    %c0_i32_0 = arith.constant 0 : i32
    return %arg0, %c0_i32 : i32, i32
  }
  func.func @transform_1(%arg0: i32) -> (i32, i32) {
    %c0_i32 = arith.constant 0 : i32
    %c0_i32_0 = arith.constant 0 : i32
    %c0_i32_1 = arith.constant 0 : i32
    return %c0_i32, %c0_i32_0 : i32, i32
  }
  func.func @transform_2(%arg0: i32) -> (i32, i32) {
    %c0_i32 = arith.constant 0 : i32
    %c0_i32_0 = arith.constant 0 : i32
    %c0_i32_1 = arith.constant 0 : i32
    return %c0_i32, %c0_i32_0 : i32, i32
  }
  func.func @transform_3(%arg0: i32) -> (i32, i32) {
    %c0_i32 = arith.constant 0 : i32
    %c0_i32_0 = arith.constant 0 : i32
    return %arg0, %c0_i32 : i32, i32
  }
}

</mosaic_0001>

<sc_bundles>
// kernel: gather_offload_async_start.1
scs
__scs_entry_jumppad:
0x0: {  	(pc) =	sbr.rel $0x88, $3  }
0x1: {  	(tag) =	ssettag $0x0;
	lr =	simm.s32 $0x1  }
0x2: {  	[smem:$0x3F9C] =	sst lr;
	_ =	strace $0xD0000000  }
0x3: {  	_ = 	snop  }
0x4: {  	_ = 	snop  }
0x5: {  	_ = 	snop  }
0x6: {  	_ = 	snop  }
0x7: {  	_ = 	snop  }
__scs_overlays_trampoline_lowered:
0x8: {  	[smem:$0x3FAB] =	sst s0  }
0x9: {  	[smem:$0x3FAC] =	sst s1  }
0xa: {  	[smem:$0x3FAD] =	sst s2  }
0xb: {  	[smem:$0x3FAE] =	sst s3  }
0xc: {  	[smem:$0x3FAF] =	sst s4  }
0xd: {  	[smem:$0x3FB0] =	sst s5  }
0xe: {  	[smem:$0x3FB1] =	sst s6  }
0xf: {  	[smem:$0x3FB2] =	sst s7  }
0x10: {  	[smem:$0x3FB3] =	sst s8  }
0x11: {  	[smem:$0x3FB4] =	sst s9;
	s0 =	simm.s32 @!p0 $0x0  }
0x12: {  	s1 =	sld [smem:$0x3F9A];
	s0 =	simm.s32 @p0 $0x1  }
0x13: {  	[smem:$0x3FB5] =	sst s0;
	s0 =	simm.s32 @!p1 $0x0  }
0x14: {  	s2 =	sld [smem:$0x3F99];
	s0 =	simm.s32 @p1 $0x1  }
0x15: {  	[smem:$0x3FB6] =	sst s0;
	s0 =	simm.s32 @!p2 $0x0  }
0x16: {  	s3 =	sld [smem:$0x3FDB];
	s0 =	simm.s32 @p2 $0x1  }
0x17: {  	s4 =	simm.s32 $0x1BF5;
	[smem:$0x3FB8] =	sst s0  }
0x18: {  	s0 =	sld [smem:$0x3F9B];
	_ =	swait.ge [sflag:s4], $0x0  }
0x19: {  	s7 =	sld [smem:$0x3F9C]  }
0x1a: {  	s8 =	sadd.s32 $0xFFFFE003, lr  }
0x1b: {  	s9 =	sadd.s32 $0xFFFFFEF7, lr;
	s5 =	simm.s32 $0xFFFFFFFF;
	p2 =	slt.u32 s8, $0xFFFFF086  }
0x1c: {  	p1 =	slt.u32 s9, $0xF7A;
	s5 =	simm.s32 @!p2 $0x0  }
0x1d: {  	s5 =	simm.s32 @p1 $0x1;
	p0 =	seq.s32 s7, s2  }
0x1e: {  	s7 =	smul.u32 @!p0 $0xF7A, s2;
	p2 =	seq.s32 @!p0 s5, $0x0  }
0x1f: {  	s9 =	smul.u32 $0xF7A, s1;
	s8 =	simm.s32 @!p0 $0x1BF5;
	p2 =	por !p2, p0  }
0x20: {  	[sflag:s8] =	ssyncset.s32 @!p0 $0xFFFFF086;
	s6 =	sadd.s32 @!p0 s3, s7;
	s7 =	simm.s32 @!p0 $0x108  }
0x21: {  	s3 =	sadd.s32 s3, s9;
	s6 =	sadd.s32 @!p0 $0x88, s6;
	s7 =	simm.s32 @p2 $0x1082  }
0x22: {  	[simem:s7], [sflag:s8] =	dma.local @!p0 [hbm:s6], $0xF7A  }
0x23: {  	s9 =	sor.u32 $0xD0000000, s2;
	s6 =	simm.s32 $0x108;
	_ =	swait.ge @!p0 [sflag:s8], $0x0  }
0x24: {  	s3 =	sadd.s32 $0x88, s3;
	s6 =	simm.s32 @!p1 $0x1082;
	[sflag:s4] =	ssyncset.s32 $0xFFFFF086  }
0x25: {  	[simem:s6], [sflag:s4] =	dma.local [hbm:s3], $0xF7A  }
0x26: {  	[smem:$0x3F9C] =	sst s1;
	(tag) =	ssettag s2;
	_ =	strace s9  }
0x27: {  	s1 =	sld [smem:$0x3FAC]  }
0x28: {  	s2 =	sld [smem:$0x3FAD]  }
0x29: {  	s4 =	sld [smem:$0x3FAF]  }
0x2a: {  	p0 =	seq.s32 s5, $0x0;
	s5 =	sld [smem:$0x3FB0]  }
0x2b: {  	s6 =	sld [smem:$0x3FB1]  }
0x2c: {  	s7 =	sld [smem:$0x3FB2]  }
0x2d: {  	s3 =	simm.s32 $0x108;
	s8 =	sld [smem:$0x3FB3]  }
0x2e: {  	s3 =	simm.s32 @!p0 $0x1082;
	s9 =	sld [smem:$0x3FB4]  }
0x2f: {  	lr =	sadd.s32 s0, s3;
	s0 =	sld [smem:$0x3FAB]  }
0x30: {  	s3 =	sld [smem:$0x3FAE]  }
0x31: {  	[smem:$0x3FB7] =	sst s10  }
0x32: {  	s10 =	sld [smem:$0x3FB5];
	_ =	sdelay $0x3  }
0x33: {  	p0 =	seq.s32 s10, $0x1;
	s10 =	sld [smem:$0x3FB7];
	_ =	sdelay $0x3  }
0x34: {  	[smem:$0x3FB7] =	sst s10  }
0x35: {  	s10 =	sld [smem:$0x3FB6];
	_ =	sdelay $0x3  }
0x36: {  	p1 =	seq.s32 s10, $0x1;
	s10 =	sld [smem:$0x3FB7];
	_ =	sdelay $0x3  }
0x37: {  	[smem:$0x3FB7] =	sst s10  }
0x38: {  	s10 =	sld [smem:$0x3FB8]  }
0x39: {  	_ = 	snop;
	(pc) =	sbr.ind lr, $3  }
0x3a: {  	_ = 	snop  }
0x3b: {  	_ = 	snop  }
0x3c: {  	p2 =	seq.s32 s10, $0x1;
	s10 =	sld [smem:$0x3FB7]  }
0x3d: {  	_ =	shalt  }
0x3e: {  	_ =	shalt  }
0x3f: {  	_ =	shalt  }
0x40: {  	_ =	shalt  }
0x41: {  	_ =	shalt  }
0x42: {  	_ =	shalt  }
0x43: {  	_ =	shalt  }
0x44: {  	_ =	shalt  }
0x45: {  	_ =	shalt  }
0x46: {  	_ =	shalt  }
0x47: {  	_ =	shalt  }
0x48: {  	_ =	shalt  }
0x49: {  	_ =	shalt  }
0x4a: {  	_ =	shalt  }
0x4b: {  	_ =	shalt  }
0x4c: {  	_ =	shalt  }
0x4d: {  	_ =	shalt  }
0x4e: {  	_ =	shalt  }
0x4f: {  	_ =	shalt  }
0x50: {  	_ =	shalt  }
0x51: {  	_ =	shalt  }
0x52: {  	_ =	shalt  }
0x53: {  	_ =	shalt  }
0x54: {  	_ =	shalt  }
0x55: {  	_ =	shalt  }
0x56: {  	_ =	shalt  }
0x57: {  	_ =	shalt  }
0x58: {  	_ =	shalt  }
0x59: {  	_ =	shalt  }
0x5a: {  	_ =	shalt  }
0x5b: {  	_ =	shalt  }
0x5c: {  	_ =	shalt  }
0x5d: {  	_ =	shalt  }
0x5e: {  	_ =	shalt  }
0x5f: {  	_ =	shalt  }
0x60: {  	_ =	shalt  }
0x61: {  	_ =	shalt  }
0x62: {  	_ =	shalt  }
0x63: {  	_ =	shalt  }
0x64: {  	_ =	shalt  }
0x65: {  	_ =	shalt  }
0x66: {  	_ =	shalt  }
0x67: {  	_ =	shalt  }
0x68: {  	_ =	shalt  }
0x69: {  	_ =	shalt  }
0x6a: {  	_ =	shalt  }
0x6b: {  	_ =	shalt  }
0x6c: {  	_ =	shalt  }
0x6d: {  	_ =	shalt  }
0x6e: {  	_ =	shalt  }
0x6f: {  	_ =	shalt  }
0x70: {  	_ =	shalt  }
0x71: {  	_ =	shalt  }
0x72: {  	_ =	shalt  }
0x73: {  	_ =	shalt  }
0x74: {  	_ =	shalt  }
0x75: {  	_ =	shalt  }
0x76: {  	_ =	shalt  }
0x77: {  	_ =	shalt  }
0x78: {  	_ =	shalt  }
0x79: {  	_ =	shalt  }
0x7a: {  	_ =	shalt  }
0x7b: {  	_ =	shalt  }
0x7c: {  	_ =	shalt  }
0x7d: {  	_ =	shalt  }
0x7e: {  	_ =	shalt  }
0x7f: {  	_ =	shalt  }
0x80: {  	_ =	shalt  }
0x81: {  	_ =	shalt  }
0x82: {  	_ =	shalt  }
0x83: {  	_ =	shalt  }
0x84: {  	_ =	shalt  }
0x85: {  	_ =	shalt  }
0x86: {  	_ =	shalt  }
0x87: {  	_ =	shalt  }
.Lfunc_end0:
.L_simem_size_0:
called_computation.1_lowered:
.L_overlay_start_0:
0x88: {  	s0 =	sld [smem:$0x3FD9]  }
0x89: {  	s1 =	sld [smem:$0x3FFE];
	_ =	sdelay $0x3  }
0x8a: {  	s0 =	sadd.s32 s1, s0  }
0x8b: {  	[smem:$0x3FC3] =	sst s0  }
0x8c: {  	_ = 	snop  }
0x8d: {  	s0 =	sld [smem:$0x3FD0];
	_ =	sdelay $0x2  }
0x8e: {  	s2 =	simm.s32 $0xB;
	s3 =	simm.s32 $0x10;
	s13 =	sld [smem:$0x3FC7]  }
0x8f: {  	[smem:s3], [sflag:s2] =	dma.local [hbm:s0], $0x1  }
0x90: {  	_ =	swait.eq [sflag:s2], $0x1  }
0x91: {  	[sflag:s2] =	ssyncset.done $0x0  }
0x92: {  	[sflag:s2] =	ssyncadd.s32 $0xFFFFFFFF  }
0x93: {  	s14 =	sld [smem:$0x12];
	(tm) =	ssettm $0x1  }
0x94: {  	s15 =	sld [smem:$0x3FFB];
	_ =	sdelay $0x3  }
0x95: {  	_ =	strace s15  }
0x96: {  	s2 =	sld [smem:$0x3FFC];
	_ =	sdelay $0x3  }
0x97: {  	_ =	strace s2  }
0x98: {  	s2 =	sld [smem:$0x3FFD];
	_ =	sdelay $0x3  }
0x99: {  	_ =	strace s2  }
0x9a: {  	_ =	strace $0x8FFFFFFF  }
0x9b: {  	s16 =	sld [smem:$0x3FDB];
	_ =	sdelay $0x1  }
0x9c: {  	s17 =	simm.s32 $_scs_section_size  }
0x9d: {  	s4 =	simm.s32 $_size__tile_overlayer_lowered;
	s5 =	simm.s32 $_tile_overlayer_lowered  }
0x9e: {  	s20 =	simm.s32 $0x1BFF;
	s19 =	sshll.u32 s5, $0x1;
	s2 =	sadd.s32 s17, s16  }
0x9f: {  	s6 =	simm.s32 $0x0;
	s18 =	sshll.u32 s4, $0x1;
	s4 =	sadd.s32 s19, s2  }
0xa0: {  	[timem:s6], [sflag:s20] =	dma.local [hbm:s4], s18  }
0xa1: {  	_ =	swait.ge [sflag:s20], s18  }
0xa2: {  	s3 =	ssub.s32 $0x0, s18;
	[sflag:s20] =	ssyncset.done $0x0  }
0xa3: {  	[sflag:s20] =	ssyncadd.s32 s3;
	_ =	sdelay $0x1  }
0xa4: {  	s21 =	simm.s32 $0x1B8B  }
0xa5: {  	_ =	swait.ge [sflag:s21], $0x1  }
0xa6: {  	[sflag:s21] =	ssyncset.done $0x0  }
0xa7: {  	s23 =	simm.s32 $0x1B8E;
	s22 =	sld [smem:$0x3FFE];
	[sflag:s21] =	ssyncadd.s32 $0xFFFFFFFF  }
0xa8: {  	s24 =	simm.s32 $execute0_lowered;
	[smem:$0x3FD2] =	sst s23  }
0xa9: {  	s4 =	sshll.u32 s24, $0x1;
	_ =	strace $0x80000052;
	[dreg:$0x1] =	wrdreg $0xFFFFFFFF  }
0xaa: {  	s25 =	simm.s32 $_size_execute0_lowered;
	s2 =	sadd.s32 s2, s4;
	[dreg:$0x0] =	wrdreg $0x0  }
0xab: {  	s4 =	sshll.u32 s25, $0x1;
	[dreg:$0x2] =	wrdreg s2  }
0xac: {  	[dreg:$0x3] =	wrdreg s4  }
0xad: {  	[dreg:$0x4] =	wrdreg $0xC0  }
0xae: {  	_ =	task [dreg:s6], $0x5FFFF  }
0xaf: {  	[dreg:$0x1] =	wrdreg $0xFFFFFFFF  }
0xb0: {  	[dreg:$0x0] =	wrdreg $0x60  }
0xb1: {  	[dreg:$0x2] =	wrdreg s13  }
0xb2: {  	[dreg:$0x3] =	wrdreg s22  }
0xb3: {  	[dreg:$0x4] =	wrdreg s14  }
0xb4: {  	[dreg:$0x5] =	wrdreg $0x9  }
0xb5: {  	_ =	task.clear_ibuf [dreg:s6], $0x6FFFF;
	_ =	strace $0x90000052  }
0xb6: {  	s26 =	simm.s32 $0x9;
	_ =	strace $0x80000054  }
0xb7: {  	_ =	swait.ge [sflag:s26], $0x1  }
0xb8: {  	[sflag:s26] =	ssyncadd.s32 $0xFFFFFFFF  }
0xb9: {  	_ =	strace $0x90000054  }
0xba: {  	_ =	sfence  }
0xbb: {  	s28 =	sld [smem:$0x0];
	_ =	sdelay $0x1  }
0xbc: {  	s29 =	srdreg.scid  }
0xbd: {  	s30 =	sshll.u32 s29, $0xD;
	s31 =	sshrl.u32 s29, $0x2  }
0xbe: {  	s1 =	sand.u32 $0x1, s29;
	s2 =	sand.u32 $0x4000, s30;
	s0 =	sadd.s32 s31, s28  }
0xbf: {  	s1 =	sor.u32 s2, s1;
	s0 =	sshll.u32 s0, $0x11  }
0xc0: {  	s0 =	sor.u32 s0, s1  }
0xc1: {  	s0 =	sadd.s32 $0x8F2B, s0  }
0xc2: {  	[sflag:s0] =	ssyncadd.remote.s32 $0x1  }
0xc3: {  	_ =	sfence.sel $0xFFFF  }
0xc4: {  	[dreg:$0x0] =	wrdreg $0xFFFFFFFF;
	(pc) =	sbr.abs _section_cstart, $3  }
0xc5: {  	[dreg:$0x1] =	wrdreg $0xFFFFFFFF  }
0xc6: {  	_ =	task.clear_ibuf [dreg:s6], $0x2FFFF;
	_ =	strace $0x9FFFFFFF  }
0xc7: {  	(tm) =	ssettm $0x7FFFFFFF  }
tec
execute0_lowered:
.L_overlay_start_1:
0x0: {  	(tag) =	ssettag $0x1  }
0x1: {  	s2 =	rddreg [dreg:$0x0]  }
0x2: {  	s5 =	rddreg [dreg:$0x1]  }
0x3: {  	s3 =	rddreg [dreg:$0x2]  }
0x4: {  	s0 =	rddreg [dreg:$0x3];
	s1 =	stileid.u32  }
0x5: {  	_ =	strace $0x80000053;
	s6 =	simm.s32 $0x1;
	s8 =	simm.s32 $0x2  }
0x6: {  	s30 =	simm.s32 $0x3;
	s12 =	simm.s32 $0x0;
	s4 =	sshll.u32 s1, $0x4  }
0x7: {  	s9 =	simm.s32 $0x0;
	s10 =	simm.s32 $0x0;
	s7 =	ssub.s32 $0x1380, s4  }
0x8: {  	s5 =	sadd.s32 $0x27200, s5;
	[sflag:s6] =	ssyncpa.u1 $0x0;
	s6 =	sshrl.u32 s7, $0x8  }
0x9: {  	[sflag:s8] =	ssyncpa.u1 $0x0;
	s11 =	smov.u32 s4;
	s31 =	sshll.u32 s6, $0x4  }
0xa: {  	[sflag:s30] =	ssyncpa.u1 $0x0;
	s7 =	sadd.s32 $0x2, s6;
	s8 =	sadd.s32 $0x30, s31  }
.LBB2_1:
0xb: {  	p0 =	sgt.u32 s10, s6  }
0xc: {  	s13 =	sxor.u32 @!p0 $0xFFFFFFFF, s9;
	s14 =	sshrl.u32 @!p0 s11, $0x3  }
0xd: {  	s15 =	sand.u32 @!p0 $0x7, s11;
	s13 =	sand.u32 @!p0 $0x10, s13;
	s14 =	sadd.s32 @!p0 s5, s14  }
0xe: {  	[tilespmem:s13], [sflag:$0x2] =	stream.linear.gather @!p0 [hbm4b:s14+s15], $0x10, $0x38;
	[tilespmem:$0x40] =	vst v63  }
0xf: {  	p0 =	seq.s32 s9, $0x0  }
0x10: {  	p1 =	sge.u32 @!p0 s10, s7  }
0x11: {  	p0 =	por p1, p0  }
0x12: {  	s13 =	simm.s32 @!p0 $0x2  }
0x13: {  	_ =	swait.ge @!p0 [sflag:s13], $0x10  }
0x14: {  	[sflag:s13] =	ssyncset.done @!p0 $0x0  }
0x15: {  	[sflag:s13] =	ssyncadd.s32 @!p0 $0xFFFFFFF0;
	s13 =	sand.u32 @!p0 $0x10, s9  }
0x16: {  	(ifvalue) =	ssetifvalue @!p0 $0x7FFFFFFF;
	v0 =	vld.msk @!p0 [tilespmem:s13+$0x0 ss:$0x1], $0xffff;
	_ =	sdelay $0x4  }
0x17: {  	vm0 =	vgt.s32 @!p0 v0, $0x0  }
0x18: {  	v0 =	vnsel @!p0 vm0, $0x0, v0  }
0x19: {  	v0 =	vmin.u32 @!p0 v0, $0x270F;
	_ =	sdelay $0x3  }
0x1a: {  	s14 =	simm.s32 @!p0 $0x0;
	s13 =	sor.u32 @!p0 $0x20, s13;
	(ifvalue) =	ssetifvalue @!p0 $0x7FFFFFFF;
	vm0 =	vmmov @!p0 $0xffff  }
0x1b: {  	[tilespmem:s13], [sflag:$0x1] =	stream.indirect_vreg.gather @!p0 [hbm4b:s2+s14], $0x1, v0, vm0, $0x4038;
	[tilespmem:$0x40] =	vst v63  }
0x1c: {  	s14 =	simm.s32 @!p0 $0x1  }
0x1d: {  	_ =	swait.ge @!p0 [sflag:s14], $0x10  }
0x1e: {  	s15 =	sshrl.u32 @!p0 s12, $0x3;
	[sflag:s14] =	ssyncset.done @!p0 $0x0  }
0x1f: {  	s12 =	sand.u32 @!p0 $0x7, s12;
	[sflag:s14] =	ssyncadd.s32 @!p0 $0xFFFFFFF0;
	s14 =	sadd.s32 @!p0 s3, s15  }
0x20: {  	[hbm4b:s14+s12] =	stream.linear.scatter @!p0 [tilespmem:s13], [sflag:$0x3], $0x10, $0x38;
	[tilespmem:$0x40] =	vst v63  }
0x21: {  	s14 =	sadd.s32 $0x100, s11  }
0x22: {  	s9 =	sadd.s32 $0x10, s9;
	p1 =	sgt.s32 s14, $0x1387  }
0x23: {  	s14 =	smov.u32 @p1 s4;
	p1 =	sne.s32 s8, s9  }
.Ltmp0:
0x24: {  	p0 =	slt.u32 s10, $0x2;
	(pc) =	sbr.rel @p1 .LBB2_1-.Ltmp0, $4  }
0x25: {  	s13 =	simm.s32 @!p0 $0x3  }
0x26: {  	_ =	swait.ge @!p0 [sflag:s13], $0x10  }
0x27: {  	s12 =	smov.u32 s11;
	[sflag:s13] =	ssyncset.done @!p0 $0x0  }
0x28: {  	s10 =	sadd.s32 $0x1, s10;
	s11 =	smov.u32 s14;
	[sflag:s13] =	ssyncadd.s32 @!p0 $0xFFFFFFF0  }
0x29: {  	_ =	sfence.sel $0x180000  }
0x2a: {  	s2 =	simm.s32 $0x2;
	[bflag:$0x0] =	sbarrier.arrive $0xFFFF  }
0x2b: {  	s30 =	simm.s32 $0x3;
	[sflag:s2] =	ssyncpa.u1 $0x1  }
0x2c: {  	s31 =	simm.s32 $0x1;
	[sflag:s30] =	ssyncpa.u1 $0x1  }
0x2d: {  	[sflag:s31] =	ssyncpa.u1 $0x1  }
0x2e: {  	p0 =	sne.s32 s1, $0x0;
	_ =	strace $0x90000053  }
0x2f: {  	s0 =	sadd.s32 @!p0 $0x100000, s0;
	[bflag:$0x2] =	sbarrier.arrive $0xFFFF  }
0x30: {  	[sflag:s0] =	ssyncadd.tile.s32 @!p0 $0x1;
	_ =	shalt  }
.Lfunc_end2:
_tile_overlayer_lowered:
.L_overlay_start_2:
0x31: {  	(tag) =	ssettag $0x2  }
0x32: {  	s0 =	rddreg [dreg:$0x0];
	s2 =	stileid.u32  }
0x33: {  	s1 =	rddreg [dreg:$0x1];
	p0 =	sne.s32 s2, $0x0  }
0x34: {  	s3 =	rddreg [dreg:$0x2];
	[bflag:$0x3] =	sbarrier.arrive $0xFFFF;
	s2 =	simm.s32 @!p0 $0x1C01  }
0x35: {  	[timem:s3], [sflag:s2] =	dma.local @!p0 [hbm:s0], s1  }
0x36: {  	s0 =	simm.s32 @!p0 $0x1  }
0x37: {  	_ =	swait.ge @!p0 [sflag:s0], s1  }
0x38: {  	s1 =	ssub.s32 @!p0 $0x0, s1;
	[sflag:s0] =	ssyncset.done @!p0 $0x0  }
0x39: {  	[sflag:s0] =	ssyncadd.s32 @!p0 s1  }
0x3a: {  	[bflag:$0x3] =	sbarrier.arrive $0xFFFF  }
0x3b: {  	_ =	shalt  }

// kernel: gather_offload_async_start.2
scs
__scs_entry_jumppad:
0x0: {  	(pc) =	sbr.rel $0x88, $3  }
0x1: {  	(tag) =	ssettag $0x0;
	lr =	simm.s32 $0x1  }
0x2: {  	[smem:$0x3F9C] =	sst lr;
	_ =	strace $0xD0000000  }
0x3: {  	_ = 	snop  }
0x4: {  	_ = 	snop  }
0x5: {  	_ = 	snop  }
0x6: {  	_ = 	snop  }
0x7: {  	_ = 	snop  }
__scs_overlays_trampoline_lowered:
0x8: {  	[smem:$0x3FAB] =	sst s0  }
0x9: {  	[smem:$0x3FAC] =	sst s1  }
0xa: {  	[smem:$0x3FAD] =	sst s2  }
0xb: {  	[smem:$0x3FAE] =	sst s3  }
0xc: {  	[smem:$0x3FAF] =	sst s4  }
0xd: {  	[smem:$0x3FB0] =	sst s5  }
0xe: {  	[smem:$0x3FB1] =	sst s6  }
0xf: {  	[smem:$0x3FB2] =	sst s7  }
0x10: {  	[smem:$0x3FB3] =	sst s8  }
0x11: {  	[smem:$0x3FB4] =	sst s9;
	s0 =	simm.s32 @!p0 $0x0  }
0x12: {  	s1 =	sld [smem:$0x3F9A];
	s0 =	simm.s32 @p0 $0x1  }
0x13: {  	[smem:$0x3FB5] =	sst s0;
	s0 =	simm.s32 @!p1 $0x0  }
0x14: {  	s2 =	sld [smem:$0x3F99];
	s0 =	simm.s32 @p1 $0x1  }
0x15: {  	[smem:$0x3FB6] =	sst s0;
	s0 =	simm.s32 @!p2 $0x0  }
0x16: {  	s3 =	sld [smem:$0x3FDB];
	s0 =	simm.s32 @p2 $0x1  }
0x17: {  	s4 =	simm.s32 $0x1BF5;
	[smem:$0x3FB8] =	sst s0  }
0x18: {  	s0 =	sld [smem:$0x3F9B];
	_ =	swait.ge [sflag:s4], $0x0  }
0x19: {  	s7 =	sld [smem:$0x3F9C]  }
0x1a: {  	s8 =	sadd.s32 $0xFFFFE003, lr  }
0x1b: {  	s9 =	sadd.s32 $0xFFFFFEF7, lr;
	s5 =	simm.s32 $0xFFFFFFFF;
	p2 =	slt.u32 s8, $0xFFFFF086  }
0x1c: {  	p1 =	slt.u32 s9, $0xF7A;
	s5 =	simm.s32 @!p2 $0x0  }
0x1d: {  	s5 =	simm.s32 @p1 $0x1;
	p0 =	seq.s32 s7, s2  }
0x1e: {  	s7 =	smul.u32 @!p0 $0xF7A, s2;
	p2 =	seq.s32 @!p0 s5, $0x0  }
0x1f: {  	s9 =	smul.u32 $0xF7A, s1;
	s8 =	simm.s32 @!p0 $0x1BF5;
	p2 =	por !p2, p0  }
0x20: {  	[sflag:s8] =	ssyncset.s32 @!p0 $0xFFFFF086;
	s6 =	sadd.s32 @!p0 s3, s7;
	s7 =	simm.s32 @!p0 $0x108  }
0x21: {  	s3 =	sadd.s32 s3, s9;
	s6 =	sadd.s32 @!p0 $0x88, s6;
	s7 =	simm.s32 @p2 $0x1082  }
0x22: {  	[simem:s7], [sflag:s8] =	dma.local @!p0 [hbm:s6], $0xF7A  }
0x23: {  	s9 =	sor.u32 $0xD0000000, s2;
	s6 =	simm.s32 $0x108;
	_ =	swait.ge @!p0 [sflag:s8], $0x0  }
0x24: {  	s3 =	sadd.s32 $0x88, s3;
	s6 =	simm.s32 @!p1 $0x1082;
	[sflag:s4] =	ssyncset.s32 $0xFFFFF086  }
0x25: {  	[simem:s6], [sflag:s4] =	dma.local [hbm:s3], $0xF7A  }
0x26: {  	[smem:$0x3F9C] =	sst s1;
	(tag) =	ssettag s2;
	_ =	strace s9  }
0x27: {  	s1 =	sld [smem:$0x3FAC]  }
0x28: {  	s2 =	sld [smem:$0x3FAD]  }
0x29: {  	s4 =	sld [smem:$0x3FAF]  }
0x2a: {  	p0 =	seq.s32 s5, $0x0;
	s5 =	sld [smem:$0x3FB0]  }
0x2b: {  	s6 =	sld [smem:$0x3FB1]  }
0x2c: {  	s7 =	sld [smem:$0x3FB2]  }
0x2d: {  	s3 =	simm.s32 $0x108;
	s8 =	sld [smem:$0x3FB3]  }
0x2e: {  	s3 =	simm.s32 @!p0 $0x1082;
	s9 =	sld [smem:$0x3FB4]  }
0x2f: {  	lr =	sadd.s32 s0, s3;
	s0 =	sld [smem:$0x3FAB]  }
0x30: {  	s3 =	sld [smem:$0x3FAE]  }
0x31: {  	[smem:$0x3FB7] =	sst s10  }
0x32: {  	s10 =	sld [smem:$0x3FB5];
	_ =	sdelay $0x3  }
0x33: {  	p0 =	seq.s32 s10, $0x1;
	s10 =	sld [smem:$0x3FB7];
	_ =	sdelay $0x3  }
0x34: {  	[smem:$0x3FB7] =	sst s10  }
0x35: {  	s10 =	sld [smem:$0x3FB6];
	_ =	sdelay $0x3  }
0x36: {  	p1 =	seq.s32 s10, $0x1;
	s10 =	sld [smem:$0x3FB7];
	_ =	sdelay $0x3  }
0x37: {  	[smem:$0x3FB7] =	sst s10  }
0x38: {  	s10 =	sld [smem:$0x3FB8]  }
0x39: {  	_ = 	snop;
	(pc) =	sbr.ind lr, $3  }
0x3a: {  	_ = 	snop  }
0x3b: {  	_ = 	snop  }
0x3c: {  	p2 =	seq.s32 s10, $0x1;
	s10 =	sld [smem:$0x3FB7]  }
0x3d: {  	_ =	shalt  }
0x3e: {  	_ =	shalt  }
0x3f: {  	_ =	shalt  }
0x40: {  	_ =	shalt  }
0x41: {  	_ =	shalt  }
0x42: {  	_ =	shalt  }
0x43: {  	_ =	shalt  }
0x44: {  	_ =	shalt  }
0x45: {  	_ =	shalt  }
0x46: {  	_ =	shalt  }
0x47: {  	_ =	shalt  }
0x48: {  	_ =	shalt  }
0x49: {  	_ =	shalt  }
0x4a: {  	_ =	shalt  }
0x4b: {  	_ =	shalt  }
0x4c: {  	_ =	shalt  }
0x4d: {  	_ =	shalt  }
0x4e: {  	_ =	shalt  }
0x4f: {  	_ =	shalt  }
0x50: {  	_ =	shalt  }
0x51: {  	_ =	shalt  }
0x52: {  	_ =	shalt  }
0x53: {  	_ =	shalt  }
0x54: {  	_ =	shalt  }
0x55: {  	_ =	shalt  }
0x56: {  	_ =	shalt  }
0x57: {  	_ =	shalt  }
0x58: {  	_ =	shalt  }
0x59: {  	_ =	shalt  }
0x5a: {  	_ =	shalt  }
0x5b: {  	_ =	shalt  }
0x5c: {  	_ =	shalt  }
0x5d: {  	_ =	shalt  }
0x5e: {  	_ =	shalt  }
0x5f: {  	_ =	shalt  }
0x60: {  	_ =	shalt  }
0x61: {  	_ =	shalt  }
0x62: {  	_ =	shalt  }
0x63: {  	_ =	shalt  }
0x64: {  	_ =	shalt  }
0x65: {  	_ =	shalt  }
0x66: {  	_ =	shalt  }
0x67: {  	_ =	shalt  }
0x68: {  	_ =	shalt  }
0x69: {  	_ =	shalt  }
0x6a: {  	_ =	shalt  }
0x6b: {  	_ =	shalt  }
0x6c: {  	_ =	shalt  }
0x6d: {  	_ =	shalt  }
0x6e: {  	_ =	shalt  }
0x6f: {  	_ =	shalt  }
0x70: {  	_ =	shalt  }
0x71: {  	_ =	shalt  }
0x72: {  	_ =	shalt  }
0x73: {  	_ =	shalt  }
0x74: {  	_ =	shalt  }
0x75: {  	_ =	shalt  }
0x76: {  	_ =	shalt  }
0x77: {  	_ =	shalt  }
0x78: {  	_ =	shalt  }
0x79: {  	_ =	shalt  }
0x7a: {  	_ =	shalt  }
0x7b: {  	_ =	shalt  }
0x7c: {  	_ =	shalt  }
0x7d: {  	_ =	shalt  }
0x7e: {  	_ =	shalt  }
0x7f: {  	_ =	shalt  }
0x80: {  	_ =	shalt  }
0x81: {  	_ =	shalt  }
0x82: {  	_ =	shalt  }
0x83: {  	_ =	shalt  }
0x84: {  	_ =	shalt  }
0x85: {  	_ =	shalt  }
0x86: {  	_ =	shalt  }
0x87: {  	_ =	shalt  }
.Lfunc_end0:
.L_simem_size_0:
called_computation.2_lowered:
.L_overlay_start_0:
0x88: {  	s0 =	sld [smem:$0x3FD9]  }
0x89: {  	s1 =	sld [smem:$0x3FFE];
	_ =	sdelay $0x3  }
0x8a: {  	s0 =	sadd.s32 s1, s0  }
0x8b: {  	[smem:$0x3FC3] =	sst s0  }
0x8c: {  	_ = 	snop  }
0x8d: {  	s0 =	sld [smem:$0x3FD0];
	_ =	sdelay $0x2  }
0x8e: {  	s13 =	simm.s32 $0xB;
	s2 =	simm.s32 $0x10  }
0x8f: {  	[smem:s2], [sflag:s13] =	dma.local [hbm:s0], $0x1  }
0x90: {  	_ =	swait.eq [sflag:s13], $0x1  }
0x91: {  	[sflag:s13] =	ssyncset.done $0x0  }
0x92: {  	[sflag:s13] =	ssyncadd.s32 $0xFFFFFFFF  }
0x93: {  	s14 =	sld [smem:$0x11];
	(tm) =	ssettm $0x1  }
0x94: {  	s15 =	sld [smem:$0x3FFB];
	_ =	sdelay $0x3  }
0x95: {  	_ =	strace s15  }
0x96: {  	s1 =	sld [smem:$0x3FFC];
	_ =	sdelay $0x3  }
0x97: {  	_ =	strace s1  }
0x98: {  	s1 =	sld [smem:$0x3FFD];
	_ =	sdelay $0x3  }
0x99: {  	_ =	strace s1  }
0x9a: {  	_ =	strace $0x8FFFFFFF  }
0x9b: {  	s16 =	sld [smem:$0x3FDB];
	_ =	sdelay $0x1  }
0x9c: {  	s17 =	simm.s32 $_scs_section_size  }
0x9d: {  	s3 =	simm.s32 $_size__tile_overlayer_lowered;
	s4 =	simm.s32 $_tile_overlayer_lowered  }
0x9e: {  	s20 =	simm.s32 $0x1BFF;
	s19 =	sshll.u32 s4, $0x1;
	s1 =	sadd.s32 s17, s16  }
0x9f: {  	s5 =	simm.s32 $0x0;
	s18 =	sshll.u32 s3, $0x1;
	s3 =	sadd.s32 s19, s1  }
0xa0: {  	[timem:s5], [sflag:s20] =	dma.local [hbm:s3], s18  }
0xa1: {  	_ =	swait.ge [sflag:s20], s18  }
0xa2: {  	s2 =	ssub.s32 $0x0, s18;
	[sflag:s20] =	ssyncset.done $0x0  }
0xa3: {  	[sflag:s20] =	ssyncadd.s32 s2;
	_ =	sdelay $0x1  }
0xa4: {  	s21 =	simm.s32 $0x1B8B  }
0xa5: {  	_ =	swait.ge [sflag:s21], $0x1  }
0xa6: {  	[sflag:s21] =	ssyncset.done $0x0  }
0xa7: {  	s23 =	simm.s32 $0x1B8E;
	s22 =	sld [smem:$0x3FFE];
	[sflag:s21] =	ssyncadd.s32 $0xFFFFFFFF  }
0xa8: {  	s24 =	simm.s32 $execute0_lowered;
	[smem:$0x3FD2] =	sst s23  }
0xa9: {  	s3 =	sshll.u32 s24, $0x1;
	_ =	strace $0x80000049;
	[dreg:$0x1] =	wrdreg $0xFFFFFFFF  }
0xaa: {  	s25 =	simm.s32 $_size_execute0_lowered;
	s1 =	sadd.s32 s1, s3;
	[dreg:$0x0] =	wrdreg $0x0  }
0xab: {  	s3 =	sshll.u32 s25, $0x1;
	[dreg:$0x2] =	wrdreg s1  }
0xac: {  	[dreg:$0x3] =	wrdreg s3  }
0xad: {  	[dreg:$0x4] =	wrdreg $0xC0  }
0xae: {  	_ =	task [dreg:s5], $0x5FFFF  }
0xaf: {  	[dreg:$0x1] =	wrdreg $0xFFFFFFFF  }
0xb0: {  	[dreg:$0x0] =	wrdreg $0x60  }
0xb1: {  	[dreg:$0x2] =	wrdreg s22  }
0xb2: {  	[dreg:$0x3] =	wrdreg s14  }
0xb3: {  	[dreg:$0x4] =	wrdreg $0xA  }
0xb4: {  	_ =	task.clear_ibuf [dreg:s5], $0x5FFFF;
	_ =	strace $0x90000049  }
0xb5: {  	s26 =	simm.s32 $0xA;
	_ =	strace $0x8000004B  }
0xb6: {  	_ =	swait.ge [sflag:s26], $0x1  }
0xb7: {  	[sflag:s26] =	ssyncadd.s32 $0xFFFFFFFF  }
0xb8: {  	_ =	strace $0x9000004B  }
0xb9: {  	_ =	sfence  }
0xba: {  	s28 =	sld [smem:$0x0];
	_ =	sdelay $0x1  }
0xbb: {  	s29 =	srdreg.scid  }
0xbc: {  	s30 =	sshll.u32 s29, $0xD;
	s31 =	sshrl.u32 s29, $0x2  }
0xbd: {  	s2 =	sand.u32 $0x4000, s30;
	s1 =	sand.u32 $0x1, s29;
	s0 =	sadd.s32 s31, s28  }
0xbe: {  	s1 =	sor.u32 s2, s1;
	s0 =	sshll.u32 s0, $0x11  }
0xbf: {  	s0 =	sor.u32 s0, s1  }
0xc0: {  	s0 =	sadd.s32 $0x8F2B, s0  }
0xc1: {  	[sflag:s0] =	ssyncadd.remote.s32 $0x1  }
0xc2: {  	_ =	sfence.sel $0xFFFF  }
0xc3: {  	[dreg:$0x0] =	wrdreg $0xFFFFFFFF;
	(pc) =	sbr.abs _section_cstart, $3  }
0xc4: {  	[dreg:$0x1] =	wrdreg $0xFFFFFFFF  }
0xc5: {  	_ =	task.clear_ibuf [dreg:s5], $0x2FFFF;
	_ =	strace $0x9FFFFFFF  }
0xc6: {  	(tm) =	ssettm $0x7FFFFFFF  }
0xc7: {  	_ =	shalt  }
tec
execute0_lowered:
.L_overlay_start_1:
0x0: {  	(tag) =	ssettag $0x1  }
0x1: {  	s0 =	stileid.u32  }
0x2: {  	s1 =	smin.u32 s0, $0x9  }
0x3: {  	s1 =	sadd.s32 s0, s1  }
0x4: {  	s2 =	simm.s32 $0x320;
	p0 =	slt.u32 s0, $0x9;
	s1 =	smul.u32 $0x190, s1  }
0x5: {  	s2 =	simm.s32 @!p0 $0x190  }
0x6: {  	s2 =	sadd.s32 s2, s1  }
0x7: {  	s3 =	smin.u32 s2, $0x2710  }
0x8: {  	s7 =	ssub.s32 s3, s1  }
0x9: {  	p0 =	sgt.s32 s7, $0x0  }
0xa: {  	s7 =	simm.s32 @!p0 $0x0  }
0xb: {  	s31 =	sand.u32 $0xFFF0, s7  }
0xc: {  	s2 =	sshrl.u32 s31, $0x4  }
0xd: {  	s4 =	rddreg [dreg:$0x0];
	s2 =	smul.u32 $0xA3E, s2  }
0xe: {  	s5 =	rddreg [dreg:$0x1]  }
0xf: {  	s6 =	simm.s32 $0x1;
	s10 =	simm.s32 $0x3;
	s8 =	sshrl.u32 s2, $0x10  }
0x10: {  	s13 =	simm.s32 $0x0;
	s12 =	simm.s32 $0x0;
	s9 =	smul.u32 $0x190, s8  }
.Ltmp0:
0x11: {  	s11 =	smov.u32 s1;
	s2 =	rddreg [dreg:$0x2];
	(pc) =	sbr.rel .LBB2_1-.Ltmp0, $4  }
0x12: {  	_ =	strace $0x8000004A;
	p0 =	sne.s32 s7, s9;
	s9 =	simm.s32 $0x1  }
0x13: {  	[sflag:s6] =	ssyncpa.u1 $0x0;
	s7 =	simm.s32 $0x2;
	s9 =	simm.s32 @!p0 $0x0  }
0x14: {  	[sflag:s7] =	ssyncpa.u1 $0x0;
	p0 =	por $0x0, $0x0;
	s8 =	sadd.s32 s8, s9  }
0x15: {  	vm0 =	vmmov $0xff;
	vm1 =	vcmask $0x3F20;
	s9 =	sadd.s32 $0x27C00, s4;
	[sflag:s10] =	ssyncpa.u1 $0x0;
	s10 =	sadd.s32 $0x1, s8  }
.LBB2_6:
0x16: {  	[hbm:s17] =	stream.linear.scatter [tilespmem:s14], [sflag:$0x3], $0x400, $0x38;
	[tilespmem:$0x19320] =	vst v63  }
.LBB2_7:
0x17: {  	s13 =	sadd.s32 $0x190, s11  }
0x18: {  	s15 =	smov.u32 s1;
	p2 =	slt.s32 s13, s3  }
0x19: {  	s15 =	smov.u32 @p2 s13;
	p2 =	sne.s32 s12, s10  }
.Ltmp1:
0x1a: {  	p1 =	slt.u32 s12, $0x2;
	(pc) =	sbr.rel @!p2 .LBB2_8-.Ltmp1, $4  }
0x1b: {  	s14 =	simm.s32 @!p1 $0x3  }
0x1c: {  	s16 =	sadd.s32 $0x1, s12;
	_ =	swait.ge @!p1 [sflag:s14], $0xC800  }
0x1d: {  	p0 =	por !p0, !p0;
	s13 =	smov.u32 s11;
	[sflag:s14] =	ssyncset.done @!p1 $0x0  }
0x1e: {  	s12 =	smov.u32 s16;
	s11 =	smov.u32 s15;
	[sflag:s14] =	ssyncadd.s32 @!p1 $0xFFFF3800  }
.LBB2_1:
0x1f: {  	p1 =	sge.u32 s12, s8  }
0x20: {  	s14 =	sxor.u32 @!p1 $0xFFFFFFFF, s12  }
0x21: {  	s14 =	sand.u32 @!p1 $0x1, s14  }
0x22: {  	s14 =	smul.u32 @!p1 $0x640, s14  }
0x23: {  	s31 =	sadd.s32 $0xFFFFFFFF, s12;
	s15 =	sshrl.u32 @!p1 s11, $0x3  }
0x24: {  	s16 =	sand.u32 @!p1 $0x7, s11;
	s15 =	sadd.s32 @!p1 s5, s15;
	s14 =	sshrl.u32 @!p1 s14, $0x2  }
0x25: {  	[tilespmem:s14], [sflag:$0x2] =	stream.linear.gather @!p1 [hbm4b:s15+s16], $0x190, $0x38;
	[tilespmem:$0x19320] =	vst v63  }
0x26: {  	p1 =	sge.u32 s31, s8  }
.Ltmp2:
0x27: {  	_ = 	snop;
	(pc) =	sbr.rel @p1 .LBB2_7-.Ltmp2, $1  }
0x28: {  	_ =	sdelay $0x3  }
0x29: {  	s14 =	simm.s32 $0x1  }
0x2a: {  	s14 =	simm.s32 @!p0 $0x0  }
0x2b: {  	s15 =	smul.u32 $0x640, s14  }
0x2c: {  	_ =	swait.ge [sflag:s7], $0x190  }
0x2d: {  	[sflag:s7] =	ssyncset.done $0x0;
	s16 =	sshrl.u32 s15, $0x2  }
0x2e: {  	[sflag:s7] =	ssyncadd.s32 $0xFFFFFE70;
	s15 =	sadd.s32 $0x0, s16  }
0x2f: {  	v0 =	vld.msk [tilespmem:s15+$0x0 ss:$0x1], $0xffff;
	_ =	sdelay $0x4  }
0x30: {  	vm2 =	vgt.s32 v0, $0x0  }
0x31: {  	v0 =	vnsel vm2, $0x0, v0  }
0x32: {  	v0 =	vmin.u32 v0, $0x270F  }
0x33: {  	v0 =	vshll.u32 v0, $0x4  }
0x34: {  	s14 =	smul.u32 $0x32000, s14;
	_ =	sdelay $0x1  }
0x35: {  	s14 =	sshrl.u32 s14, $0x2  }
0x36: {  	s14 =	sor.u32 $0x320, s14  }
0x37: {  	[tilespmem:s14], [sflag:$0x1] =	stream.indirect_vreg.gather [hbm:s4], $0x80, v0, vm0, $0x38;
	[tilespmem:$0x19320] =	vst v63  }
0x38: {  	s17 =	sadd.s32 $0x10, s16;
	s15 =	sadd.s32 $0x400, s14  }
0x39: {  	[tilespmem:s15], [sflag:$0x1] =	stream.indirect_vreg.gather [hbm:s4], $0x80, v0, vm1, $0x38;
	[tilespmem:$0x19320] =	vst v63  }
0x3a: {  	s18 =	simm.s32 $0x80;
	v0 =	vld.msk [tilespmem:s17+$0x0 ss:$0x1], $0xffff;
	s17 =	smov.u32 s14  }
.LBB2_3:
0x3b: {  	p1 =	sne.s32 s18, $0x600;
	_ =	sdelay $0x4  }
0x3c: {  	vm2 =	vgt.s32 v0, $0x0  }
0x3d: {  	v0 =	vnsel vm2, $0x0, v0  }
0x3e: {  	v0 =	vmin.u32 v0, $0x270F  }
0x3f: {  	v0 =	vshll.u32 v0, $0x4;
	_ =	sdelay $0x3  }
.Ltmp3:
0x40: {  	s19 =	sshra.s32 s18, $0x2;
	s17 =	sadd.s32 $0x800, s17;
	(pc) =	sbr.rel @p1 .LBB2_3-.Ltmp3, $4  }
0x41: {  	[tilespmem:s17], [sflag:$0x1] =	stream.indirect_vreg.gather [hbm:s4], $0x80, v0, vm0, $0x38;
	[tilespmem:$0x19320] =	vst v63  }
0x42: {  	s19 =	sadd.s32 s19, s16;
	s20 =	sadd.s32 $0x400, s17  }
0x43: {  	[tilespmem:s20], [sflag:$0x1] =	stream.indirect_vreg.gather [hbm:s4], $0x80, v0, vm1, $0x38;
	[tilespmem:$0x19320] =	vst v63  }
0x44: {  	s18 =	sadd.s32 $0x40, s18;
	v0 =	vld.msk [tilespmem:s19+$0x0 ss:$0x1], $0xffff  }
0x45: {  	_ =	sdelay $0x3  }
0x46: {  	vm2 =	vgt.s32 v0, $0x0  }
0x47: {  	v0 =	vnsel vm2, $0x0, v0  }
0x48: {  	v0 =	vmin.u32 v0, $0x270F  }
0x49: {  	v0 =	vshll.u32 v0, $0x4;
	_ =	sdelay $0x3  }
0x4a: {  	s16 =	sadd.s32 $0x800, s17  }
0x4b: {  	[tilespmem:s16], [sflag:$0x1] =	stream.indirect_vreg.gather [hbm:s4], $0x80, v0, vm0, $0x38;
	[tilespmem:$0x19320] =	vst v63  }
0x4c: {  	s16 =	sadd.s32 $0x400, s16  }
0x4d: {  	[tilespmem:s16], [sflag:$0x1] =	stream.indirect_vreg.gather [hbm:s4], $0x80, v0, vm1, $0x38;
	[tilespmem:$0x19320] =	vst v63  }
0x4e: {  	s13 =	sshll.u32 s13, $0x4;
	_ =	swait.ge [sflag:s6], $0xC800  }
0x4f: {  	s13 =	sadd.s32 s13, s9;
	[sflag:s6] =	ssyncset.done $0x0  }
0x50: {  	s17 =	sadd.s32 $0x0, s13;
	s16 =	simm.s32 $0x80;
	[sflag:s6] =	ssyncadd.s32 $0xFFFF3800  }
.LBB2_5:
0x51: {  	[hbm:s17] =	stream.linear.scatter [tilespmem:s14], [sflag:$0x3], $0x400, $0x38;
	[tilespmem:$0x19320] =	vst v63  }
0x52: {  	s17 =	smov.u32 s16;
	s14 =	smov.u32 s15;
	p1 =	sne.s32 s16, $0x1880  }
.Ltmp4:
0x53: {  	s16 =	sadd.s32 $0x80, s16;
	(pc) =	sbr.rel @p1 .LBB2_5-.Ltmp4, $2  }
0x54: {  	_ =	sdelay $0x2  }
0x55: {  	s15 =	sadd.s32 $0x400, s15;
	s17 =	sadd.s32 s17, s13  }
.Ltmp5:
0x56: {  	_ = 	snop;
	(pc) =	sbr.rel .LBB2_6-.Ltmp5, $1  }
0x57: {  	_ =	sdelay $0x3  }
.LBB2_8:
0x58: {  	_ =	sfence.sel $0x180000  }
0x59: {  	s1 =	simm.s32 $0x2;
	[bflag:$0x0] =	sbarrier.arrive $0xFFFF  }
0x5a: {  	s30 =	simm.s32 $0x3;
	[sflag:s1] =	ssyncpa.u1 $0x1  }
0x5b: {  	s31 =	simm.s32 $0x1;
	[sflag:s30] =	ssyncpa.u1 $0x1  }
0x5c: {  	[sflag:s31] =	ssyncpa.u1 $0x1  }
0x5d: {  	p0 =	sne.s32 s0, $0x0;
	_ =	strace $0x9000004A  }
0x5e: {  	s0 =	sadd.s32 @!p0 $0x100000, s2;
	[bflag:$0x2] =	sbarrier.arrive $0xFFFF  }
0x5f: {  	[sflag:s0] =	ssyncadd.tile.s32 @!p0 $0x1;
	_ =	shalt  }
.Lfunc_end2:
_tile_overlayer_lowered:
.L_overlay_start_2:
0x60: {  	(tag) =	ssettag $0x2  }
0x61: {  	s0 =	rddreg [dreg:$0x0];
	s2 =	stileid.u32  }
0x62: {  	s1 =	rddreg [dreg:$0x1];
	p0 =	sne.s32 s2, $0x0  }
0x63: {  	s3 =	rddreg [dreg:$0x2];
	[bflag:$0x3] =	sbarrier.arrive $0xFFFF;
	s2 =	simm.s32 @!p0 $0x1C01  }
0x64: {  	[timem:s3], [sflag:s2] =	dma.local @!p0 [hbm:s0], s1  }
0x65: {  	s0 =	simm.s32 @!p0 $0x1  }
0x66: {  	_ =	swait.ge @!p0 [sflag:s0], s1  }
0x67: {  	s1 =	ssub.s32 @!p0 $0x0, s1;
	[sflag:s0] =	ssyncset.done @!p0 $0x0  }
0x68: {  	[sflag:s0] =	ssyncadd.s32 @!p0 s1  }
0x69: {  	[bflag:$0x3] =	sbarrier.arrive $0xFFFF  }
0x6a: {  	_ =	shalt  }

// kernel: gather_offload_async_start
scs
__scs_entry_jumppad:
0x0: {  	(pc) =	sbr.rel $0x88, $3  }
0x1: {  	(tag) =	ssettag $0x0;
	lr =	simm.s32 $0x1  }
0x2: {  	[smem:$0x3F9C] =	sst lr;
	_ =	strace $0xD0000000  }
0x3: {  	_ = 	snop  }
0x4: {  	_ = 	snop  }
0x5: {  	_ = 	snop  }
0x6: {  	_ = 	snop  }
0x7: {  	_ = 	snop  }
__scs_overlays_trampoline_lowered:
0x8: {  	[smem:$0x3FAB] =	sst s0  }
0x9: {  	[smem:$0x3FAC] =	sst s1  }
0xa: {  	[smem:$0x3FAD] =	sst s2  }
0xb: {  	[smem:$0x3FAE] =	sst s3  }
0xc: {  	[smem:$0x3FAF] =	sst s4  }
0xd: {  	[smem:$0x3FB0] =	sst s5  }
0xe: {  	[smem:$0x3FB1] =	sst s6  }
0xf: {  	[smem:$0x3FB2] =	sst s7  }
0x10: {  	[smem:$0x3FB3] =	sst s8  }
0x11: {  	[smem:$0x3FB4] =	sst s9;
	s0 =	simm.s32 @!p0 $0x0  }
0x12: {  	s1 =	sld [smem:$0x3F9A];
	s0 =	simm.s32 @p0 $0x1  }
0x13: {  	[smem:$0x3FB5] =	sst s0;
	s0 =	simm.s32 @!p1 $0x0  }
0x14: {  	s2 =	sld [smem:$0x3F99];
	s0 =	simm.s32 @p1 $0x1  }
0x15: {  	[smem:$0x3FB6] =	sst s0;
	s0 =	simm.s32 @!p2 $0x0  }
0x16: {  	s3 =	sld [smem:$0x3FDB];
	s0 =	simm.s32 @p2 $0x1  }
0x17: {  	s4 =	simm.s32 $0x1BF5;
	[smem:$0x3FB8] =	sst s0  }
0x18: {  	s0 =	sld [smem:$0x3F9B];
	_ =	swait.ge [sflag:s4], $0x0  }
0x19: {  	s7 =	sld [smem:$0x3F9C]  }
0x1a: {  	s8 =	sadd.s32 $0xFFFFE003, lr  }
0x1b: {  	s9 =	sadd.s32 $0xFFFFFEF7, lr;
	s5 =	simm.s32 $0xFFFFFFFF;
	p2 =	slt.u32 s8, $0xFFFFF086  }
0x1c: {  	p1 =	slt.u32 s9, $0xF7A;
	s5 =	simm.s32 @!p2 $0x0  }
0x1d: {  	s5 =	simm.s32 @p1 $0x1;
	p0 =	seq.s32 s7, s2  }
0x1e: {  	s7 =	smul.u32 @!p0 $0xF7A, s2;
	p2 =	seq.s32 @!p0 s5, $0x0  }
0x1f: {  	s9 =	smul.u32 $0xF7A, s1;
	s8 =	simm.s32 @!p0 $0x1BF5;
	p2 =	por !p2, p0  }
0x20: {  	[sflag:s8] =	ssyncset.s32 @!p0 $0xFFFFF086;
	s6 =	sadd.s32 @!p0 s3, s7;
	s7 =	simm.s32 @!p0 $0x108  }
0x21: {  	s3 =	sadd.s32 s3, s9;
	s6 =	sadd.s32 @!p0 $0x88, s6;
	s7 =	simm.s32 @p2 $0x1082  }
0x22: {  	[simem:s7], [sflag:s8] =	dma.local @!p0 [hbm:s6], $0xF7A  }
0x23: {  	s9 =	sor.u32 $0xD0000000, s2;
	s6 =	simm.s32 $0x108;
	_ =	swait.ge @!p0 [sflag:s8], $0x0  }
0x24: {  	s3 =	sadd.s32 $0x88, s3;
	s6 =	simm.s32 @!p1 $0x1082;
	[sflag:s4] =	ssyncset.s32 $0xFFFFF086  }
0x25: {  	[simem:s6], [sflag:s4] =	dma.local [hbm:s3], $0xF7A  }
0x26: {  	[smem:$0x3F9C] =	sst s1;
	(tag) =	ssettag s2;
	_ =	strace s9  }
0x27: {  	s1 =	sld [smem:$0x3FAC]  }
0x28: {  	s2 =	sld [smem:$0x3FAD]  }
0x29: {  	s4 =	sld [smem:$0x3FAF]  }
0x2a: {  	p0 =	seq.s32 s5, $0x0;
	s5 =	sld [smem:$0x3FB0]  }
0x2b: {  	s6 =	sld [smem:$0x3FB1]  }
0x2c: {  	s7 =	sld [smem:$0x3FB2]  }
0x2d: {  	s3 =	simm.s32 $0x108;
	s8 =	sld [smem:$0x3FB3]  }
0x2e: {  	s3 =	simm.s32 @!p0 $0x1082;
	s9 =	sld [smem:$0x3FB4]  }
0x2f: {  	lr =	sadd.s32 s0, s3;
	s0 =	sld [smem:$0x3FAB]  }
0x30: {  	s3 =	sld [smem:$0x3FAE]  }
0x31: {  	[smem:$0x3FB7] =	sst s10  }
0x32: {  	s10 =	sld [smem:$0x3FB5];
	_ =	sdelay $0x3  }
0x33: {  	p0 =	seq.s32 s10, $0x1;
	s10 =	sld [smem:$0x3FB7];
	_ =	sdelay $0x3  }
0x34: {  	[smem:$0x3FB7] =	sst s10  }
0x35: {  	s10 =	sld [smem:$0x3FB6];
	_ =	sdelay $0x3  }
0x36: {  	p1 =	seq.s32 s10, $0x1;
	s10 =	sld [smem:$0x3FB7];
	_ =	sdelay $0x3  }
0x37: {  	[smem:$0x3FB7] =	sst s10  }
0x38: {  	s10 =	sld [smem:$0x3FB8]  }
0x39: {  	_ = 	snop;
	(pc) =	sbr.ind lr, $3  }
0x3a: {  	_ = 	snop  }
0x3b: {  	_ = 	snop  }
0x3c: {  	p2 =	seq.s32 s10, $0x1;
	s10 =	sld [smem:$0x3FB7]  }
0x3d: {  	_ =	shalt  }
0x3e: {  	_ =	shalt  }
0x3f: {  	_ =	shalt  }
0x40: {  	_ =	shalt  }
0x41: {  	_ =	shalt  }
0x42: {  	_ =	shalt  }
0x43: {  	_ =	shalt  }
0x44: {  	_ =	shalt  }
0x45: {  	_ =	shalt  }
0x46: {  	_ =	shalt  }
0x47: {  	_ =	shalt  }
0x48: {  	_ =	shalt  }
0x49: {  	_ =	shalt  }
0x4a: {  	_ =	shalt  }
0x4b: {  	_ =	shalt  }
0x4c: {  	_ =	shalt  }
0x4d: {  	_ =	shalt  }
0x4e: {  	_ =	shalt  }
0x4f: {  	_ =	shalt  }
0x50: {  	_ =	shalt  }
0x51: {  	_ =	shalt  }
0x52: {  	_ =	shalt  }
0x53: {  	_ =	shalt  }
0x54: {  	_ =	shalt  }
0x55: {  	_ =	shalt  }
0x56: {  	_ =	shalt  }
0x57: {  	_ =	shalt  }
0x58: {  	_ =	shalt  }
0x59: {  	_ =	shalt  }
0x5a: {  	_ =	shalt  }
0x5b: {  	_ =	shalt  }
0x5c: {  	_ =	shalt  }
0x5d: {  	_ =	shalt  }
0x5e: {  	_ =	shalt  }
0x5f: {  	_ =	shalt  }
0x60: {  	_ =	shalt  }
0x61: {  	_ =	shalt  }
0x62: {  	_ =	shalt  }
0x63: {  	_ =	shalt  }
0x64: {  	_ =	shalt  }
0x65: {  	_ =	shalt  }
0x66: {  	_ =	shalt  }
0x67: {  	_ =	shalt  }
0x68: {  	_ =	shalt  }
0x69: {  	_ =	shalt  }
0x6a: {  	_ =	shalt  }
0x6b: {  	_ =	shalt  }
0x6c: {  	_ =	shalt  }
0x6d: {  	_ =	shalt  }
0x6e: {  	_ =	shalt  }
0x6f: {  	_ =	shalt  }
0x70: {  	_ =	shalt  }
0x71: {  	_ =	shalt  }
0x72: {  	_ =	shalt  }
0x73: {  	_ =	shalt  }
0x74: {  	_ =	shalt  }
0x75: {  	_ =	shalt  }
0x76: {  	_ =	shalt  }
0x77: {  	_ =	shalt  }
0x78: {  	_ =	shalt  }
0x79: {  	_ =	shalt  }
0x7a: {  	_ =	shalt  }
0x7b: {  	_ =	shalt  }
0x7c: {  	_ =	shalt  }
0x7d: {  	_ =	shalt  }
0x7e: {  	_ =	shalt  }
0x7f: {  	_ =	shalt  }
0x80: {  	_ =	shalt  }
0x81: {  	_ =	shalt  }
0x82: {  	_ =	shalt  }
0x83: {  	_ =	shalt  }
0x84: {  	_ =	shalt  }
0x85: {  	_ =	shalt  }
0x86: {  	_ =	shalt  }
0x87: {  	_ =	shalt  }
.Lfunc_end0:
.L_simem_size_0:
called_computation_lowered:
.L_overlay_start_0:
0x88: {  	s0 =	sld [smem:$0x3FD9]  }
0x89: {  	s1 =	sld [smem:$0x3FFE];
	_ =	sdelay $0x3  }
0x8a: {  	s0 =	sadd.s32 s1, s0  }
0x8b: {  	[smem:$0x3FC3] =	sst s0  }
0x8c: {  	_ = 	snop  }
0x8d: {  	s0 =	sld [smem:$0x3FD0];
	_ =	sdelay $0x2  }
0x8e: {  	s13 =	simm.s32 $0xB;
	s2 =	simm.s32 $0x10  }
0x8f: {  	[smem:s2], [sflag:s13] =	dma.local [hbm:s0], $0x1  }
0x90: {  	_ =	swait.eq [sflag:s13], $0x1  }
0x91: {  	[sflag:s13] =	ssyncset.done $0x0  }
0x92: {  	[sflag:s13] =	ssyncadd.s32 $0xFFFFFFFF  }
0x93: {  	s14 =	sld [smem:$0x10];
	(tm) =	ssettm $0x1  }
0x94: {  	s15 =	sld [smem:$0x3FFB];
	_ =	sdelay $0x3  }
0x95: {  	_ =	strace s15  }
0x96: {  	s1 =	sld [smem:$0x3FFC];
	_ =	sdelay $0x3  }
0x97: {  	_ =	strace s1  }
0x98: {  	s1 =	sld [smem:$0x3FFD];
	_ =	sdelay $0x3  }
0x99: {  	_ =	strace s1  }
0x9a: {  	_ =	strace $0x8FFFFFFF  }
0x9b: {  	s16 =	sld [smem:$0x3FDB];
	_ =	sdelay $0x1  }
0x9c: {  	s17 =	simm.s32 $_scs_section_size  }
0x9d: {  	s3 =	simm.s32 $_size__tile_overlayer_lowered;
	s4 =	simm.s32 $_tile_overlayer_lowered  }
0x9e: {  	s20 =	simm.s32 $0x1BFF;
	s19 =	sshll.u32 s4, $0x1;
	s1 =	sadd.s32 s17, s16  }
0x9f: {  	s5 =	simm.s32 $0x0;
	s18 =	sshll.u32 s3, $0x1;
	s3 =	sadd.s32 s19, s1  }
0xa0: {  	[timem:s5], [sflag:s20] =	dma.local [hbm:s3], s18  }
0xa1: {  	_ =	swait.ge [sflag:s20], s18  }
0xa2: {  	s2 =	ssub.s32 $0x0, s18;
	[sflag:s20] =	ssyncset.done $0x0  }
0xa3: {  	[sflag:s20] =	ssyncadd.s32 s2;
	_ =	sdelay $0x1  }
0xa4: {  	s21 =	simm.s32 $0x1B8B  }
0xa5: {  	_ =	swait.ge [sflag:s21], $0x1  }
0xa6: {  	[sflag:s21] =	ssyncset.done $0x0  }
0xa7: {  	s23 =	simm.s32 $0x1B8E;
	s22 =	sld [smem:$0x3FFE];
	[sflag:s21] =	ssyncadd.s32 $0xFFFFFFFF  }
0xa8: {  	s24 =	simm.s32 $execute0_lowered;
	[smem:$0x3FD2] =	sst s23  }
0xa9: {  	s3 =	sshll.u32 s24, $0x1;
	_ =	strace $0x80000046;
	[dreg:$0x1] =	wrdreg $0xFFFFFFFF  }
0xaa: {  	s25 =	simm.s32 $_size_execute0_lowered;
	s1 =	sadd.s32 s1, s3;
	[dreg:$0x0] =	wrdreg $0x0  }
0xab: {  	s3 =	sshll.u32 s25, $0x1;
	[dreg:$0x2] =	wrdreg s1  }
0xac: {  	[dreg:$0x3] =	wrdreg s3  }
0xad: {  	[dreg:$0x4] =	wrdreg $0xC0  }
0xae: {  	_ =	task [dreg:s5], $0x5FFFF  }
0xaf: {  	[dreg:$0x1] =	wrdreg $0xFFFFFFFF  }
0xb0: {  	[dreg:$0x0] =	wrdreg $0x60  }
0xb1: {  	[dreg:$0x2] =	wrdreg s22  }
0xb2: {  	[dreg:$0x3] =	wrdreg s14  }
0xb3: {  	[dreg:$0x4] =	wrdreg $0x9  }
0xb4: {  	_ =	task.clear_ibuf [dreg:s5], $0x5FFFF;
	_ =	strace $0x90000046  }
0xb5: {  	s26 =	simm.s32 $0x9;
	_ =	strace $0x80000048  }
0xb6: {  	_ =	swait.ge [sflag:s26], $0x1  }
0xb7: {  	[sflag:s26] =	ssyncadd.s32 $0xFFFFFFFF  }
0xb8: {  	_ =	strace $0x90000048  }
0xb9: {  	_ =	sfence  }
0xba: {  	s28 =	sld [smem:$0x0];
	_ =	sdelay $0x1  }
0xbb: {  	s29 =	srdreg.scid  }
0xbc: {  	s30 =	sshll.u32 s29, $0xD;
	s31 =	sshrl.u32 s29, $0x2  }
0xbd: {  	s2 =	sand.u32 $0x4000, s30;
	s1 =	sand.u32 $0x1, s29;
	s0 =	sadd.s32 s31, s28  }
0xbe: {  	s1 =	sor.u32 s2, s1;
	s0 =	sshll.u32 s0, $0x11  }
0xbf: {  	s0 =	sor.u32 s0, s1  }
0xc0: {  	s0 =	sadd.s32 $0x8F2B, s0  }
0xc1: {  	[sflag:s0] =	ssyncadd.remote.s32 $0x1  }
0xc2: {  	_ =	sfence.sel $0xFFFF  }
0xc3: {  	[dreg:$0x0] =	wrdreg $0xFFFFFFFF;
	(pc) =	sbr.abs _section_cstart, $3  }
0xc4: {  	[dreg:$0x1] =	wrdreg $0xFFFFFFFF  }
0xc5: {  	_ =	task.clear_ibuf [dreg:s5], $0x2FFFF;
	_ =	strace $0x9FFFFFFF  }
0xc6: {  	(tm) =	ssettm $0x7FFFFFFF  }
0xc7: {  	_ =	shalt  }
tec
execute0_lowered:
.L_overlay_start_1:
0x0: {  	(tag) =	ssettag $0x1  }
0x1: {  	s0 =	stileid.u32  }
0x2: {  	s1 =	smin.u32 s0, $0x9  }
0x3: {  	s1 =	sadd.s32 s0, s1  }
0x4: {  	s2 =	simm.s32 $0x190;
	p0 =	slt.u32 s0, $0x9;
	s1 =	smul.u32 $0xC8, s1  }
0x5: {  	s2 =	simm.s32 @!p0 $0xC8  }
0x6: {  	s2 =	sadd.s32 s2, s1  }
0x7: {  	s3 =	smin.u32 s2, $0x1388  }
0x8: {  	s7 =	ssub.s32 s3, s1  }
0x9: {  	p0 =	sgt.s32 s7, $0x0  }
0xa: {  	s7 =	simm.s32 @!p0 $0x0  }
0xb: {  	s31 =	sand.u32 $0xFFF8, s7  }
0xc: {  	s2 =	sshrl.u32 s31, $0x3  }
0xd: {  	s4 =	rddreg [dreg:$0x0];
	s2 =	smul.u32 $0x147B, s2  }
0xe: {  	s5 =	rddreg [dreg:$0x1]  }
0xf: {  	s6 =	simm.s32 $0x1;
	s10 =	simm.s32 $0x3;
	s8 =	sshrl.u32 s2, $0x11  }
0x10: {  	s13 =	simm.s32 $0x0;
	s12 =	simm.s32 $0x0;
	s9 =	smul.u32 $0xC8, s8  }
.Ltmp0:
0x11: {  	s11 =	smov.u32 s1;
	s2 =	rddreg [dreg:$0x2];
	(pc) =	sbr.rel .LBB2_1-.Ltmp0, $4  }
0x12: {  	_ =	strace $0x80000047;
	p0 =	sne.s32 s7, s9;
	s9 =	simm.s32 $0x1  }
0x13: {  	[sflag:s6] =	ssyncpa.u1 $0x0;
	s7 =	simm.s32 $0x2;
	s9 =	simm.s32 @!p0 $0x0  }
0x14: {  	[sflag:s7] =	ssyncpa.u1 $0x0;
	p0 =	por $0x0, $0x0;
	s8 =	sadd.s32 s8, s9  }
0x15: {  	vm0 =	vmmov $0xff;
	vm1 =	vcmask $0x3F20;
	s9 =	sadd.s32 $0x27200, s4;
	[sflag:s10] =	ssyncpa.u1 $0x0;
	s10 =	sadd.s32 $0x1, s8  }
.LBB2_6:
0x16: {  	[hbm:s17] =	stream.linear.scatter [tilespmem:s14], [sflag:$0x3], $0x400, $0x38;
	[tilespmem:$0xC990] =	vst v63  }
.LBB2_7:
0x17: {  	s13 =	sadd.s32 $0xC8, s11  }
0x18: {  	s15 =	smov.u32 s1;
	p2 =	slt.s32 s13, s3  }
0x19: {  	s15 =	smov.u32 @p2 s13;
	p2 =	sne.s32 s12, s10  }
.Ltmp1:
0x1a: {  	p1 =	slt.u32 s12, $0x2;
	(pc) =	sbr.rel @!p2 .LBB2_8-.Ltmp1, $4  }
0x1b: {  	s14 =	simm.s32 @!p1 $0x3  }
0x1c: {  	s16 =	sadd.s32 $0x1, s12;
	_ =	swait.ge @!p1 [sflag:s14], $0x6400  }
0x1d: {  	p0 =	por !p0, !p0;
	s13 =	smov.u32 s11;
	[sflag:s14] =	ssyncset.done @!p1 $0x0  }
0x1e: {  	s12 =	smov.u32 s16;
	s11 =	smov.u32 s15;
	[sflag:s14] =	ssyncadd.s32 @!p1 $0xFFFF9C00  }
.LBB2_1:
0x1f: {  	p1 =	sge.u32 s12, s8  }
0x20: {  	s14 =	sxor.u32 @!p1 $0xFFFFFFFF, s12  }
0x21: {  	s14 =	sand.u32 @!p1 $0x1, s14  }
0x22: {  	s14 =	smul.u32 @!p1 $0x320, s14  }
0x23: {  	s31 =	sadd.s32 $0xFFFFFFFF, s12;
	s15 =	sshrl.u32 @!p1 s11, $0x3  }
0x24: {  	s16 =	sand.u32 @!p1 $0x7, s11;
	s15 =	sadd.s32 @!p1 s9, s15;
	s14 =	sshrl.u32 @!p1 s14, $0x2  }
0x25: {  	[tilespmem:s14], [sflag:$0x2] =	stream.linear.gather @!p1 [hbm4b:s15+s16], $0xC8, $0x38;
	[tilespmem:$0xC990] =	vst v63  }
0x26: {  	p1 =	sge.u32 s31, s8  }
.Ltmp2:
0x27: {  	_ = 	snop;
	(pc) =	sbr.rel @p1 .LBB2_7-.Ltmp2, $1  }
0x28: {  	_ =	sdelay $0x3  }
0x29: {  	s14 =	simm.s32 $0x1  }
0x2a: {  	s14 =	simm.s32 @!p0 $0x0  }
0x2b: {  	s15 =	smul.u32 $0x320, s14  }
0x2c: {  	_ =	swait.ge [sflag:s7], $0xC8  }
0x2d: {  	[sflag:s7] =	ssyncset.done $0x0;
	s16 =	sshrl.u32 s15, $0x2  }
0x2e: {  	[sflag:s7] =	ssyncadd.s32 $0xFFFFFF38;
	s15 =	sadd.s32 $0x0, s16  }
0x2f: {  	v0 =	vld.msk [tilespmem:s15+$0x0 ss:$0x1], $0xffff;
	_ =	sdelay $0x4  }
0x30: {  	vm2 =	vgt.s32 v0, $0x0  }
0x31: {  	v0 =	vnsel vm2, $0x0, v0  }
0x32: {  	v0 =	vmin.u32 v0, $0x270F  }
0x33: {  	v0 =	vshll.u32 v0, $0x4  }
0x34: {  	s14 =	smul.u32 $0x19000, s14  }
0x35: {  	s31 =	sand.u32 $0x1, s12  }
0x36: {  	s17 =	smul.u32 $0x320, s31;
	s14 =	sshrl.u32 s14, $0x2  }
0x37: {  	s19 =	smul.u32 $0x19000, s31;
	s14 =	sor.u32 $0x190, s14  }
0x38: {  	[tilespmem:s14], [sflag:$0x1] =	stream.indirect_vreg.gather [hbm:s4], $0x80, v0, vm0, $0x38;
	[tilespmem:$0xC990] =	vst v63  }
0x39: {  	s18 =	sshrl.u32 s17, $0x2;
	s20 =	sadd.s32 $0x10, s16;
	s15 =	sadd.s32 $0x400, s14  }
0x3a: {  	[tilespmem:s15], [sflag:$0x1] =	stream.indirect_vreg.gather [hbm:s4], $0x80, v0, vm1, $0x38;
	[tilespmem:$0xC990] =	vst v63  }
0x3b: {  	s17 =	sshrl.u32 s19, $0x2;
	s19 =	smov.u32 s14;
	v0 =	vld.msk [tilespmem:s20+$0x0 ss:$0x1], $0xffff;
	s20 =	simm.s32 $0x80  }
.LBB2_3:
0x3c: {  	p1 =	sne.s32 s20, $0x2C0;
	_ =	sdelay $0x4  }
0x3d: {  	vm2 =	vgt.s32 v0, $0x0  }
0x3e: {  	v0 =	vnsel vm2, $0x0, v0  }
0x3f: {  	v0 =	vmin.u32 v0, $0x270F  }
0x40: {  	v0 =	vshll.u32 v0, $0x4;
	_ =	sdelay $0x3  }
.Ltmp3:
0x41: {  	s21 =	sshra.s32 s20, $0x2;
	s19 =	sadd.s32 $0x800, s19;
	(pc) =	sbr.rel @p1 .LBB2_3-.Ltmp3, $4  }
0x42: {  	[tilespmem:s19], [sflag:$0x1] =	stream.indirect_vreg.gather [hbm:s4], $0x80, v0, vm0, $0x38;
	[tilespmem:$0xC990] =	vst v63  }
0x43: {  	s21 =	sadd.s32 s21, s16;
	s22 =	sadd.s32 $0x400, s19  }
0x44: {  	[tilespmem:s22], [sflag:$0x1] =	stream.indirect_vreg.gather [hbm:s4], $0x80, v0, vm1, $0x38;
	[tilespmem:$0xC990] =	vst v63  }
0x45: {  	s20 =	sadd.s32 $0x40, s20;
	v0 =	vld.msk [tilespmem:s21+$0x0 ss:$0x1], $0xffff  }
0x46: {  	_ =	sdelay $0x3  }
0x47: {  	vm2 =	vgt.s32 v0, $0x0  }
0x48: {  	v0 =	vnsel vm2, $0x0, v0  }
0x49: {  	v0 =	vmin.u32 v0, $0x270F  }
0x4a: {  	v0 =	vshll.u32 v0, $0x4;
	_ =	sdelay $0x3  }
0x4b: {  	s16 =	sadd.s32 $0x800, s19  }
0x4c: {  	[tilespmem:s16], [sflag:$0x1] =	stream.indirect_vreg.gather [hbm:s4], $0x80, v0, vm0, $0x38;
	[tilespmem:$0xC990] =	vst v63  }
0x4d: {  	s16 =	sadd.s32 $0x400, s16  }
0x4e: {  	[tilespmem:s16], [sflag:$0x1] =	stream.indirect_vreg.gather [hbm:s4], $0x80, v0, vm1, $0x38;
	[tilespmem:$0xC990] =	vst v63  }
0x4f: {  	v0 =	vld.msk [tilespmem:s18+$0xC0 ss:$0x1], $0xff;
	_ =	sdelay $0x4  }
0x50: {  	vm2 =	vgt.s32 v0, $0x0  }
0x51: {  	v0 =	vnsel vm2, $0x0, v0  }
0x52: {  	v0 =	vmin.u32 v0, $0x270F  }
0x53: {  	v0 =	vshll.u32 v0, $0x4;
	_ =	sdelay $0x3  }
0x54: {  	s31 =	sadd.s32 $0x6190, s17  }
0x55: {  	[tilespmem:s31], [sflag:$0x1] =	stream.indirect_vreg.gather [hbm:s4], $0x80, v0, vm0, $0x38;
	[tilespmem:$0xC990] =	vst v63  }
0x56: {  	s13 =	sshll.u32 s13, $0x4;
	_ =	swait.ge [sflag:s6], $0x6400  }
0x57: {  	s13 =	sadd.s32 s13, s5;
	[sflag:s6] =	ssyncset.done $0x0  }
0x58: {  	s17 =	sadd.s32 $0x0, s13;
	s16 =	simm.s32 $0x80;
	[sflag:s6] =	ssyncadd.s32 $0xFFFF9C00  }
.LBB2_5:
0x59: {  	[hbm:s17] =	stream.linear.scatter [tilespmem:s14], [sflag:$0x3], $0x400, $0x38;
	[tilespmem:$0xC990] =	vst v63  }
0x5a: {  	s17 =	smov.u32 s16;
	s14 =	smov.u32 s15;
	p1 =	sne.s32 s16, $0xC00  }
.Ltmp4:
0x5b: {  	s16 =	sadd.s32 $0x80, s16;
	(pc) =	sbr.rel @p1 .LBB2_5-.Ltmp4, $2  }
0x5c: {  	_ =	sdelay $0x2  }
0x5d: {  	s15 =	sadd.s32 $0x400, s15;
	s17 =	sadd.s32 s17, s13  }
.Ltmp5:
0x5e: {  	_ = 	snop;
	(pc) =	sbr.rel .LBB2_6-.Ltmp5, $1  }
0x5f: {  	_ =	sdelay $0x3  }
.LBB2_8:
0x60: {  	_ =	sfence.sel $0x180000  }
0x61: {  	s1 =	simm.s32 $0x2;
	[bflag:$0x0] =	sbarrier.arrive $0xFFFF  }
0x62: {  	s30 =	simm.s32 $0x3;
	[sflag:s1] =	ssyncpa.u1 $0x1  }
0x63: {  	s31 =	simm.s32 $0x1;
	[sflag:s30] =	ssyncpa.u1 $0x1  }
0x64: {  	[sflag:s31] =	ssyncpa.u1 $0x1  }
0x65: {  	p0 =	sne.s32 s0, $0x0;
	_ =	strace $0x90000047  }
0x66: {  	s0 =	sadd.s32 @!p0 $0x100000, s2;
	[bflag:$0x2] =	sbarrier.arrive $0xFFFF  }
0x67: {  	[sflag:s0] =	ssyncadd.tile.s32 @!p0 $0x1;
	_ =	shalt  }
.Lfunc_end2:
_tile_overlayer_lowered:
.L_overlay_start_2:
0x68: {  	(tag) =	ssettag $0x2  }
0x69: {  	s0 =	rddreg [dreg:$0x0];
	s2 =	stileid.u32  }
0x6a: {  	s1 =	rddreg [dreg:$0x1];
	p0 =	sne.s32 s2, $0x0  }
0x6b: {  	s3 =	rddreg [dreg:$0x2];
	[bflag:$0x3] =	sbarrier.arrive $0xFFFF;
	s2 =	simm.s32 @!p0 $0x1C01  }
0x6c: {  	[timem:s3], [sflag:s2] =	dma.local @!p0 [hbm:s0], s1  }
0x6d: {  	s0 =	simm.s32 @!p0 $0x1  }
0x6e: {  	_ =	swait.ge @!p0 [sflag:s0], s1  }
0x6f: {  	s1 =	ssub.s32 @!p0 $0x0, s1;
	[sflag:s0] =	ssyncset.done @!p0 $0x0  }
0x70: {  	[sflag:s0] =	ssyncadd.s32 @!p0 s1  }
0x71: {  	[bflag:$0x3] =	sbarrier.arrive $0xFFFF  }
0x72: {  	_ =	shalt  }

// kernel: kernel.6.cloned.1.call-start
scs
__scs_entry_jumppad:
0x0: {  	(pc) =	sbr.rel $0x88, $3  }
0x1: {  	(tag) =	ssettag $0x0;
	lr =	simm.s32 $0x1  }
0x2: {  	[smem:$0x3F9C] =	sst lr;
	_ =	strace $0xD0000000  }
0x3: {  	_ = 	snop  }
0x4: {  	_ = 	snop  }
0x5: {  	_ = 	snop  }
0x6: {  	_ = 	snop  }
0x7: {  	_ = 	snop  }
__scs_overlays_trampoline_lowered:
0x8: {  	[smem:$0x3FAB] =	sst s0  }
0x9: {  	[smem:$0x3FAC] =	sst s1  }
0xa: {  	[smem:$0x3FAD] =	sst s2  }
0xb: {  	[smem:$0x3FAE] =	sst s3  }
0xc: {  	[smem:$0x3FAF] =	sst s4  }
0xd: {  	[smem:$0x3FB0] =	sst s5  }
0xe: {  	[smem:$0x3FB1] =	sst s6  }
0xf: {  	[smem:$0x3FB2] =	sst s7  }
0x10: {  	[smem:$0x3FB3] =	sst s8  }
0x11: {  	[smem:$0x3FB4] =	sst s9;
	s0 =	simm.s32 @!p0 $0x0  }
0x12: {  	s1 =	sld [smem:$0x3F9A];
	s0 =	simm.s32 @p0 $0x1  }
0x13: {  	[smem:$0x3FB5] =	sst s0;
	s0 =	simm.s32 @!p1 $0x0  }
0x14: {  	s2 =	sld [smem:$0x3F99];
	s0 =	simm.s32 @p1 $0x1  }
0x15: {  	[smem:$0x3FB6] =	sst s0;
	s0 =	simm.s32 @!p2 $0x0  }
0x16: {  	s3 =	sld [smem:$0x3FDB];
	s0 =	simm.s32 @p2 $0x1  }
0x17: {  	s4 =	simm.s32 $0x1BF5;
	[smem:$0x3FB8] =	sst s0  }
0x18: {  	s0 =	sld [smem:$0x3F9B];
	_ =	swait.ge [sflag:s4], $0x0  }
0x19: {  	s7 =	sld [smem:$0x3F9C]  }
0x1a: {  	s8 =	sadd.s32 $0xFFFFE003, lr  }
0x1b: {  	s9 =	sadd.s32 $0xFFFFFEF7, lr;
	s5 =	simm.s32 $0xFFFFFFFF;
	p2 =	slt.u32 s8, $0xFFFFF086  }
0x1c: {  	p1 =	slt.u32 s9, $0xF7A;
	s5 =	simm.s32 @!p2 $0x0  }
0x1d: {  	s5 =	simm.s32 @p1 $0x1;
	p0 =	seq.s32 s7, s2  }
0x1e: {  	s7 =	smul.u32 @!p0 $0xF7A, s2;
	p2 =	seq.s32 @!p0 s5, $0x0  }
0x1f: {  	s9 =	smul.u32 $0xF7A, s1;
	s8 =	simm.s32 @!p0 $0x1BF5;
	p2 =	por !p2, p0  }
0x20: {  	[sflag:s8] =	ssyncset.s32 @!p0 $0xFFFFF086;
	s6 =	sadd.s32 @!p0 s3, s7;
	s7 =	simm.s32 @!p0 $0x108  }
0x21: {  	s3 =	sadd.s32 s3, s9;
	s6 =	sadd.s32 @!p0 $0x88, s6;
	s7 =	simm.s32 @p2 $0x1082  }
0x22: {  	[simem:s7], [sflag:s8] =	dma.local @!p0 [hbm:s6], $0xF7A  }
0x23: {  	s9 =	sor.u32 $0xD0000000, s2;
	s6 =	simm.s32 $0x108;
	_ =	swait.ge @!p0 [sflag:s8], $0x0  }
0x24: {  	s3 =	sadd.s32 $0x88, s3;
	s6 =	simm.s32 @!p1 $0x1082;
	[sflag:s4] =	ssyncset.s32 $0xFFFFF086  }
0x25: {  	[simem:s6], [sflag:s4] =	dma.local [hbm:s3], $0xF7A  }
0x26: {  	[smem:$0x3F9C] =	sst s1;
	(tag) =	ssettag s2;
	_ =	strace s9  }
0x27: {  	s1 =	sld [smem:$0x3FAC]  }
0x28: {  	s2 =	sld [smem:$0x3FAD]  }
0x29: {  	s4 =	sld [smem:$0x3FAF]  }
0x2a: {  	p0 =	seq.s32 s5, $0x0;
	s5 =	sld [smem:$0x3FB0]  }
0x2b: {  	s6 =	sld [smem:$0x3FB1]  }
0x2c: {  	s7 =	sld [smem:$0x3FB2]  }
0x2d: {  	s3 =	simm.s32 $0x108;
	s8 =	sld [smem:$0x3FB3]  }
0x2e: {  	s3 =	simm.s32 @!p0 $0x1082;
	s9 =	sld [smem:$0x3FB4]  }
0x2f: {  	lr =	sadd.s32 s0, s3;
	s0 =	sld [smem:$0x3FAB]  }
0x30: {  	s3 =	sld [smem:$0x3FAE]  }
0x31: {  	[smem:$0x3FB7] =	sst s10  }
0x32: {  	s10 =	sld [smem:$0x3FB5];
	_ =	sdelay $0x3  }
0x33: {  	p0 =	seq.s32 s10, $0x1;
	s10 =	sld [smem:$0x3FB7];
	_ =	sdelay $0x3  }
0x34: {  	[smem:$0x3FB7] =	sst s10  }
0x35: {  	s10 =	sld [smem:$0x3FB6];
	_ =	sdelay $0x3  }
0x36: {  	p1 =	seq.s32 s10, $0x1;
	s10 =	sld [smem:$0x3FB7];
	_ =	sdelay $0x3  }
0x37: {  	[smem:$0x3FB7] =	sst s10  }
0x38: {  	s10 =	sld [smem:$0x3FB8]  }
0x39: {  	_ = 	snop;
	(pc) =	sbr.ind lr, $3  }
0x3a: {  	_ = 	snop  }
0x3b: {  	_ = 	snop  }
0x3c: {  	p2 =	seq.s32 s10, $0x1;
	s10 =	sld [smem:$0x3FB7]  }
0x3d: {  	_ =	shalt  }
0x3e: {  	_ =	shalt  }
0x3f: {  	_ =	shalt  }
0x40: {  	_ =	shalt  }
0x41: {  	_ =	shalt  }
0x42: {  	_ =	shalt  }
0x43: {  	_ =	shalt  }
0x44: {  	_ =	shalt  }
0x45: {  	_ =	shalt  }
0x46: {  	_ =	shalt  }
0x47: {  	_ =	shalt  }
0x48: {  	_ =	shalt  }
0x49: {  	_ =	shalt  }
0x4a: {  	_ =	shalt  }
0x4b: {  	_ =	shalt  }
0x4c: {  	_ =	shalt  }
0x4d: {  	_ =	shalt  }
0x4e: {  	_ =	shalt  }
0x4f: {  	_ =	shalt  }
0x50: {  	_ =	shalt  }
0x51: {  	_ =	shalt  }
0x52: {  	_ =	shalt  }
0x53: {  	_ =	shalt  }
0x54: {  	_ =	shalt  }
0x55: {  	_ =	shalt  }
0x56: {  	_ =	shalt  }
0x57: {  	_ =	shalt  }
0x58: {  	_ =	shalt  }
0x59: {  	_ =	shalt  }
0x5a: {  	_ =	shalt  }
0x5b: {  	_ =	shalt  }
0x5c: {  	_ =	shalt  }
0x5d: {  	_ =	shalt  }
0x5e: {  	_ =	shalt  }
0x5f: {  	_ =	shalt  }
0x60: {  	_ =	shalt  }
0x61: {  	_ =	shalt  }
0x62: {  	_ =	shalt  }
0x63: {  	_ =	shalt  }
0x64: {  	_ =	shalt  }
0x65: {  	_ =	shalt  }
0x66: {  	_ =	shalt  }
0x67: {  	_ =	shalt  }
0x68: {  	_ =	shalt  }
0x69: {  	_ =	shalt  }
0x6a: {  	_ =	shalt  }
0x6b: {  	_ =	shalt  }
0x6c: {  	_ =	shalt  }
0x6d: {  	_ =	shalt  }
0x6e: {  	_ =	shalt  }
0x6f: {  	_ =	shalt  }
0x70: {  	_ =	shalt  }
0x71: {  	_ =	shalt  }
0x72: {  	_ =	shalt  }
0x73: {  	_ =	shalt  }
0x74: {  	_ =	shalt  }
0x75: {  	_ =	shalt  }
0x76: {  	_ =	shalt  }
0x77: {  	_ =	shalt  }
0x78: {  	_ =	shalt  }
0x79: {  	_ =	shalt  }
0x7a: {  	_ =	shalt  }
0x7b: {  	_ =	shalt  }
0x7c: {  	_ =	shalt  }
0x7d: {  	_ =	shalt  }
0x7e: {  	_ =	shalt  }
0x7f: {  	_ =	shalt  }
0x80: {  	_ =	shalt  }
0x81: {  	_ =	shalt  }
0x82: {  	_ =	shalt  }
0x83: {  	_ =	shalt  }
0x84: {  	_ =	shalt  }
0x85: {  	_ =	shalt  }
0x86: {  	_ =	shalt  }
0x87: {  	_ =	shalt  }
.Lfunc_end0:
.L_simem_size_0:
called_computation.3_lowered:
.L_overlay_start_0:
0x88: {  	s2 =	sld [smem:$0x3FD9]  }
0x89: {  	s3 =	sld [smem:$0x3FFE];
	_ =	sdelay $0x1  }
0x8a: {  	s1 =	srdreg.scid  }
0x8b: {  	s0 =	sand.u32 $0x1, s1  }
0x8c: {  	s14 =	sshll.u32 s0, $0xA;
	s2 =	sadd.s32 s3, s2  }
0x8d: {  	s2 =	sadd.s32 s2, s14  }
0x8e: {  	[smem:$0x3FC3] =	sst s2  }
0x8f: {  	_ = 	snop  }
0x90: {  	s2 =	sld [smem:$0x3FD0];
	_ =	sdelay $0x2  }
0x91: {  	s15 =	simm.s32 $0xB;
	s4 =	simm.s32 $0x10  }
0x92: {  	[smem:s4], [sflag:s15] =	dma.local [hbm:s2], $0x1  }
0x93: {  	_ =	swait.eq [sflag:s15], $0x1  }
0x94: {  	[sflag:s15] =	ssyncset.done $0x0  }
0x95: {  	[sflag:s15] =	ssyncadd.s32 $0xFFFFFFFF  }
0x96: {  	s16 =	sld [smem:$0x11];
	(tm) =	ssettm $0x1  }
0x97: {  	s17 =	sld [smem:$0x3FFB];
	_ =	sdelay $0x3  }
0x98: {  	_ =	strace s17  }
0x99: {  	s3 =	sld [smem:$0x3FFC];
	_ =	sdelay $0x3  }
0x9a: {  	_ =	strace s3  }
0x9b: {  	s3 =	sld [smem:$0x3FFD];
	_ =	sdelay $0x3  }
0x9c: {  	_ =	strace s3  }
0x9d: {  	_ =	strace $0x8FFFFFFF  }
0x9e: {  	s18 =	sld [smem:$0x3FDB];
	_ =	sdelay $0x1  }
0x9f: {  	s19 =	simm.s32 $_scs_section_size  }
0xa0: {  	s5 =	simm.s32 $_size__tile_overlayer_lowered;
	s6 =	simm.s32 $_tile_overlayer_lowered  }
0xa1: {  	s22 =	simm.s32 $0x1BFF;
	s21 =	sshll.u32 s6, $0x1;
	s3 =	sadd.s32 s19, s18  }
0xa2: {  	s7 =	simm.s32 $0x0;
	s20 =	sshll.u32 s5, $0x1;
	s5 =	sadd.s32 s21, s3  }
0xa3: {  	[timem:s7], [sflag:s22] =	dma.local [hbm:s5], s20  }
0xa4: {  	_ =	swait.ge [sflag:s22], s20  }
0xa5: {  	s4 =	ssub.s32 $0x0, s20;
	[sflag:s22] =	ssyncset.done $0x0  }
0xa6: {  	[sflag:s22] =	ssyncadd.s32 s4;
	_ =	sdelay $0x1  }
0xa7: {  	s23 =	simm.s32 $0x1B8B  }
0xa8: {  	_ =	swait.ge [sflag:s23], $0x1  }
0xa9: {  	[sflag:s23] =	ssyncset.done $0x0  }
0xaa: {  	s25 =	simm.s32 $0x1B8E;
	s24 =	sld [smem:$0x3FFE];
	[sflag:s23] =	ssyncadd.s32 $0xFFFFFFFF  }
0xab: {  	s26 =	simm.s32 $execute0_lowered;
	[smem:$0x3FD2] =	sst s25  }
0xac: {  	s5 =	sshll.u32 s26, $0x1;
	_ =	strace $0x8000004C;
	[dreg:$0x1] =	wrdreg $0xFFFFFFFF  }
0xad: {  	s28 =	simm.s32 $_size_execute0_lowered;
	s3 =	sadd.s32 s3, s5;
	[dreg:$0x0] =	wrdreg $0x0  }
0xae: {  	s5 =	sshll.u32 s28, $0x1;
	[dreg:$0x2] =	wrdreg s3  }
0xaf: {  	[dreg:$0x3] =	wrdreg s5  }
0xb0: {  	[dreg:$0x4] =	wrdreg $0xC0  }
0xb1: {  	_ =	task [dreg:s7], $0x5FFFF  }
0xb2: {  	[dreg:$0x1] =	wrdreg $0xFFFFFFFF  }
0xb3: {  	[dreg:$0x0] =	wrdreg $0x60  }
0xb4: {  	[dreg:$0x2] =	wrdreg s16  }
0xb5: {  	[dreg:$0x3] =	wrdreg s24  }
0xb6: {  	[dreg:$0x4] =	wrdreg $0x9  }
0xb7: {  	_ =	task.clear_ibuf [dreg:s7], $0x5FFFF;
	_ =	strace $0x9000004C  }
0xb8: {  	s29 =	simm.s32 $0x9;
	_ =	strace $0x8000004E  }
0xb9: {  	_ =	swait.ge [sflag:s29], $0x1  }
0xba: {  	[sflag:s29] =	ssyncadd.s32 $0xFFFFFFFF  }
0xbb: {  	_ =	strace $0x9000004E  }
0xbc: {  	_ =	sfence  }
0xbd: {  	s30 =	sld [smem:$0x0];
	_ =	sdelay $0x2  }
0xbe: {  	s31 =	sshll.u32 s1, $0xD;
	s1 =	sshrl.u32 s1, $0x2  }
0xbf: {  	s3 =	sand.u32 $0x4000, s31;
	s1 =	sadd.s32 s1, s30  }
0xc0: {  	s0 =	sor.u32 s3, s0;
	s1 =	sshll.u32 s1, $0x11  }
0xc1: {  	s0 =	sor.u32 s1, s0  }
0xc2: {  	s0 =	sadd.s32 $0x8F2B, s0  }
0xc3: {  	[sflag:s0] =	ssyncadd.remote.s32 $0x1  }
0xc4: {  	_ =	sfence.sel $0xFFFF  }
0xc5: {  	[dreg:$0x0] =	wrdreg $0xFFFFFFFF;
	(pc) =	sbr.abs _section_cstart, $3  }
0xc6: {  	[dreg:$0x1] =	wrdreg $0xFFFFFFFF  }
0xc7: {  	_ =	task.clear_ibuf [dreg:s7], $0x2FFFF;
	_ =	strace $0x9FFFFFFF  }
0xc8: {  	(tm) =	ssettm $0x7FFFFFFF  }
0xc9: {  	_ =	shalt  }
tec
execute0_lowered:
.L_overlay_start_1:
0x0: {  	(tag) =	ssettag $0x1  }
0x1: {  	s0 =	rddreg [dreg:$0x1];
	s1 =	srdreg.scid  }
0x2: {  	s2 =	stileid.u32;
	s3 =	simm.s32 $0x0;
	s13 =	simm.s32 $0x1  }
0x3: {  	s15 =	simm.s32 $0x5000;
	s16 =	simm.s32 $0xA000;
	s17 =	simm.s32 $0xC800  }
0x4: {  	s18 =	simm.s32 $0xC880;
	s19 =	simm.s32 $0xC980;
	s20 =	simm.s32 $0xCA80  }
0x5: {  	s21 =	simm.s32 $0x11F80;
	s1 =	sand.u32 $0x1, s1;
	s4 =	sshll.u32 s2, $0x1  }
0x6: {  	s22 =	simm.s32 $0x0;
	[smem:$0x7FF] =	sst s3;
	s6 =	sor.u32 s1, s4  }
0x7: {  	s5 =	sadd.s32 $0x27C00, s0;
	s7 =	sadd.s32 $0x28800, s0;
	s8 =	smul.u32 $0x14, s6  }
.Ltmp0:
0x8: {  	_ =	strace $0x8000004D;
	s1 =	ssub.s32 $0x2, s1;
	(pc) =	sbr.rel .LBB2_1-.Ltmp0, $4  }
0x9: {  	s4 =	sadd.s32 $0x28200, s0;
	s9 =	smul.u32 $0xA00, s6;
	s10 =	sshrl.u32 s1, $0x1  }
0xa: {  	s6 =	sadd.s32 $0x27600, s0;
	s1 =	ssub.s32 s1, s10;
	s11 =	sadd.s32 s8, s0  }
0xb: {  	v0 =	vlaneseq.u32;
	s0 =	sadd.s32 s9, s0;
	s12 =	smax.u32 s1, $0x1;
	s8 =	sadd.s32 $0x4F600, s11  }
0xc: {  	v1 =	vimm.f32 $+Inf;
	v2 =	vimm.s32 $0x0;
	v3 =	vor.u32 $0x80000000, v0;
	s9 =	sadd.s32 $0x4F200, s11;
	s10 =	sadd.s32 $0x4EE00, s11;
	s11 =	sadd.s32 $0x28A00, s0  }
.LBB2_27:
0xd: {  	s22 =	sadd.s32 $0x1, s22  }
0xe: {  	p0 =	sne.s32 s22, s12  }
.Ltmp1:
0xf: {  	_ = 	snop;
	(pc) =	sbr.rel @!p0 .LBB2_28-.Ltmp1, $4  }
0x10: {  	[hbm4b:s11+s3] =	stream.linear.scatter [tilespmem:s21], [sflag:$0x1], $0x5000, $0x38;
	[tilespmem:$0x16F80] =	vst v63  }
0x11: {  	_ =	swait.ge [sflag:s13], $0x5000  }
0x12: {  	[sflag:s13] =	ssyncset.done $0x0  }
0x13: {  	[sflag:s13] =	ssyncadd.s32 $0xFFFFB000  }
.LBB2_1:
0x14: {  	s0 =	rddreg [dreg:$0x0]  }
0x15: {  	[tilespmem:s3], [sflag:$0x1] =	stream.linear.gather [hbm4b:s0+s3], $0x2800, $0x38;
	[tilespmem:$0x16F80] =	vst v63  }
0x16: {  	_ =	swait.ge [sflag:s13], $0x2800  }
0x17: {  	[sflag:s13] =	ssyncset.done $0x0  }
0x18: {  	s31 =	simm.s32 $0x2800;
	[sflag:s13] =	ssyncadd.s32 $0xFFFFD800  }
0x19: {  	[tilespmem:s31], [sflag:$0x1] =	stream.linear.gather [hbm4b:s4+s3], $0x2800, $0x38;
	[tilespmem:$0x16F80] =	vst v63  }
0x1a: {  	_ =	swait.ge [sflag:s13], $0x2800  }
0x1b: {  	[sflag:s13] =	ssyncset.done $0x0  }
0x1c: {  	[sflag:s13] =	ssyncadd.s32 $0xFFFFD800  }
0x1d: {  	[tilespmem:s15], [sflag:$0x1] =	stream.linear.gather [hbm4b:s5+s3], $0x2800, $0x38;
	[tilespmem:$0x16F80] =	vst v63  }
0x1e: {  	_ =	swait.ge [sflag:s13], $0x2800  }
0x1f: {  	[sflag:s13] =	ssyncset.done $0x0  }
0x20: {  	[sflag:s13] =	ssyncadd.s32 $0xFFFFD800  }
0x21: {  	[tilespmem:s16], [sflag:$0x1] =	stream.linear.gather [hbm4b:s6+s3], $0x2800, $0x38;
	[tilespmem:$0x16F80] =	vst v63  }
0x22: {  	_ =	swait.ge [sflag:s13], $0x2800  }
0x23: {  	[sflag:s13] =	ssyncset.done $0x0  }
0x24: {  	[sflag:s13] =	ssyncadd.s32 $0xFFFFD800  }
0x25: {  	[tilespmem:s17], [sflag:$0x1] =	stream.linear.gather [hbm4b:s7+s3], $0x80, $0x38;
	[tilespmem:$0x16F80] =	vst v63  }
0x26: {  	_ =	swait.ge [sflag:s13], $0x80  }
0x27: {  	[sflag:s13] =	ssyncset.done $0x0  }
0x28: {  	[sflag:s13] =	ssyncadd.s32 $0xFFFFFF80  }
0x29: {  	[tilespmem:s18], [sflag:$0x1] =	stream.linear.gather [hbm4b:s8+s3], $0xA0, $0x38;
	[tilespmem:$0x16F80] =	vst v63  }
0x2a: {  	_ =	swait.ge [sflag:s13], $0xA0  }
0x2b: {  	[sflag:s13] =	ssyncset.done $0x0  }
0x2c: {  	[sflag:s13] =	ssyncadd.s32 $0xFFFFFF60  }
0x2d: {  	[tilespmem:s19], [sflag:$0x1] =	stream.linear.gather [hbm4b:s9+s3], $0xA0, $0x38;
	[tilespmem:$0x16F80] =	vst v63  }
0x2e: {  	_ =	swait.ge [sflag:s13], $0xA0  }
0x2f: {  	[sflag:s13] =	ssyncset.done $0x0  }
0x30: {  	[sflag:s13] =	ssyncadd.s32 $0xFFFFFF60  }
0x31: {  	[tilespmem:s20], [sflag:$0x1] =	stream.linear.gather [hbm4b:s10+s3], $0xA0, $0x38;
	[tilespmem:$0x16F80] =	vst v63  }
0x32: {  	_ =	swait.ge [sflag:s13], $0xA0  }
0x33: {  	[sflag:s13] =	ssyncset.done $0x0  }
0x34: {  	s23 =	simm.s32 $0x0;
	[sflag:s13] =	ssyncadd.s32 $0xFFFFFF60  }
0x35: {  	v4 =	vld [tilespmem:s23+$0x0]  }
0x36: {  	v7 =	vld [tilespmem:s23+$0x2800]  }
0x37: {  	v5 =	vld [tilespmem:s23+$0x5000];
	_ =	sdelay $0x3  }
0x38: {  	v6 =	vshrl.u32 v4, $0x10  }
0x39: {  	v8 =	vshrl.u32 v7, $0x10;
	v9 =	vshrl.u32 v5, $0x10;
	v6 =	vand.u32 $0x1, v6  }
0x3a: {  	v10 =	vmul.f32 v4, v4;
	v8 =	vand.u32 $0x1, v8;
	v6 =	vadd.s32 v6, v4  }
0x3b: {  	v9 =	vand.u32 $0x1, v9;
	v8 =	vadd.s32 v8, v7;
	v6 =	vadd.s32 $0x7FFF, v6  }
0x3c: {  	v9 =	vadd.s32 v9, v5;
	v8 =	vadd.s32 $0x7FFF, v8;
	v6 =	vand.u32 $0xFFFF0000, v6  }
0x3d: {  	v9 =	vadd.s32 $0x7FFF, v9;
	v8 =	vand.u32 $0xFFFF0000, v8;
	v6 =	vadd.f32 v6, v6  }
0x3e: {  	v11 =	vmul.f32 v5, v5;
	v9 =	vand.u32 $0xFFFF0000, v9;
	v8 =	vadd.f32 v8, v8  }
0x3f: {  	s24 =	simm.s32 $0x10;
	v9 =	vadd.f32 v9, v9;
	[tilespmem:s23+$0x0] =	vst v6  }
0x40: {  	v4 =	vmul.f32 v7, v7;
	v7 =	vadd.f32 v11, v10;
	v6 =	vld [tilespmem:s24+$0x0];
	[tilespmem:s23+$0x2800] =	vst v8  }
0x41: {  	s0 =	simm.s32 $0x80;
	v5 =	vld [tilespmem:s24+$0x2800];
	[tilespmem:s23+$0x5000] =	vst v9  }
.LBB2_2:
0x42: {  	p0 =	sne.s32 s0, $0x9FC0;
	v8 =	vld [tilespmem:s24+$0x5000];
	v4 =	vadd.f32 v7, v4;
	_ =	sdelay $0x1  }
0x43: {  	[tilespmem:s23+$0x7800] =	vst v4;
	s23 =	smov.u32 s24  }
0x44: {  	v7 =	vmul.f32 v6, v6;
	v9 =	vshrl.u32 v6, $0x10  }
0x45: {  	v4 =	vmul.f32 v5, v5;
	v9 =	vand.u32 $0x1, v9;
	v10 =	vshrl.u32 v5, $0x10  }
0x46: {  	v6 =	vadd.s32 v9, v6;
	v9 =	vand.u32 $0x1, v10;
	v10 =	vshrl.u32 v8, $0x10  }
0x47: {  	v6 =	vadd.s32 $0x7FFF, v6;
	v5 =	vadd.s32 v9, v5;
	v9 =	vand.u32 $0x1, v10  }
0x48: {  	v6 =	vand.u32 $0xFFFF0000, v6;
	v5 =	vadd.s32 $0x7FFF, v5;
	v9 =	vadd.s32 v9, v8  }
.Ltmp2:
0x49: {  	v6 =	vadd.f32 v6, v6;
	v5 =	vand.u32 $0xFFFF0000, v5;
	v9 =	vadd.s32 $0x7FFF, v9;
	(pc) =	sbr.rel @p0 .LBB2_2-.Ltmp2, $4  }
0x4a: {  	v8 =	vmul.f32 v8, v8;
	v5 =	vadd.f32 v5, v5;
	v9 =	vand.u32 $0xFFFF0000, v9  }
0x4b: {  	s24 =	sshra.s32 s0, $0x2;
	[tilespmem:s23+$0x0] =	vst v6;
	v9 =	vadd.f32 v9, v9  }
0x4c: {  	v7 =	vadd.f32 v8, v7;
	v6 =	vld [tilespmem:s24+$0x0];
	[tilespmem:s23+$0x2800] =	vst v5  }
0x4d: {  	s0 =	sadd.s32 $0x40, s0;
	v5 =	vld [tilespmem:s24+$0x2800];
	[tilespmem:s23+$0x5000] =	vst v9  }
0x4e: {  	_ = 	snop  }
0x4f: {  	v8 =	vld [tilespmem:s24+$0x5000];
	_ =	sdelay $0x1  }
0x50: {  	v9 =	vshrl.u32 v6, $0x10  }
0x51: {  	v4 =	vadd.f32 v7, v4;
	v57 =	vand.u32 $0x1, v9;
	v58 =	vshrl.u32 v5, $0x10  }
0x52: {  	v10 =	vmul.f32 v6, v6;
	v59 =	vadd.s32 v57, v6;
	v60 =	vand.u32 $0x1, v58  }
0x53: {  	v61 =	vshrl.u32 v8, $0x10;
	v6 =	vadd.s32 $0x7FFF, v59;
	v7 =	vadd.s32 v60, v5  }
0x54: {  	v5 =	vmul.f32 v5, v5;
	v9 =	vand.u32 $0x1, v61;
	v6 =	vand.u32 $0xFFFF0000, v6  }
0x55: {  	v7 =	vadd.s32 $0x7FFF, v7;
	v9 =	vadd.s32 v9, v8;
	v8 =	vmul.f32 v8, v8  }
0x56: {  	v6 =	vadd.f32 v6, v6;
	v7 =	vand.u32 $0xFFFF0000, v7;
	v9 =	vadd.s32 $0x7FFF, v9  }
.Ltmp3:
0x57: {  	[tilespmem:s23+$0x7800] =	vst v4;
	v4 =	vadd.f32 v7, v7;
	v62 =	vand.u32 $0xFFFF0000, v9;
	v8 =	vadd.f32 v8, v10;
	(pc) =	sbr.rel .LBB2_4-.Ltmp3, $4  }
0x58: {  	[tilespmem:s24+$0x0] =	vst v6;
	v63 =	vadd.f32 v62, v62  }
0x59: {  	[tilespmem:s24+$0x2800] =	vst v4;
	v4 =	vadd.f32 v8, v5  }
0x5a: {  	[tilespmem:s24+$0x5000] =	vst v63  }
0x5b: {  	s23 =	simm.s32 $0x0;
	[tilespmem:s24+$0x7800] =	vst v4;
	s24 =	simm.s32 $0x280  }
.LBB2_26:
0x5c: {  	s23 =	sadd.s32 $0x1, s23  }
0x5d: {  	p0 =	sne.s32 s23, $0xA0  }
.Ltmp4:
0x5e: {  	_ = 	snop;
	(pc) =	sbr.rel @!p0 .LBB2_27-.Ltmp4, $1  }
0x5f: {  	_ =	sdelay $0x3  }
.LBB2_4:
0x60: {  	p0 =	sne.s32 s24, $0x1  }
.Ltmp5:
0x61: {  	_ = 	snop;
	(pc) =	sbr.rel @!p0 .LBB2_6-.Ltmp5, $4  }
0x62: {  	_ = 	snop  }
0x63: {  	v6 =	vld [tilespmem:s23+$0xC880]  }
0x64: {  	v4 =	vld [tilespmem:s23+$0xC980];
	s0 =	simm.s32 $0xCB80  }
0x65: {  	v5 =	vld [tilespmem:s23+$0xCA80];
	s1 =	sadd.s32 $0xFFFFFFFF, s24;
	[tilespmem:s0+$0x0] =	vst v1  }
.LBB2_5:
0x66: {  	p0 =	sne.s32 s1, $0x1  }
.Ltmp6:
0x67: {  	_ = 	snop;
	(pc) =	sbr.rel @p0 .LBB2_5-.Ltmp6, $3  }
0x68: {  	_ =	sdelay $0x1  }
0x69: {  	s1 =	sadd.s32 $0xFFFFFFFF, s1;
	s0 =	sadd.s32 $0x10, s0  }
0x6a: {  	[tilespmem:s0+$0x0] =	vst v1  }
.LBB2_6:
0x6b: {  	_ =	sdelay $0x1  }
0x6c: {  	(v2sf) =	vpush v6, $0x0;
	_ =	sdelay $0xe  }
0x6d: {  	s26 =	spop (v2sf)  }
0x6e: {  	s0 =	sadd.f32 $-2.700000110e-01, s26  }
0x6f: {  	s1 =	sadd.f32 $2.700000110e-01, s26  }
0x70: {  	s0 =	smul.f32 $6.400000000e+01, s0  }
0x71: {  	s1 =	smul.f32 $6.400000000e+01, s1  }
0x72: {  	s0 =	smax.f32 s0, $0.0e+00  }
0x73: {  	s1 =	smax.f32 s1, $0.0e+00;
	s0 =	smin.f32 s0, $6.300000000e+01  }
0x74: {  	s1 =	smin.f32 s1, $6.300000000e+01;
	s0 =	scvt.f32.s32 s0  }
0x75: {  	s1 =	scvt.f32.s32 s1  }
0x76: {  	v6 =	vld [tilespmem:s0+$0xC800]  }
0x77: {  	v7 =	vld [tilespmem:s1+$0xC801];
	_ =	sdelay $0x3  }
0x78: {  	(v2sf) =	vpush v6, $0x0  }
0x79: {  	(v2sf) =	vpush v7, $0x0;
	_ =	sdelay $0xd  }
0x7a: {  	s14 =	spop (v2sf)  }
0x7b: {  	s25 =	sshra.s32 s14, $0x1F;
	s24 =	spop (v2sf);
	p0 =	slt.s32 s14, $0x1  }
0x7c: {  	s1 =	sshrl.u32 s25, $0x1C;
	s25 =	sand.u32 $0xF, s14;
	s24 =	sadd.s32 $0xF, s24  }
0x7d: {  	s1 =	sadd.s32 s1, s14;
	p1 =	sne.s32 s25, $0x0;
	s28 =	sand.u32 $0xF, s24  }
0x7e: {  	p6 =	slt.s32 s24, $0x1;
	s30 =	sshra.s32 s24, $0x1F;
	s25 =	simm.s32 $0x1  }
0x7f: {  	p0 =	por !p0, !p1;
	p2 =	sne.s32 s28, $0x0;
	s29 =	sshra.s32 s1, $0x4  }
0x80: {  	s1 =	sshrl.u32 s30, $0x1C;
	p1 =	por !p6, !p2;
	p0 =	por !p0, !p0  }
0x81: {  	s1 =	sadd.s32 s1, s24;
	s24 =	simm.s32 $0x1;
	p1 =	por !p1, !p1  }
0x82: {  	s25 =	simm.s32 @!p0 $0x0;
	s1 =	sshra.s32 s1, $0x4;
	s24 =	simm.s32 @!p1 $0x0  }
0x83: {  	s31 =	ssub.s32 s29, s25;
	s24 =	ssub.s32 s1, s24  }
0x84: {  	p0 =	sge.s32 s31, s24  }
.Ltmp7:
0x85: {  	_ = 	snop;
	(pc) =	sbr.rel @p0 .LBB2_10-.Ltmp7, $2  }
0x86: {  	_ =	sdelay $0x2  }
0x87: {  	s0 =	simm.s32 $0xF  }
0x88: {  	(v2sf) =	vpush v5, $0x0;
	_ =	sdelay $0x1  }
0x89: {  	(v2sf) =	vpush v4, $0x0;
	_ =	sdelay $0xb  }
0x8a: {  	s25 =	sshll.u32 s31, $0x6;
	s30 =	sshrl.u32 s26, $0x10  }
0x8b: {  	s14 =	smul.f32 s26, s26;
	s25 =	sshra.s32 s25, $0x2;
	s0 =	spop (v2sf)  }
0x8c: {  	s30 =	sand.u32 $0x1, s30;
	s2 =	sadd.s32 $0x5000, s25;
	s1 =	sshrl.u32 s0, $0x10  }
0x8d: {  	s30 =	sadd.s32 s30, s26;
	s29 =	spop (v2sf);
	s1 =	sand.u32 $0x1, s1  }
0x8e: {  	v8 =	vld [tilespmem:s25+$0x0];
	s30 =	sadd.s32 $0x7FFF, s30;
	s28 =	sshrl.u32 s29, $0x10;
	s1 =	sadd.s32 s1, s0  }
0x8f: {  	v7 =	vld [tilespmem:s2+$0x0];
	s30 =	sand.u32 $0xFFFF0000, s30;
	s28 =	sand.u32 $0x1, s28;
	s1 =	sadd.s32 $0x7FFF, s1  }
0x90: {  	s26 =	sadd.s32 $0x2800, s25;
	v4 =	vmov s30;
	s28 =	sadd.s32 s28, s29;
	s1 =	sand.u32 $0xFFFF0000, s1  }
0x91: {  	v9 =	vld [tilespmem:s26+$0x0];
	v4 =	vbroadcast v4, $0x0;
	s0 =	smul.f32 s0, s0;
	s28 =	sadd.s32 $0x7FFF, s28;
	v5 =	vmov s1  }
0x92: {  	s1 =	sand.u32 $0xFFFF0000, s28;
	s28 =	sadd.s32 $0x7800, s25;
	v5 =	vbroadcast v5, $0x0  }
0x93: {  	v8 =	vmul.f32 v8, v4;
	s0 =	sadd.f32 s0, s14;
	s14 =	smul.f32 s29, s29;
	v6 =	vmov s1;
	v10 =	vld [tilespmem:s28+$0x0]  }
0x94: {  	v6 =	vbroadcast v6, $0x0;
	v7 =	vmul.f32 v7, v5  }
0x95: {  	s0 =	sadd.f32 s0, s14  }
0x96: {  	v9 =	vmul.f32 v9, v6;
	v8 =	vadd.f32 v7, v8  }
0x97: {  	v7 =	vmov s0  }
0x98: {  	v62 =	vadd.f32 v10, v7;
	v8 =	vadd.f32 v8, v9;
	_ =	sdelay $0x1  }
0x99: {  	v8 =	vsub.f32 v62, v8;
	_ =	sdelay $0x1  }
0x9a: {  	s30 =	sshll.u32 s31, $0x4;
	s31 =	sadd.s32 $0x1, s31;
	vm0 =	vle.f32 v8, $3.999999910e-02  }
0x9b: {  	p0 =	slt.s32 s31, s24;
	v63 =	vsel vm0, $0x1, v2  }
.Ltmp8:
0x9c: {  	(xrf0) =	vadd.scan.msk.s32 $0xffff, v63;
	(pc) =	sbr.rel @!p0 .LBB2_9-.Ltmp8, $4  }
0x9d: {  	_ = 	snop  }
0x9e: {  	s29 =	simm.s32 $0x0  }
0x9f: {  	[tilespmem:s29+$0xCB80] =	vst.msk vm0, v8;
	v8 =	vor.u32 s30, v0  }
0xa0: {  	s0 =	sadd.s32 $0x10, s2;
	[tilespmem:s29+$0xF400] =	vst.msk vm0, v8  }
.LBB2_8:
0xa1: {  	v8 =	vld [tilespmem:s0+$0x0];
	s25 =	sadd.s32 $0x10, s25  }
0xa2: {  	s31 =	sadd.s32 $0x1, s31;
	v9 =	vld [tilespmem:s25+$0x0];
	v10, _, _ =	vpop (xrf0)  }
0xa3: {  	s26 =	sadd.s32 $0x10, s26;
	p0 =	slt.s32 s31, s24;
	(v2sf) =	vpush v10, $0xF  }
0xa4: {  	v10 =	vld [tilespmem:s26+$0x0]  }
0xa5: {  	s28 =	sadd.s32 $0x10, s28  }
0xa6: {  	v11 =	vld [tilespmem:s28+$0x0]  }
0xa7: {  	v8 =	vmul.f32 v8, v5;
	v9 =	vmul.f32 v9, v4;
	_ =	sdelay $0x1  }
0xa8: {  	v8 =	vadd.f32 v8, v9;
	v9 =	vmul.f32 v10, v6;
	_ =	sdelay $0x1  }
0xa9: {  	v8 =	vadd.f32 v8, v9;
	v9 =	vadd.f32 v11, v7;
	_ =	sdelay $0x1  }
0xaa: {  	v8 =	vsub.f32 v9, v8;
	_ =	sdelay $0x1  }
0xab: {  	vm0 =	vle.f32 v8, $3.999999910e-02  }
0xac: {  	v9 =	vsel vm0, $0x1, v2  }
.Ltmp9:
0xad: {  	(xrf0) =	vadd.scan.msk.s32 $0xffff, v9;
	(pc) =	sbr.rel @p0 .LBB2_8-.Ltmp9, $4  }
0xae: {  	s1 =	spop (v2sf)  }
0xaf: {  	s30 =	sadd.s32 $0x10, s30;
	s29 =	sadd.s32 s29, s1  }
0xb0: {  	[tilespmem:s29+$0xCB80] =	vst.msk vm0, v8;
	v8 =	vor.u32 s30, v0  }
0xb1: {  	s0 =	sadd.s32 $0x10, s0;
	[tilespmem:s29+$0xF400] =	vst.msk vm0, v8  }
.LBB2_9:
0xb2: {  	_ = 	snop  }
0xb3: {  	v4, _, _ =	vpop (xrf0)  }
0xb4: {  	(v2sf) =	vpush v4, $0xF;
	_ =	sdelay $0xe  }
0xb5: {  	s0 =	spop (v2sf)  }
0xb6: {  	s0 =	sadd.s32 s29, s0  }
0xb7: {  	s0 =	sadd.s32 $0xF, s0  }
.LBB2_10:
0xb8: {  	s1 =	sand.u32 $0xF, s0  }
0xb9: {  	s2 =	sshra.s32 s0, $0x1F;
	p0 =	slt.s32 s0, $0x1;
	p1 =	sne.s32 s1, $0x0  }
0xba: {  	s29 =	sshrl.u32 s2, $0x1C;
	p0 =	por !p0, !p1  }
0xbb: {  	s1 =	simm.s32 $0x1;
	s30 =	sadd.s32 s29, s0;
	p0 =	por !p0, !p0  }
0xbc: {  	s0 =	sshra.s32 s30, $0x4;
	s1 =	simm.s32 @!p0 $0x0  }
0xbd: {  	s24 =	ssub.s32 s0, s1  }
0xbe: {  	p0 =	sgt.s32 s24, $0x1  }
0xbf: {  	s24 =	simm.s32 @!p0 $0x1  }
0xc0: {  	s31 =	sadd.s32 $0xF, s24  }
0xc1: {  	s26 =	sshrl.u32 s31, $0x4  }
0xc2: {  	s25 =	sshll.u32 s26, $0x6  }
0xc3: {  	s0 =	simm.s32 $0x11C80;
	s1 =	smov.u32 s25  }
.LBB2_11:
0xc4: {  	p0 =	seq.s32 s1, $0x40  }
.Ltmp10:
0xc5: {  	_ = 	snop;
	(pc) =	sbr.rel @!p0 .LBB2_11-.Ltmp10, $2  }
0xc6: {  	_ =	sdelay $0x2  }
0xc7: {  	[tilespmem:s0+$0x0] =	vst v1;
	s0 =	sadd.s32 $0x10, s0;
	s1 =	sadd.s32 $0xFFFFFFC0, s1  }
0xc8: {  	s0 =	simm.s32 $0xCB80  }
0xc9: {  	v4 =	vld [tilespmem:s0+$0x0];
	_ =	sdelay $0x4  }
0xca: {  	(xrf0) =	vmin.scan.msk.f32 $0xffff, v4;
	_ =	sdelay $0x1  }
0xcb: {  	s1 =	simm.s32 $0x0  }
0xcc: {  	s29 =	sand.u32 $0x7FFFFFF0, s1  }
0xcd: {  	p0 =	seq.s32 s24, $0x1;
	v4 =	vld [tilespmem:s29+$0x11C80]  }
.Ltmp11:
0xce: {  	_ = 	snop;
	(pc) =	sbr.rel @p0 .LBB2_14-.Ltmp11, $4  }
0xcf: {  	s1 =	sand.u32 $0xF, s1;
	v5, _, _ =	vpop (xrf0)  }
0xd0: {  	v6 =	vmov s1;
	v5 =	vbroadcast v5, $0xF  }
0xd1: {  	vm0 =	veq.s32 v6, v0  }
0xd2: {  	s28 =	simm.s32 $0x1;
	v4 =	vsel vm0, v5, v4  }
.LBB2_13:
0xd3: {  	[tilespmem:s29+$0x11C80] =	vst v4;
	s0 =	sadd.s32 $0x10, s0;
	s1 =	smov.u32 s28;
	s28 =	sadd.s32 $0x1, s28  }
0xd4: {  	v4 =	vld [tilespmem:s0+$0x0];
	p0 =	seq.s32 s24, s28;
	_ =	sdelay $0x4  }
0xd5: {  	(xrf0) =	vmin.scan.msk.f32 $0xffff, v4;
	_ =	sdelay $0x2  }
0xd6: {  	s29 =	sand.u32 $0x7FFFFFF0, s1  }
0xd7: {  	v4 =	vld [tilespmem:s29+$0x11C80]  }
.Ltmp12:
0xd8: {  	(pc) =	sbr.rel @!p0 .LBB2_13-.Ltmp12, $4  }
0xd9: {  	s1 =	sand.u32 $0xF, s1;
	v5, _, _ =	vpop (xrf0)  }
0xda: {  	v6 =	vmov s1;
	v5 =	vbroadcast v5, $0xF  }
0xdb: {  	vm0 =	veq.s32 v6, v0  }
0xdc: {  	v4 =	vsel vm0, v5, v4  }
.LBB2_14:
.Ltmp13:
0xdd: {  	(pc) =	sbr.rel .LBB2_15-.Ltmp13, $4  }
0xde: {  	s0 =	sshll.u32 s23, $0x7  }
0xdf: {  	s0 =	sand.u32 $0x3FFFFF80, s0  }
0xe0: {  	s0 =	sadd.s32 $0x11F80, s0  }
0xe1: {  	[tilespmem:s29+$0x11C80] =	vst v4;
	s26 =	sshll.u32 s26, $0x4;
	s28 =	simm.s32 $0x0;
	v4 =	vmov s0  }
.LBB2_25:
0xe2: {  	s0 =	sshll.u32 s28, $0x4;
	s28 =	sadd.s32 $0x1, s28  }
0xe3: {  	p0 =	sne.s32 s28, $0x4  }
.Ltmp14:
0xe4: {  	_ = 	snop;
	(pc) =	sbr.rel @!p0 .LBB2_26-.Ltmp14, $3  }
0xe5: {  	_ =	sdelay $0x1  }
0xe6: {  	s0 =	sand.u32 $0x3FFFFFF0, s0  }
0xe7: {  	[tilespmem:v4+s0+$0x0 ss:$0x1] =	vst.idx.msk $0xffff, v5  }
.LBB2_15:
0xe8: {  	v5 =	vimm.s32 $0x0;
	s29 =	simm.s32 $0x0  }
.LBB2_16:
0xe9: {  	p0 =	sne.s32 s25, $0x40  }
.Ltmp15:
0xea: {  	_ = 	snop;
	(pc) =	sbr.rel @!p0 .LBB2_18-.Ltmp15, $3  }
0xeb: {  	_ =	sdelay $0x1  }
0xec: {  	s31 =	simm.s32 $0x11C80  }
0xed: {  	v6 =	vimm.f32 $+Inf;
	s0 =	sadd.s32 $0xFFFFFFC0, s25;
	s1 =	simm.s32 $0x11C80;
	v7 =	vld [tilespmem:s31+$0x0]  }
.LBB2_17:
0xee: {  	p0 =	sne.s32 s0, $0x40  }
.Ltmp16:
0xef: {  	_ = 	snop;
	(pc) =	sbr.rel @p0 .LBB2_17-.Ltmp16, $3  }
0xf0: {  	_ =	sdelay $0x1  }
0xf1: {  	s0 =	sadd.s32 $0xFFFFFFC0, s0;
	s1 =	sadd.s32 $0x10, s1;
	v6 =	vmin.f32 v6, v7  }
0xf2: {  	v7 =	vld [tilespmem:s1+$0x0]  }
.LBB2_18:
0xf3: {  	_ =	sdelay $0x3  }
0xf4: {  	v6 =	vmin.f32 v6, v7  }
0xf5: {  	(xrf0) =	vmin.scan.msk.f32 $0xffff, v6;
	_ =	sdelay $0x5  }
0xf6: {  	v6, _, _ =	vpop (xrf0)  }
0xf7: {  	(v2sf) =	vpush v6, $0xF;
	_ =	sdelay $0x9  }
0xf8: {  	p1 =	sne.s32 s26, $0x10  }
.Ltmp17:
0xf9: {  	_ = 	snop;
	(pc) =	sbr.rel @!p1 .LBB2_19-.Ltmp17, $3  }
0xfa: {  	_ =	sdelay $0x1  }
0xfb: {  	s1 =	simm.s32 $0x0  }
0xfc: {  	s0 =	simm.s32 $0x10;
	v8 =	vld [tilespmem:s31+$0x0];
	p0 =	por $0x0, $0x0;
	v7 =	vimm.s32 $0x290;
	v6 =	vbroadcast v6, $0xF;
	s30 =	spop (v2sf)  }
0xfd: {  	_ = 	snop  }
0xfe: {  	p1 =	sne.s32 s26, $0x20  }
.Ltmp18:
0xff: {  	_ = 	snop;
	(pc) =	sbr.rel @!p1 .LBB2_21-.Ltmp18, $4  }
0x100: {  	_ = 	snop  }
0x101: {  	vm0 =	veq.f32 v8, v6;
	v8 =	vor.u32 s1, v0  }
0x102: {  	s31 =	simm.s32 $0x11C90;
	v10 =	vnsel vm0, $0x290, v8  }
0x103: {  	p0 =	por $0x1, $0x1;
	v9 =	vimm.s32 $0x290;
	s1 =	simm.s32 $0x20;
	v8 =	vld [tilespmem:s31+$0x0];
	vm0 =	vlt.s32 v7, v10  }
.LBB2_22:
0x104: {  	s2 =	smov.u32 s1;
	s1 =	sadd.s32 $0x10, s1  }
0x105: {  	v9 =	vsel vm0, v9, v10;
	p1 =	sne.s32 s26, s1  }
.Ltmp19:
0x106: {  	(pc) =	sbr.rel @p1 .LBB2_22-.Ltmp19, $4  }
0x107: {  	_ = 	snop  }
0x108: {  	v10 =	vor.u32 s0, v0;
	s31 =	sadd.s32 $0x10, s31;
	s0 =	smov.u32 s2;
	vm0 =	veq.f32 v8, v6  }
0x109: {  	v8 =	vld [tilespmem:s31+$0x0];
	v10 =	vnsel vm0, $0x290, v10  }
0x10a: {  	vm0 =	vlt.s32 v9, v10  }
0x10b: {  	s1 =	smov.u32 s0  }
.LBB2_24:
0x10c: {  	_ =	sdelay $0x1  }
0x10d: {  	v9 =	vsel @p0 vm0, v9, v10;
	v62 =	vor.u32 s1, v0;
	vm11 =	veq.f32 v8, v6  }
0x10e: {  	v7 =	vpsel p0, v9, v7;
	v8 =	vnsel vm11, $0x290, v62  }
0x10f: {  	vm0 =	vlt.s32 v7, v8  }
0x110: {  	v7 =	vsel vm0, v7, v8  }
0x111: {  	v7 =	vxor.u32 $0x80000000, v7  }
0x112: {  	(xrf0) =	vmin.scan.msk.u32 $0xffff, v7;
	_ =	sdelay $0x5  }
0x113: {  	v7, _, _ =	vpop (xrf0)  }
0x114: {  	(v2sf) =	vpush v7, $0xF;
	_ =	sdelay $0xe  }
0x115: {  	s0 =	spop (v2sf)  }
0x116: {  	s1 =	sshll.u32 s0, $0x4  }
0x117: {  	v7 =	vld [tilespmem:s1+$0xCB80];
	_ =	sdelay $0x4  }
0x118: {  	vm12 =	veq.f32 v7, v6  }
0x119: {  	v6 =	vnsel vm12, $0x80000010, v3  }
0x11a: {  	(xrf0) =	vmin.scan.msk.u32 $0xffff, v6;
	_ =	sdelay $0x5  }
0x11b: {  	v6, _, _ =	vpop (xrf0)  }
0x11c: {  	(v2sf) =	vpush v6, $0xF;
	_ =	sdelay $0xe  }
0x11d: {  	s2 =	spop (v2sf)  }
0x11e: {  	s14 =	sxor.u32 $0x80000000, s0;
	s2 =	sxor.u32 $0x80000000, s2  }
0x11f: {  	p1 =	sgt.s32 s0, $0xFFFFFFFF;
	s0 =	sand.u32 $0xF, s0;
	p3 =	slt.s32 s14, $0x1;
	v6 =	vmov s2  }
0x120: {  	s31 =	sshra.s32 s14, $0x1F;
	p4 =	sne.s32 s0, $0x0;
	p0 =	por p1, p3;
	vm13 =	veq.s32 v6, v0  }
0x121: {  	p0 =	por !p4, !p0;
	s2 =	sshrl.u32 s31, $0x1C;
	v6 =	vsel vm13, $0x7F800000, v7  }
0x122: {  	p0 =	por !p0, !p0;
	s0 =	sadd.s32 s2, s14;
	s2 =	simm.s32 $0x1;
	(xrf0) =	vmin.scan.msk.f32 $0xffff, v6  }
0x123: {  	s0 =	sshrl.u32 s0, $0x4;
	s2 =	simm.s32 @!p0 $0x0  }
0x124: {  	s0 =	ssub.s32 s0, s2  }
0x125: {  	[tilespmem:s1+$0xCB80] =	vst v6;
	s0 =	sshll.u32 s0, $0x4  }
0x126: {  	v6 =	vld [tilespmem:s0+$0x11C80];
	_ =	sdelay $0x1  }
0x127: {  	s31 =	ssub.s32 s14, s0;
	v7, _, _ =	vpop (xrf0)  }
0x128: {  	v63 =	vmov s31;
	v7 =	vbroadcast v7, $0xF  }
0x129: {  	vm1 =	veq.s32 v63, v0  }
0x12a: {  	v6 =	vsel vm1, v7, v6  }
0x12b: {  	[tilespmem:s0+$0x11C80] =	vst v6  }
0x12c: {  	v6 =	vld [tilespmem:s1+$0xF400];
	_ =	sdelay $0x4  }
0x12d: {  	v6 =	vnsel vm13, $0x0, v6  }
0x12e: {  	(xrf0) =	vadd.scan.msk.s32 $0xffff, v6;
	_ =	sdelay $0x5  }
0x12f: {  	v6, _, _ =	vpop (xrf0)  }
0x130: {  	(v2sf) =	vpush v6, $0xF;
	_ =	sdelay $0xe  }
0x131: {  	s0 =	spop (v2sf)  }
0x132: {  	s2 =	sand.u32 $0xF, s0  }
0x133: {  	s14 =	sshra.s32 s0, $0x1F;
	p5 =	slt.s32 s0, $0x1;
	p6 =	sne.s32 s2, $0x0  }
0x134: {  	s31 =	sshrl.u32 s14, $0x1C;
	p0 =	por !p5, !p6  }
0x135: {  	s2 =	simm.s32 $0x1;
	s1 =	sadd.s32 s31, s0;
	p0 =	por !p0, !p0  }
0x136: {  	s1 =	sshrl.u32 s1, $0x4;
	s2 =	simm.s32 @!p0 $0x0  }
0x137: {  	s1 =	ssub.s32 s1, s2  }
0x138: {  	s1 =	sshll.u32 s1, $0x4  }
0x139: {  	v6 =	vld [tilespmem:s1+$0xA000];
	_ =	sdelay $0x1  }
0x13a: {  	s0 =	ssub.s32 s0, s1  }
0x13b: {  	v7 =	vmov s0  }
0x13c: {  	vm14 =	veq.s32 v7, v0  }
0x13d: {  	v6 =	vnsel vm14, $0x0, v6  }
0x13e: {  	(xrf0) =	vadd.scan.msk.s32 $0xffff, v6;
	_ =	sdelay $0x5  }
0x13f: {  	v6, _, _ =	vpop (xrf0)  }
0x140: {  	(v2sf) =	vpush v6, $0xF;
	_ =	sdelay $0xd  }
0x141: {  	p0 =	sle.f32 s30, $3.999999910e-02  }
0x142: {  	v6 =	vmov s29;
	s29 =	sadd.s32 $0x1, s29;
	s0 =	spop (v2sf)  }
0x143: {  	s0 =	simm.s32 @!p0 $0x2710;
	p0 =	sne.s32 s29, $0x10  }
.Ltmp20:
0x144: {  	_ = 	snop;
	(pc) =	sbr.rel @p0 .LBB2_16-.Ltmp20, $4  }
.Ltmp21:
0x145: {  	_ = 	snop;
	(pc) =	sbr.rel @!p0 .LBB2_25-.Ltmp21, $4  }
0x146: {  	_ = 	snop  }
0x147: {  	vm15 =	veq.s32 v6, v0  }
0x148: {  	v5 =	vsel vm15, s0, v5  }
0x149: {  	_ = 	snop  }
.LBB2_19:
.Ltmp22:
0x14a: {  	(pc) =	sbr.rel .LBB2_24-.Ltmp22, $2  }
0x14b: {  	_ =	sdelay $0x2  }
0x14c: {  	v9 =	vimm.s32 $0x290  }
.LBB2_21:
.Ltmp23:
0x14d: {  	(pc) =	sbr.rel .LBB2_24-.Ltmp23, $2  }
0x14e: {  	_ =	sdelay $0x2  }
0x14f: {  	v9 =	vimm.s32 $0x290;
	s1 =	simm.s32 $0x10  }
.LBB2_28:
0x150: {  	_ =	sfence.sel $0x180000  }
0x151: {  	[bflag:$0x0] =	sbarrier.arrive $0xFFFF  }
0x152: {  	_ =	strace $0x9000004D  }
0x153: {  	s0 =	stileid.u32;
	[bflag:$0x2] =	sbarrier.arrive $0xFFFF  }
0x154: {  	p0 =	sne.s32 s0, $0x0;
	s0 =	rddreg [dreg:$0x2]  }
0x155: {  	s0 =	sadd.s32 @!p0 $0x100000, s0  }
0x156: {  	[sflag:s0] =	ssyncadd.tile.s32 @!p0 $0x1;
	_ =	shalt  }
.Lfunc_end2:
_tile_overlayer_lowered:
.L_overlay_start_2:
0x157: {  	(tag) =	ssettag $0x2  }
0x158: {  	s0 =	rddreg [dreg:$0x0];
	s2 =	stileid.u32  }
0x159: {  	s1 =	rddreg [dreg:$0x1];
	p0 =	sne.s32 s2, $0x0  }
0x15a: {  	s3 =	rddreg [dreg:$0x2];
	[bflag:$0x3] =	sbarrier.arrive $0xFFFF;
	s2 =	simm.s32 @!p0 $0x1C01  }
0x15b: {  	[timem:s3], [sflag:s2] =	dma.local @!p0 [hbm:s0], s1  }
0x15c: {  	s0 =	simm.s32 @!p0 $0x1  }
0x15d: {  	_ =	swait.ge @!p0 [sflag:s0], s1  }
0x15e: {  	s1 =	ssub.s32 @!p0 $0x0, s1;
	[sflag:s0] =	ssyncset.done @!p0 $0x0  }
0x15f: {  	[sflag:s0] =	ssyncadd.s32 @!p0 s1  }
0x160: {  	[bflag:$0x3] =	sbarrier.arrive $0xFFFF  }
0x161: {  	_ =	shalt  }

// kernel: kernel.9.cloned.1.call-start
scs
__scs_entry_jumppad:
0x0: {  	(pc) =	sbr.rel $0x88, $3  }
0x1: {  	(tag) =	ssettag $0x0;
	lr =	simm.s32 $0x1  }
0x2: {  	[smem:$0x3F9C] =	sst lr;
	_ =	strace $0xD0000000  }
0x3: {  	_ = 	snop  }
0x4: {  	_ = 	snop  }
0x5: {  	_ = 	snop  }
0x6: {  	_ = 	snop  }
0x7: {  	_ = 	snop  }
__scs_overlays_trampoline_lowered:
0x8: {  	[smem:$0x3FAB] =	sst s0  }
0x9: {  	[smem:$0x3FAC] =	sst s1  }
0xa: {  	[smem:$0x3FAD] =	sst s2  }
0xb: {  	[smem:$0x3FAE] =	sst s3  }
0xc: {  	[smem:$0x3FAF] =	sst s4  }
0xd: {  	[smem:$0x3FB0] =	sst s5  }
0xe: {  	[smem:$0x3FB1] =	sst s6  }
0xf: {  	[smem:$0x3FB2] =	sst s7  }
0x10: {  	[smem:$0x3FB3] =	sst s8  }
0x11: {  	[smem:$0x3FB4] =	sst s9;
	s0 =	simm.s32 @!p0 $0x0  }
0x12: {  	s1 =	sld [smem:$0x3F9A];
	s0 =	simm.s32 @p0 $0x1  }
0x13: {  	[smem:$0x3FB5] =	sst s0;
	s0 =	simm.s32 @!p1 $0x0  }
0x14: {  	s2 =	sld [smem:$0x3F99];
	s0 =	simm.s32 @p1 $0x1  }
0x15: {  	[smem:$0x3FB6] =	sst s0;
	s0 =	simm.s32 @!p2 $0x0  }
0x16: {  	s3 =	sld [smem:$0x3FDB];
	s0 =	simm.s32 @p2 $0x1  }
0x17: {  	s4 =	simm.s32 $0x1BF5;
	[smem:$0x3FB8] =	sst s0  }
0x18: {  	s0 =	sld [smem:$0x3F9B];
	_ =	swait.ge [sflag:s4], $0x0  }
0x19: {  	s7 =	sld [smem:$0x3F9C]  }
0x1a: {  	s8 =	sadd.s32 $0xFFFFE003, lr  }
0x1b: {  	s9 =	sadd.s32 $0xFFFFFEF7, lr;
	s5 =	simm.s32 $0xFFFFFFFF;
	p2 =	slt.u32 s8, $0xFFFFF086  }
0x1c: {  	p1 =	slt.u32 s9, $0xF7A;
	s5 =	simm.s32 @!p2 $0x0  }
0x1d: {  	s5 =	simm.s32 @p1 $0x1;
	p0 =	seq.s32 s7, s2  }
0x1e: {  	s7 =	smul.u32 @!p0 $0xF7A, s2;
	p2 =	seq.s32 @!p0 s5, $0x0  }
0x1f: {  	s9 =	smul.u32 $0xF7A, s1;
	s8 =	simm.s32 @!p0 $0x1BF5;
	p2 =	por !p2, p0  }
0x20: {  	[sflag:s8] =	ssyncset.s32 @!p0 $0xFFFFF086;
	s6 =	sadd.s32 @!p0 s3, s7;
	s7 =	simm.s32 @!p0 $0x108  }
0x21: {  	s3 =	sadd.s32 s3, s9;
	s6 =	sadd.s32 @!p0 $0x88, s6;
	s7 =	simm.s32 @p2 $0x1082  }
0x22: {  	[simem:s7], [sflag:s8] =	dma.local @!p0 [hbm:s6], $0xF7A  }
0x23: {  	s9 =	sor.u32 $0xD0000000, s2;
	s6 =	simm.s32 $0x108;
	_ =	swait.ge @!p0 [sflag:s8], $0x0  }
0x24: {  	s3 =	sadd.s32 $0x88, s3;
	s6 =	simm.s32 @!p1 $0x1082;
	[sflag:s4] =	ssyncset.s32 $0xFFFFF086  }
0x25: {  	[simem:s6], [sflag:s4] =	dma.local [hbm:s3], $0xF7A  }
0x26: {  	[smem:$0x3F9C] =	sst s1;
	(tag) =	ssettag s2;
	_ =	strace s9  }
0x27: {  	s1 =	sld [smem:$0x3FAC]  }
0x28: {  	s2 =	sld [smem:$0x3FAD]  }
0x29: {  	s4 =	sld [smem:$0x3FAF]  }
0x2a: {  	p0 =	seq.s32 s5, $0x0;
	s5 =	sld [smem:$0x3FB0]  }
0x2b: {  	s6 =	sld [smem:$0x3FB1]  }
0x2c: {  	s7 =	sld [smem:$0x3FB2]  }
0x2d: {  	s3 =	simm.s32 $0x108;
	s8 =	sld [smem:$0x3FB3]  }
0x2e: {  	s3 =	simm.s32 @!p0 $0x1082;
	s9 =	sld [smem:$0x3FB4]  }
0x2f: {  	lr =	sadd.s32 s0, s3;
	s0 =	sld [smem:$0x3FAB]  }
0x30: {  	s3 =	sld [smem:$0x3FAE]  }
0x31: {  	[smem:$0x3FB7] =	sst s10  }
0x32: {  	s10 =	sld [smem:$0x3FB5];
	_ =	sdelay $0x3  }
0x33: {  	p0 =	seq.s32 s10, $0x1;
	s10 =	sld [smem:$0x3FB7];
	_ =	sdelay $0x3  }
0x34: {  	[smem:$0x3FB7] =	sst s10  }
0x35: {  	s10 =	sld [smem:$0x3FB6];
	_ =	sdelay $0x3  }
0x36: {  	p1 =	seq.s32 s10, $0x1;
	s10 =	sld [smem:$0x3FB7];
	_ =	sdelay $0x3  }
0x37: {  	[smem:$0x3FB7] =	sst s10  }
0x38: {  	s10 =	sld [smem:$0x3FB8]  }
0x39: {  	_ = 	snop;
	(pc) =	sbr.ind lr, $3  }
0x3a: {  	_ = 	snop  }
0x3b: {  	_ = 	snop  }
0x3c: {  	p2 =	seq.s32 s10, $0x1;
	s10 =	sld [smem:$0x3FB7]  }
0x3d: {  	_ =	shalt  }
0x3e: {  	_ =	shalt  }
0x3f: {  	_ =	shalt  }
0x40: {  	_ =	shalt  }
0x41: {  	_ =	shalt  }
0x42: {  	_ =	shalt  }
0x43: {  	_ =	shalt  }
0x44: {  	_ =	shalt  }
0x45: {  	_ =	shalt  }
0x46: {  	_ =	shalt  }
0x47: {  	_ =	shalt  }
0x48: {  	_ =	shalt  }
0x49: {  	_ =	shalt  }
0x4a: {  	_ =	shalt  }
0x4b: {  	_ =	shalt  }
0x4c: {  	_ =	shalt  }
0x4d: {  	_ =	shalt  }
0x4e: {  	_ =	shalt  }
0x4f: {  	_ =	shalt  }
0x50: {  	_ =	shalt  }
0x51: {  	_ =	shalt  }
0x52: {  	_ =	shalt  }
0x53: {  	_ =	shalt  }
0x54: {  	_ =	shalt  }
0x55: {  	_ =	shalt  }
0x56: {  	_ =	shalt  }
0x57: {  	_ =	shalt  }
0x58: {  	_ =	shalt  }
0x59: {  	_ =	shalt  }
0x5a: {  	_ =	shalt  }
0x5b: {  	_ =	shalt  }
0x5c: {  	_ =	shalt  }
0x5d: {  	_ =	shalt  }
0x5e: {  	_ =	shalt  }
0x5f: {  	_ =	shalt  }
0x60: {  	_ =	shalt  }
0x61: {  	_ =	shalt  }
0x62: {  	_ =	shalt  }
0x63: {  	_ =	shalt  }
0x64: {  	_ =	shalt  }
0x65: {  	_ =	shalt  }
0x66: {  	_ =	shalt  }
0x67: {  	_ =	shalt  }
0x68: {  	_ =	shalt  }
0x69: {  	_ =	shalt  }
0x6a: {  	_ =	shalt  }
0x6b: {  	_ =	shalt  }
0x6c: {  	_ =	shalt  }
0x6d: {  	_ =	shalt  }
0x6e: {  	_ =	shalt  }
0x6f: {  	_ =	shalt  }
0x70: {  	_ =	shalt  }
0x71: {  	_ =	shalt  }
0x72: {  	_ =	shalt  }
0x73: {  	_ =	shalt  }
0x74: {  	_ =	shalt  }
0x75: {  	_ =	shalt  }
0x76: {  	_ =	shalt  }
0x77: {  	_ =	shalt  }
0x78: {  	_ =	shalt  }
0x79: {  	_ =	shalt  }
0x7a: {  	_ =	shalt  }
0x7b: {  	_ =	shalt  }
0x7c: {  	_ =	shalt  }
0x7d: {  	_ =	shalt  }
0x7e: {  	_ =	shalt  }
0x7f: {  	_ =	shalt  }
0x80: {  	_ =	shalt  }
0x81: {  	_ =	shalt  }
0x82: {  	_ =	shalt  }
0x83: {  	_ =	shalt  }
0x84: {  	_ =	shalt  }
0x85: {  	_ =	shalt  }
0x86: {  	_ =	shalt  }
0x87: {  	_ =	shalt  }
.Lfunc_end0:
.L_simem_size_0:
called_computation.4_lowered:
.L_overlay_start_0:
0x88: {  	s2 =	sld [smem:$0x3FD9]  }
0x89: {  	s3 =	sld [smem:$0x3FFE];
	_ =	sdelay $0x1  }
0x8a: {  	s1 =	srdreg.scid  }
0x8b: {  	s0 =	sand.u32 $0x1, s1  }
0x8c: {  	s16 =	sshll.u32 s0, $0xA;
	s2 =	sadd.s32 s3, s2  }
0x8d: {  	s2 =	sadd.s32 s2, s16  }
0x8e: {  	[smem:$0x3FC3] =	sst s2  }
0x8f: {  	_ = 	snop  }
0x90: {  	(tm) =	ssettm $0x1  }
0x91: {  	s17 =	sld [smem:$0x3FFB];
	_ =	sdelay $0x3  }
0x92: {  	_ =	strace s17  }
0x93: {  	s2 =	sld [smem:$0x3FFC];
	_ =	sdelay $0x3  }
0x94: {  	_ =	strace s2  }
0x95: {  	s2 =	sld [smem:$0x3FFD];
	_ =	sdelay $0x3  }
0x96: {  	_ =	strace s2  }
0x97: {  	_ =	strace $0x8FFFFFFF  }
0x98: {  	s18 =	sld [smem:$0x3FDB];
	_ =	sdelay $0x1  }
0x99: {  	s19 =	simm.s32 $_scs_section_size  }
0x9a: {  	s4 =	simm.s32 $_size__tile_overlayer_lowered;
	s5 =	simm.s32 $_tile_overlayer_lowered  }
0x9b: {  	s22 =	simm.s32 $0x1BFF;
	s21 =	sshll.u32 s5, $0x1;
	s2 =	sadd.s32 s19, s18  }
0x9c: {  	s6 =	simm.s32 $0x0;
	s20 =	sshll.u32 s4, $0x1;
	s4 =	sadd.s32 s21, s2  }
0x9d: {  	[timem:s6], [sflag:s22] =	dma.local [hbm:s4], s20  }
0x9e: {  	_ =	swait.ge [sflag:s22], s20  }
0x9f: {  	s3 =	ssub.s32 $0x0, s20;
	[sflag:s22] =	ssyncset.done $0x0  }
0xa0: {  	[sflag:s22] =	ssyncadd.s32 s3;
	_ =	sdelay $0x1  }
0xa1: {  	s23 =	simm.s32 $0x1B8B  }
0xa2: {  	_ =	swait.ge [sflag:s23], $0x1  }
0xa3: {  	[sflag:s23] =	ssyncset.done $0x0  }
0xa4: {  	s25 =	simm.s32 $0x1B8E;
	s24 =	sld [smem:$0x3FFE];
	[sflag:s23] =	ssyncadd.s32 $0xFFFFFFFF  }
0xa5: {  	s26 =	simm.s32 $execute0_lowered;
	[smem:$0x3FD2] =	sst s25  }
0xa6: {  	s4 =	sshll.u32 s26, $0x1;
	_ =	strace $0x8000004F;
	[dreg:$0x1] =	wrdreg $0xFFFFFFFF  }
0xa7: {  	s28 =	simm.s32 $_size_execute0_lowered;
	s2 =	sadd.s32 s2, s4;
	[dreg:$0x0] =	wrdreg $0x0  }
0xa8: {  	s4 =	sshll.u32 s28, $0x1;
	[dreg:$0x2] =	wrdreg s2  }
0xa9: {  	[dreg:$0x3] =	wrdreg s4  }
0xaa: {  	[dreg:$0x4] =	wrdreg $0xC0  }
0xab: {  	_ =	task [dreg:s6], $0x5FFFF  }
0xac: {  	[dreg:$0x1] =	wrdreg $0xFFFFFFFF  }
0xad: {  	[dreg:$0x0] =	wrdreg $0x60  }
0xae: {  	[dreg:$0x2] =	wrdreg s24  }
0xaf: {  	[dreg:$0x3] =	wrdreg $0xA  }
0xb0: {  	_ =	task.clear_ibuf [dreg:s6], $0x4FFFF;
	_ =	strace $0x9000004F  }
0xb1: {  	s29 =	simm.s32 $0xA;
	_ =	strace $0x80000051  }
0xb2: {  	_ =	swait.ge [sflag:s29], $0x1  }
0xb3: {  	[sflag:s29] =	ssyncadd.s32 $0xFFFFFFFF  }
0xb4: {  	_ =	strace $0x90000051  }
0xb5: {  	_ =	sfence  }
0xb6: {  	s30 =	sld [smem:$0x0];
	_ =	sdelay $0x2  }
0xb7: {  	s31 =	sshll.u32 s1, $0xD;
	s1 =	sshrl.u32 s1, $0x2  }
0xb8: {  	s3 =	sand.u32 $0x4000, s31;
	s1 =	sadd.s32 s1, s30  }
0xb9: {  	s0 =	sor.u32 s3, s0;
	s1 =	sshll.u32 s1, $0x11  }
0xba: {  	s0 =	sor.u32 s1, s0  }
0xbb: {  	s0 =	sadd.s32 $0x8F2B, s0  }
0xbc: {  	[sflag:s0] =	ssyncadd.remote.s32 $0x1  }
0xbd: {  	_ =	sfence.sel $0xFFFF  }
0xbe: {  	[dreg:$0x0] =	wrdreg $0xFFFFFFFF;
	(pc) =	sbr.abs _section_cstart, $3  }
0xbf: {  	[dreg:$0x1] =	wrdreg $0xFFFFFFFF  }
0xc0: {  	_ =	task.clear_ibuf [dreg:s6], $0x2FFFF;
	_ =	strace $0x9FFFFFFF  }
0xc1: {  	(tm) =	ssettm $0x7FFFFFFF  }
tec
execute0_lowered:
.L_overlay_start_1:
0x0: {  	(tag) =	ssettag $0x1  }
0x1: {  	s1 =	srdreg.scid  }
0x2: {  	s0 =	stileid.u32;
	s5 =	rddreg [dreg:$0x0];
	s2 =	simm.s32 $0x0  }
0x3: {  	s11 =	simm.s32 $0x3;
	s12 =	simm.s32 $0x5000;
	s13 =	simm.s32 $0x5100  }
0x4: {  	s14 =	simm.s32 $0x5200;
	s15 =	simm.s32 $0x5300;
	s16 =	simm.s32 $0x40  }
0x5: {  	s17 =	simm.s32 $0x5480;
	s18 =	simm.s32 $0x7480;
	s19 =	simm.s32 $0x1  }
0x6: {  	s20 =	simm.s32 $0x2;
	s4 =	sand.u32 $0x1, s1;
	s3 =	sshll.u32 s0, $0x1  }
0x7: {  	s21 =	simm.s32 $0x9480;
	s22 =	simm.s32 $0x0;
	s3 =	sor.u32 s4, s3  }
0x8: {  	s30 =	simm.s32 $0x0;
	s1 =	rddreg [dreg:$0x1];
	s6 =	smul.u32 $0x14, s3  }
0x9: {  	[smem:$0x7FF] =	sst s2;
	s31 =	ssub.s32 $0x2, s4;
	s7 =	smul.u32 $0xA00, s3  }
0xa: {  	s4 =	sadd.s32 $0x3CA00, s5;
	s3 =	sadd.s32 $0x4FA00, s5;
	s8 =	sshrl.u32 s31, $0x1  }
0xb: {  	s10 =	ssub.s32 s31, s8;
	s9 =	sadd.s32 s6, s5;
	s5 =	sadd.s32 s5, s7  }
0xc: {  	_ =	strace $0x80000050;
	s10 =	smax.u32 s10, $0x1;
	s6 =	sadd.s32 $0x28A00, s5  }
0xd: {  	s7 =	sadd.s32 $0x4F600, s9;
	s8 =	sadd.s32 $0x4F200, s9;
	s9 =	sadd.s32 $0x4EE00, s9  }
.LBB2_1:
0xe: {  	[tilespmem:s2], [sflag:$0x3] =	stream.linear.gather [hbm4b:s6+s2], $0x5000, $0x38;
	[tilespmem:$0xE480] =	vst v63  }
0xf: {  	_ =	swait.ge [sflag:s11], $0x5000  }
0x10: {  	[sflag:s11] =	ssyncset.done $0x0  }
0x11: {  	[sflag:s11] =	ssyncadd.s32 $0xFFFFB000  }
0x12: {  	[tilespmem:s12], [sflag:$0x3] =	stream.linear.gather [hbm4b:s7+s2], $0xA0, $0x38;
	[tilespmem:$0xE480] =	vst v63  }
0x13: {  	_ =	swait.ge [sflag:s11], $0xA0  }
0x14: {  	[sflag:s11] =	ssyncset.done $0x0  }
0x15: {  	[sflag:s11] =	ssyncadd.s32 $0xFFFFFF60  }
0x16: {  	[tilespmem:s13], [sflag:$0x3] =	stream.linear.gather [hbm4b:s8+s2], $0xA0, $0x38;
	[tilespmem:$0xE480] =	vst v63  }
0x17: {  	_ =	swait.ge [sflag:s11], $0xA0  }
0x18: {  	[sflag:s11] =	ssyncset.done $0x0  }
0x19: {  	[sflag:s11] =	ssyncadd.s32 $0xFFFFFF60  }
0x1a: {  	[tilespmem:s14], [sflag:$0x3] =	stream.linear.gather [hbm4b:s9+s2], $0xA0, $0x38;
	[tilespmem:$0xE480] =	vst v63  }
0x1b: {  	_ =	swait.ge [sflag:s11], $0xA0  }
0x1c: {  	[sflag:s11] =	ssyncset.done $0x0  }
0x1d: {  	[sflag:s11] =	ssyncadd.s32 $0xFFFFFF60  }
0x1e: {  	[tilespmem:s15], [sflag:$0x3] =	stream.linear.gather [hbm4b:s4+s2], $0x180, $0x38;
	[tilespmem:$0xE480] =	vst v63  }
0x1f: {  	_ =	swait.ge [sflag:s11], $0x180  }
0x20: {  	[sflag:s11] =	ssyncset.done $0x0  }
0x21: {  	s23 =	simm.s32 $0x0;
	[sflag:s11] =	ssyncadd.s32 $0xFFFFFE80  }
.LBB2_2:
0x22: {  	s24 =	sshll.u32 s23, $0x8  }
0x23: {  	[tilespmem:s17], [sflag:$0x1] =	stream.indirect.gather [hbm4b:s3+s16], $0x80, s24, s16, $0xb8;
	[tilespmem:$0xE480] =	vst v63  }
0x24: {  	s25 =	sor.u32 $0x80, s24  }
0x25: {  	[tilespmem:s18], [sflag:$0x2] =	stream.indirect.gather [hbm4b:s3+s16], $0x80, s25, s16, $0xb8;
	[tilespmem:$0xE480] =	vst v63  }
0x26: {  	_ =	swait.ge [sflag:s19], $0x2000  }
0x27: {  	[sflag:s19] =	ssyncset.done $0x0  }
0x28: {  	s26 =	sshll.u32 s23, $0x1;
	[sflag:s19] =	ssyncadd.s32 $0xFFFFE000  }
0x29: {  	v14 =	vld [tilespmem:s26+$0x5000]  }
0x2a: {  	v13 =	vld [tilespmem:s26+$0x5100]  }
0x2b: {  	v0 =	vld [tilespmem:s30+$0x54F0]  }
0x2c: {  	v1 =	vld [tilespmem:s30+$0x5480]  }
0x2d: {  	v2 =	vld [tilespmem:s30+$0x5490]  }
0x2e: {  	v15 =	vld [tilespmem:s26+$0x5200]  }
0x2f: {  	v10 =	vld [tilespmem:s30+$0x54A0]  }
0x30: {  	v8 =	vld [tilespmem:s30+$0x54B0]  }
0x31: {  	v9 =	vimm.f32 $-1.000000020e+30;
	v7 =	vimm.f32 $-1.000000020e+30;
	v5 =	vld [tilespmem:s30+$0x54C0]  }
0x32: {  	v6 =	vimm.f32 $-1.000000020e+30;
	v3 =	vimm.f32 $-1.000000020e+30;
	v4 =	vld [tilespmem:s30+$0x54D0];
	v0 =	vmax.f32 v9, v0  }
0x33: {  	s28 =	simm.s32 $0x80;
	s29 =	simm.s32 $0x400;
	v12 =	vmax.f32 v9, v1;
	v11 =	vmax.f32 v9, v2;
	v2 =	vld [tilespmem:s30+$0x54E0];
	v1 =	vimm.f32 $-1.000000020e+30  }
.LBB2_3:
0x34: {  	p0 =	sne.s32 s29, $0x7E00;
	v16 =	vld [tilespmem:s28+$0x54F0];
	v9 =	vmax.f32 v9, v10  }
0x35: {  	v17 =	vld [tilespmem:s28+$0x5480];
	v7 =	vmax.f32 v7, v8  }
0x36: {  	v18 =	vld [tilespmem:s28+$0x5490];
	v6 =	vmax.f32 v6, v5  }
.Ltmp0:
0x37: {  	v10 =	vld [tilespmem:s28+$0x54A0];
	v3 =	vmax.f32 v3, v4;
	(pc) =	sbr.rel @p0 .LBB2_3-.Ltmp0, $4  }
0x38: {  	v8 =	vld [tilespmem:s28+$0x54B0];
	v1 =	vmax.f32 v1, v2  }
0x39: {  	v5 =	vld [tilespmem:s28+$0x54C0];
	v0 =	vmax.f32 v0, v16  }
0x3a: {  	v12 =	vmax.f32 v12, v17;
	v4 =	vld [tilespmem:s28+$0x54D0]  }
0x3b: {  	v11 =	vmax.f32 v11, v18;
	v2 =	vld [tilespmem:s28+$0x54E0];
	s28 =	sshra.s32 s29, $0x2;
	s29 =	sadd.s32 $0x200, s29  }
0x3c: {  	v16 =	vld [tilespmem:$0x5300]  }
0x3d: {  	v17 =	vld [tilespmem:$0x5380];
	_ =	sdelay $0x1  }
0x3e: {  	v18 =	vld [tilespmem:$0x5400]  }
0x3f: {  	v14 =	vbroadcast v14, $0x0;
	v13 =	vbroadcast v13, $0x0  }
0x40: {  	v15 =	vbroadcast v15, $0x0  }
0x41: {  	v19 =	vld [tilespmem:s28+$0x5480];
	v16 =	vmul.f32 v16, v14;
	v17 =	vmul.f32 v17, v13;
	_ =	sdelay $0x1  }
0x42: {  	v16 =	vadd.f32 v17, v16;
	v17 =	vmul.f32 v18, v15  }
0x43: {  	v20 =	vld [tilespmem:s28+$0x54F0]  }
0x44: {  	v60 =	vld [tilespmem:s28+$0x5490];
	v16 =	vadd.f32 v17, v16  }
0x45: {  	v21 =	vld [tilespmem:s28+$0x54A0];
	v12 =	vmax.f32 v12, v19  }
0x46: {  	v61 =	vld [tilespmem:s28+$0x54C0];
	v12 =	vsub.f32 v12, v16  }
0x47: {  	v22 =	vld [tilespmem:s28+$0x54E0]  }
0x48: {  	v17 =	vld [tilespmem:s28+$0x54B0];
	v12 =	vmax.f32 v12, $0.0e+00  }
0x49: {  	v16 =	vld [tilespmem:s28+$0x54D0];
	[tilespmem:s24+$0x9480] =	vst v12  }
0x4a: {  	v12 =	vld [tilespmem:$0x5310]  }
0x4b: {  	v23 =	vld [tilespmem:$0x5390];
	_ =	sdelay $0x1  }
0x4c: {  	v24 =	vld [tilespmem:$0x5410];
	_ =	sdelay $0x2  }
0x4d: {  	v12 =	vmul.f32 v12, v14;
	v23 =	vmul.f32 v23, v13;
	_ =	sdelay $0x1  }
0x4e: {  	v62 =	vmul.f32 v24, v15;
	v12 =	vadd.f32 v23, v12;
	_ =	sdelay $0x1  }
0x4f: {  	v12 =	vadd.f32 v62, v12  }
0x50: {  	v11 =	vmax.f32 v11, v60  }
0x51: {  	v11 =	vsub.f32 v11, v12;
	_ =	sdelay $0x1  }
0x52: {  	v11 =	vmax.f32 v11, $0.0e+00  }
0x53: {  	[tilespmem:s24+$0x9490] =	vst v11  }
0x54: {  	v11 =	vld [tilespmem:$0x5320]  }
0x55: {  	v12 =	vld [tilespmem:$0x53A0];
	_ =	sdelay $0x1  }
0x56: {  	v63 =	vld [tilespmem:$0x5420];
	_ =	sdelay $0x2  }
0x57: {  	v11 =	vmul.f32 v11, v14;
	v12 =	vmul.f32 v12, v13;
	_ =	sdelay $0x1  }
0x58: {  	v11 =	vadd.f32 v12, v11;
	v12 =	vmul.f32 v63, v15;
	_ =	sdelay $0x1  }
0x59: {  	v9 =	vmax.f32 v9, v10;
	v10 =	vadd.f32 v12, v11  }
0x5a: {  	v9 =	vmax.f32 v9, v21  }
0x5b: {  	v9 =	vsub.f32 v9, v10;
	_ =	sdelay $0x1  }
0x5c: {  	v9 =	vmax.f32 v9, $0.0e+00  }
0x5d: {  	[tilespmem:s24+$0x94A0] =	vst v9  }
0x5e: {  	v9 =	vld [tilespmem:$0x5330]  }
0x5f: {  	v10 =	vld [tilespmem:$0x53B0];
	_ =	sdelay $0x1  }
0x60: {  	v11 =	vld [tilespmem:$0x5430];
	_ =	sdelay $0x2  }
0x61: {  	v9 =	vmul.f32 v9, v14;
	v10 =	vmul.f32 v10, v13;
	_ =	sdelay $0x1  }
0x62: {  	v9 =	vadd.f32 v10, v9;
	v10 =	vmul.f32 v11, v15;
	_ =	sdelay $0x1  }
0x63: {  	v7 =	vmax.f32 v7, v8;
	v8 =	vadd.f32 v10, v9  }
0x64: {  	v7 =	vmax.f32 v7, v17  }
0x65: {  	v7 =	vsub.f32 v7, v8;
	_ =	sdelay $0x1  }
0x66: {  	v7 =	vmax.f32 v7, $0.0e+00  }
0x67: {  	[tilespmem:s24+$0x94B0] =	vst v7  }
0x68: {  	v7 =	vld [tilespmem:$0x5340]  }
0x69: {  	v8 =	vld [tilespmem:$0x53C0];
	_ =	sdelay $0x1  }
0x6a: {  	v9 =	vld [tilespmem:$0x5440];
	_ =	sdelay $0x2  }
0x6b: {  	v7 =	vmul.f32 v7, v14;
	v8 =	vmul.f32 v8, v13;
	_ =	sdelay $0x1  }
0x6c: {  	v7 =	vadd.f32 v8, v7;
	v8 =	vmul.f32 v9, v15;
	_ =	sdelay $0x1  }
0x6d: {  	v5 =	vmax.f32 v6, v5;
	v6 =	vadd.f32 v8, v7  }
0x6e: {  	v5 =	vmax.f32 v5, v61  }
0x6f: {  	v5 =	vsub.f32 v5, v6;
	_ =	sdelay $0x1  }
0x70: {  	v5 =	vmax.f32 v5, $0.0e+00  }
0x71: {  	[tilespmem:s24+$0x94C0] =	vst v5  }
0x72: {  	v5 =	vld [tilespmem:$0x5350]  }
0x73: {  	v6 =	vld [tilespmem:$0x53D0];
	_ =	sdelay $0x1  }
0x74: {  	v7 =	vld [tilespmem:$0x5450];
	_ =	sdelay $0x2  }
0x75: {  	v5 =	vmul.f32 v5, v14;
	v6 =	vmul.f32 v6, v13;
	_ =	sdelay $0x1  }
0x76: {  	v5 =	vadd.f32 v6, v5;
	v6 =	vmul.f32 v7, v15;
	_ =	sdelay $0x1  }
0x77: {  	v3 =	vmax.f32 v3, v4;
	v4 =	vadd.f32 v6, v5  }
0x78: {  	v3 =	vmax.f32 v3, v16  }
0x79: {  	v3 =	vsub.f32 v3, v4;
	_ =	sdelay $0x1  }
0x7a: {  	v3 =	vmax.f32 v3, $0.0e+00  }
0x7b: {  	[tilespmem:s24+$0x94D0] =	vst v3  }
0x7c: {  	v3 =	vld [tilespmem:$0x5360]  }
0x7d: {  	v4 =	vld [tilespmem:$0x53E0];
	_ =	sdelay $0x1  }
0x7e: {  	v5 =	vld [tilespmem:$0x5460];
	_ =	sdelay $0x2  }
0x7f: {  	v3 =	vmul.f32 v3, v14;
	v4 =	vmul.f32 v4, v13;
	_ =	sdelay $0x1  }
0x80: {  	v3 =	vadd.f32 v4, v3;
	v4 =	vmul.f32 v5, v15;
	_ =	sdelay $0x1  }
0x81: {  	v1 =	vmax.f32 v1, v2;
	v2 =	vadd.f32 v4, v3  }
0x82: {  	v1 =	vmax.f32 v1, v22  }
0x83: {  	v1 =	vsub.f32 v1, v2;
	_ =	sdelay $0x1  }
0x84: {  	v1 =	vmax.f32 v1, $0.0e+00  }
0x85: {  	[tilespmem:s24+$0x94E0] =	vst v1  }
0x86: {  	v1 =	vld [tilespmem:$0x5370]  }
0x87: {  	v2 =	vld [tilespmem:$0x53F0];
	_ =	sdelay $0x1  }
0x88: {  	v3 =	vld [tilespmem:$0x5470];
	_ =	sdelay $0x2  }
0x89: {  	v1 =	vmul.f32 v1, v14;
	v2 =	vmul.f32 v2, v13;
	_ =	sdelay $0x1  }
0x8a: {  	v1 =	vadd.f32 v2, v1;
	v2 =	vmul.f32 v3, v15;
	_ =	sdelay $0x1  }
0x8b: {  	v1 =	vadd.f32 v2, v1  }
0x8c: {  	v0 =	vmax.f32 v0, v20  }
0x8d: {  	v0 =	vsub.f32 v0, v1;
	_ =	sdelay $0x1  }
0x8e: {  	v0 =	vmax.f32 v0, $0.0e+00  }
0x8f: {  	[tilespmem:s24+$0x94F0] =	vst v0  }
0x90: {  	_ =	swait.ge [sflag:s20], $0x2000  }
0x91: {  	[sflag:s20] =	ssyncset.done $0x0  }
0x92: {  	[sflag:s20] =	ssyncadd.s32 $0xFFFFE000  }
0x93: {  	v14 =	vld [tilespmem:s26+$0x5001]  }
0x94: {  	s29 =	simm.s32 $0x0;
	v13 =	vld [tilespmem:s26+$0x5101]  }
0x95: {  	v0 =	vld [tilespmem:s29+$0x74F0]  }
0x96: {  	v1 =	vld [tilespmem:s29+$0x7480]  }
0x97: {  	v2 =	vld [tilespmem:s29+$0x7490]  }
0x98: {  	v15 =	vld [tilespmem:s26+$0x5201]  }
0x99: {  	v10 =	vld [tilespmem:s29+$0x74A0]  }
0x9a: {  	v8 =	vld [tilespmem:s29+$0x74B0]  }
0x9b: {  	v9 =	vimm.f32 $-1.000000020e+30;
	v7 =	vimm.f32 $-1.000000020e+30;
	v5 =	vld [tilespmem:s29+$0x74C0]  }
0x9c: {  	v6 =	vimm.f32 $-1.000000020e+30;
	v3 =	vimm.f32 $-1.000000020e+30;
	v4 =	vld [tilespmem:s29+$0x74D0];
	v0 =	vmax.f32 v9, v0  }
0x9d: {  	s28 =	simm.s32 $0x400;
	s26 =	simm.s32 $0x80;
	v12 =	vmax.f32 v9, v1;
	v11 =	vmax.f32 v9, v2;
	v2 =	vld [tilespmem:s29+$0x74E0];
	v1 =	vimm.f32 $-1.000000020e+30  }
.LBB2_5:
0x9e: {  	p0 =	sne.s32 s28, $0x7E00;
	v16 =	vld [tilespmem:s26+$0x74F0];
	v9 =	vmax.f32 v9, v10  }
0x9f: {  	v17 =	vld [tilespmem:s26+$0x7480];
	v7 =	vmax.f32 v7, v8  }
0xa0: {  	v18 =	vld [tilespmem:s26+$0x7490];
	v6 =	vmax.f32 v6, v5  }
.Ltmp1:
0xa1: {  	v10 =	vld [tilespmem:s26+$0x74A0];
	v3 =	vmax.f32 v3, v4;
	(pc) =	sbr.rel @p0 .LBB2_5-.Ltmp1, $4  }
0xa2: {  	v8 =	vld [tilespmem:s26+$0x74B0];
	v1 =	vmax.f32 v1, v2  }
0xa3: {  	v5 =	vld [tilespmem:s26+$0x74C0];
	v0 =	vmax.f32 v0, v16  }
0xa4: {  	v12 =	vmax.f32 v12, v17;
	v4 =	vld [tilespmem:s26+$0x74D0]  }
0xa5: {  	v11 =	vmax.f32 v11, v18;
	v2 =	vld [tilespmem:s26+$0x74E0];
	s26 =	sshra.s32 s28, $0x2;
	s28 =	sadd.s32 $0x200, s28  }
0xa6: {  	v16 =	vld [tilespmem:$0x5300]  }
0xa7: {  	v17 =	vld [tilespmem:$0x5380];
	_ =	sdelay $0x1  }
0xa8: {  	v18 =	vld [tilespmem:$0x5400]  }
0xa9: {  	v14 =	vbroadcast v14, $0x0;
	v13 =	vbroadcast v13, $0x0  }
0xaa: {  	v15 =	vbroadcast v15, $0x0  }
0xab: {  	v19 =	vld [tilespmem:s26+$0x7480];
	v16 =	vmul.f32 v16, v14;
	v17 =	vmul.f32 v17, v13;
	_ =	sdelay $0x1  }
0xac: {  	v35 =	vmul.f32 v18, v15;
	v16 =	vadd.f32 v17, v16  }
0xad: {  	v20 =	vld [tilespmem:s26+$0x74F0]  }
0xae: {  	v36 =	vld [tilespmem:s26+$0x7490];
	v16 =	vadd.f32 v35, v16  }
0xaf: {  	v21 =	vld [tilespmem:s26+$0x74A0];
	v12 =	vmax.f32 v12, v19  }
0xb0: {  	v37 =	vld [tilespmem:s26+$0x74B0];
	v12 =	vsub.f32 v12, v16  }
0xb1: {  	v38 =	vld [tilespmem:s26+$0x74C0]  }
0xb2: {  	v39 =	vld [tilespmem:s26+$0x74D0];
	v12 =	vmax.f32 v12, $0.0e+00  }
0xb3: {  	v22 =	vld [tilespmem:s26+$0x74E0];
	[tilespmem:s25+$0x9480] =	vst v12  }
0xb4: {  	v12 =	vld [tilespmem:$0x5310]  }
0xb5: {  	v23 =	vld [tilespmem:$0x5390];
	_ =	sdelay $0x1  }
0xb6: {  	v24 =	vld [tilespmem:$0x5410];
	_ =	sdelay $0x2  }
0xb7: {  	v12 =	vmul.f32 v12, v14;
	v23 =	vmul.f32 v23, v13;
	_ =	sdelay $0x1  }
0xb8: {  	v40 =	vmul.f32 v24, v15;
	v12 =	vadd.f32 v23, v12;
	_ =	sdelay $0x1  }
0xb9: {  	v12 =	vadd.f32 v40, v12  }
0xba: {  	v11 =	vmax.f32 v11, v36  }
0xbb: {  	v11 =	vsub.f32 v11, v12;
	_ =	sdelay $0x1  }
0xbc: {  	v11 =	vmax.f32 v11, $0.0e+00  }
0xbd: {  	[tilespmem:s24+$0x9510] =	vst v11  }
0xbe: {  	v11 =	vld [tilespmem:$0x5320]  }
0xbf: {  	v41 =	vld [tilespmem:$0x53A0];
	_ =	sdelay $0x1  }
0xc0: {  	v42 =	vld [tilespmem:$0x5420];
	_ =	sdelay $0x2  }
0xc1: {  	v11 =	vmul.f32 v11, v14;
	v12 =	vmul.f32 v41, v13;
	_ =	sdelay $0x1  }
0xc2: {  	v43 =	vmul.f32 v42, v15;
	v11 =	vadd.f32 v12, v11;
	_ =	sdelay $0x1  }
0xc3: {  	v9 =	vmax.f32 v9, v10;
	v44 =	vadd.f32 v43, v11  }
0xc4: {  	v9 =	vmax.f32 v9, v21  }
0xc5: {  	v9 =	vsub.f32 v9, v44;
	_ =	sdelay $0x1  }
0xc6: {  	v9 =	vmax.f32 v9, $0.0e+00  }
0xc7: {  	[tilespmem:s24+$0x9520] =	vst v9  }
0xc8: {  	v9 =	vld [tilespmem:$0x5330]  }
0xc9: {  	v45 =	vld [tilespmem:$0x53B0];
	_ =	sdelay $0x1  }
0xca: {  	v46 =	vld [tilespmem:$0x5430];
	_ =	sdelay $0x2  }
0xcb: {  	v9 =	vmul.f32 v9, v14;
	v10 =	vmul.f32 v45, v13;
	_ =	sdelay $0x1  }
0xcc: {  	v47 =	vmul.f32 v46, v15;
	v9 =	vadd.f32 v10, v9;
	_ =	sdelay $0x1  }
0xcd: {  	v7 =	vmax.f32 v7, v8;
	v48 =	vadd.f32 v47, v9  }
0xce: {  	v7 =	vmax.f32 v7, v37  }
0xcf: {  	v7 =	vsub.f32 v7, v48;
	_ =	sdelay $0x1  }
0xd0: {  	v7 =	vmax.f32 v7, $0.0e+00  }
0xd1: {  	[tilespmem:s24+$0x9530] =	vst v7  }
0xd2: {  	v7 =	vld [tilespmem:$0x5340]  }
0xd3: {  	v49 =	vld [tilespmem:$0x53C0];
	_ =	sdelay $0x1  }
0xd4: {  	v50 =	vld [tilespmem:$0x5440];
	_ =	sdelay $0x2  }
0xd5: {  	v7 =	vmul.f32 v7, v14;
	v8 =	vmul.f32 v49, v13;
	_ =	sdelay $0x1  }
0xd6: {  	v51 =	vmul.f32 v50, v15;
	v7 =	vadd.f32 v8, v7;
	_ =	sdelay $0x1  }
0xd7: {  	v5 =	vmax.f32 v6, v5;
	v52 =	vadd.f32 v51, v7  }
0xd8: {  	v5 =	vmax.f32 v5, v38  }
0xd9: {  	v5 =	vsub.f32 v5, v52;
	_ =	sdelay $0x1  }
0xda: {  	v5 =	vmax.f32 v5, $0.0e+00  }
0xdb: {  	[tilespmem:s24+$0x9540] =	vst v5  }
0xdc: {  	v5 =	vld [tilespmem:$0x5350]  }
0xdd: {  	v53 =	vld [tilespmem:$0x53D0];
	_ =	sdelay $0x1  }
0xde: {  	v54 =	vld [tilespmem:$0x5450];
	_ =	sdelay $0x2  }
0xdf: {  	v5 =	vmul.f32 v5, v14;
	v6 =	vmul.f32 v53, v13;
	_ =	sdelay $0x1  }
0xe0: {  	v55 =	vmul.f32 v54, v15;
	v5 =	vadd.f32 v6, v5;
	_ =	sdelay $0x1  }
0xe1: {  	v3 =	vmax.f32 v3, v4;
	v56 =	vadd.f32 v55, v5  }
0xe2: {  	v3 =	vmax.f32 v3, v39  }
0xe3: {  	v3 =	vsub.f32 v3, v56;
	_ =	sdelay $0x1  }
0xe4: {  	v3 =	vmax.f32 v3, $0.0e+00  }
0xe5: {  	[tilespmem:s24+$0x9550] =	vst v3  }
0xe6: {  	v3 =	vld [tilespmem:$0x5360]  }
0xe7: {  	v57 =	vld [tilespmem:$0x53E0];
	_ =	sdelay $0x1  }
0xe8: {  	v58 =	vld [tilespmem:$0x5460];
	_ =	sdelay $0x2  }
0xe9: {  	v3 =	vmul.f32 v3, v14;
	v4 =	vmul.f32 v57, v13;
	_ =	sdelay $0x1  }
0xea: {  	v59 =	vmul.f32 v58, v15;
	v3 =	vadd.f32 v4, v3;
	_ =	sdelay $0x1  }
0xeb: {  	v1 =	vmax.f32 v1, v2;
	v60 =	vadd.f32 v59, v3  }
0xec: {  	v1 =	vmax.f32 v1, v22  }
0xed: {  	v1 =	vsub.f32 v1, v60;
	_ =	sdelay $0x1  }
0xee: {  	v1 =	vmax.f32 v1, $0.0e+00  }
0xef: {  	[tilespmem:s24+$0x9560] =	vst v1  }
0xf0: {  	v1 =	vld [tilespmem:$0x5370]  }
0xf1: {  	v61 =	vld [tilespmem:$0x53F0];
	_ =	sdelay $0x1  }
0xf2: {  	v62 =	vld [tilespmem:$0x5470];
	_ =	sdelay $0x2  }
0xf3: {  	v1 =	vmul.f32 v1, v14;
	v2 =	vmul.f32 v61, v13;
	_ =	sdelay $0x1  }
0xf4: {  	v63 =	vmul.f32 v62, v15;
	v1 =	vadd.f32 v2, v1  }
0xf5: {  	s23 =	sadd.s32 $0x1, s23  }
0xf6: {  	p0 =	sne.s32 s23, $0x50;
	v1 =	vadd.f32 v63, v1  }
.Ltmp2:
0xf7: {  	v0 =	vmax.f32 v0, v20;
	(pc) =	sbr.rel @p0 .LBB2_2-.Ltmp2, $3  }
0xf8: {  	v0 =	vsub.f32 v0, v1;
	_ =	sdelay $0x1  }
0xf9: {  	v0 =	vmax.f32 v0, $0.0e+00  }
0xfa: {  	[tilespmem:s24+$0x9570] =	vst v0  }
0xfb: {  	s22 =	sadd.s32 $0x1, s22  }
0xfc: {  	p0 =	sne.s32 s22, s10  }
.Ltmp3:
0xfd: {  	_ = 	snop;
	(pc) =	sbr.rel @p0 .LBB2_1-.Ltmp3, $4  }
0xfe: {  	[hbm4b:s5+s2] =	stream.linear.scatter [tilespmem:s21], [sflag:$0x3], $0x5000, $0x38;
	[tilespmem:$0xE480] =	vst v63  }
0xff: {  	_ =	swait.ge [sflag:s11], $0x5000  }
0x100: {  	[sflag:s11] =	ssyncset.done $0x0  }
0x101: {  	[sflag:s11] =	ssyncadd.s32 $0xFFFFB000  }
0x102: {  	_ =	sfence.sel $0x180000  }
0x103: {  	[bflag:$0x0] =	sbarrier.arrive $0xFFFF  }
0x104: {  	p0 =	sne.s32 s0, $0x0;
	_ =	strace $0x90000050  }
0x105: {  	s0 =	sadd.s32 @!p0 $0x100000, s1;
	[bflag:$0x2] =	sbarrier.arrive $0xFFFF  }
0x106: {  	[sflag:s0] =	ssyncadd.tile.s32 @!p0 $0x1;
	_ =	shalt  }
.Lfunc_end2:
_tile_overlayer_lowered:
.L_overlay_start_2:
0x107: {  	(tag) =	ssettag $0x2  }
0x108: {  	s0 =	rddreg [dreg:$0x0];
	s2 =	stileid.u32  }
0x109: {  	s1 =	rddreg [dreg:$0x1];
	p0 =	sne.s32 s2, $0x0  }
0x10a: {  	s3 =	rddreg [dreg:$0x2];
	[bflag:$0x3] =	sbarrier.arrive $0xFFFF;
	s2 =	simm.s32 @!p0 $0x1C03  }
0x10b: {  	[timem:s3], [sflag:s2] =	dma.local @!p0 [hbm:s0], s1  }
0x10c: {  	s0 =	simm.s32 @!p0 $0x3  }
0x10d: {  	_ =	swait.ge @!p0 [sflag:s0], s1  }
0x10e: {  	s1 =	ssub.s32 @!p0 $0x0, s1;
	[sflag:s0] =	ssyncset.done @!p0 $0x0  }
0x10f: {  	[sflag:s0] =	ssyncadd.s32 @!p0 s1  }
0x110: {  	[bflag:$0x3] =	sbarrier.arrive $0xFFFF  }
0x111: {  	_ =	shalt  }

</sc_bundles>
